<compile_context>
chip_gen: v7x
topology: tpu7x:2x2x1
jax: 0.10.2.dev20260603
libtpu: 0.0.44.dev20260713+nightly
codegen_flags: <defaults>
</compile_context>

<pallas_src>
import functools

import jax
import jax.numpy as jnp
from jax import lax
from jax.experimental import pallas as pl
from jax.experimental.pallas import tpu as pltpu
from jax.experimental.pallas import tpu_sc as plsc

VOCAB = 100000
EMBED = 64
HIDDEN = 128
NUM_CLASSES = 2
B = 4096
L = 200

NC = 2
NS = 16
NW = NC * NS
BPW = B // NW
C1 = 128
C2 = L - C1
NVEC = EMBED // 16
NBUF = 4


def _pool_body(x_hbm, emb_hbm, out_hbm, idx_v, rows_v, pooled_v, *sems):
    wid = lax.axis_index("s") * NC + lax.axis_index("c")
    base = wid * BPW

    pltpu.sync_copy(x_hbm.at[pl.ds(base, BPW)], idx_v)

    def copies(s, b):
        rbuf = rows_v.at[b]
        sem = sems[b]
        h1 = pltpu.make_async_copy(
            emb_hbm.at[idx_v.at[s, pl.ds(0, C1)]], rbuf.at[pl.ds(0, C1)], sem)
        h2 = pltpu.make_async_copy(
            emb_hbm.at[idx_v.at[s, pl.ds(C1, C2)]], rbuf.at[pl.ds(C1, C2)], sem)
        return (h1, h2)

    def fire(s, b):
        for h in copies(s, b):
            h.start()

    def drain(s, b):
        for h in copies(s, b):
            h.wait()

    def accum(s, b):
        rbuf = rows_v.at[b]

        def body(j, accs):
            return tuple(accs[i] + rbuf[j, pl.ds(16 * i, 16)]
                         for i in range(NVEC))

        accs = lax.fori_loop(
            0, L, body,
            tuple(jnp.zeros((16,), jnp.float32) for _ in range(NVEC)),
            unroll=8)
        inv = jnp.float32(1.0 / L)
        for i in range(NVEC):
            pooled_v[s, pl.ds(16 * i, 16)] = accs[i] * inv

    for b in range(NBUF):
        fire(b, b)

    def outer(g, carry):
        for b in range(NBUF):
            s = NBUF * g + b
            drain(s, b)

            @pl.when(s + NBUF < BPW)
            def _():
                fire(s + NBUF, b)

            accum(s, b)
        return carry

    lax.fori_loop(0, BPW // NBUF, outer, 0)

    pltpu.sync_copy(pooled_v, out_hbm.at[pl.ds(base, BPW)])


_pool = pl.kernel(
    _pool_body,
    out_type=jax.ShapeDtypeStruct((B, EMBED), jnp.float32),
    mesh=plsc.VectorSubcoreMesh(core_axis_name="c", subcore_axis_name="s",
                                num_cores=NC, num_subcores=NS),
    scratch_types=[
        pltpu.VMEM((BPW, L), jnp.int32),
        pltpu.VMEM((NBUF, L, EMBED), jnp.float32),
        pltpu.VMEM((BPW, EMBED), jnp.float32),
    ] + [pltpu.SemaphoreType.DMA] * NBUF,
    compiler_params=pltpu.CompilerParams(use_tc_tiling_on_sc=False),
)


def _mlp_body(p_ref, w1_ref, b1_ref, w2_ref, b2_ref, o_ref):
    p = p_ref[:]
    h = lax.dot_general(p, w1_ref[:], (((1,), (1,)), ((), ())),
                        preferred_element_type=jnp.float32)
    h = jnp.maximum(h + b1_ref[:], 0.0)
    o = lax.dot_general(h, w2_ref[:], (((1,), (1,)), ((), ())),
                        preferred_element_type=jnp.float32)
    o_ref[:] = o + b2_ref[:]


_mlp = pl.pallas_call(
    _mlp_body,
    out_shape=jax.ShapeDtypeStruct((B, NUM_CLASSES), jnp.float32),
)


def kernel(x, emb, W1, b1, W2, b2):
    x = x.astype(jnp.int32)
    pooled = _pool(x, emb)
    return _mlp(pooled, W1, b1.reshape(1, HIDDEN), W2, b2.reshape(1, NUM_CLASSES))

# --- scband reference (transcript-rebuilt; emitter-appended) ---
"""Pipeline reference for scband-simple-imdbclassifier-58574763983794 (READ-ONLY COPY).

The authoritative reference and input builder live on the scoring server;
editing this copy changes nothing except your own understanding.
"""

import jax, jax.numpy as jnp
import numpy as np

VOCAB = 100000
EMBED = 64
HIDDEN = 128
NUM_CLASSES = 2
B = 4096
L = 200


def setup_inputs(seed: int = 0) -> dict:
    key = jax.random.key(seed)
    k_x, k_emb, k_w1, k_b1, k_w2, k_b2 = jax.random.split(key, 6)
    x = jax.random.randint(k_x, (B, L), 0, VOCAB, dtype=jnp.int64 if jax.config.jax_enable_x64 else jnp.int32)
    emb = jax.random.normal(k_emb, (VOCAB, EMBED), dtype=jnp.float32) * 0.02
    # padding_idx=0: row 0 is zero
    emb = emb.at[0].set(0.0)
    W1 = jax.random.normal(k_w1, (HIDDEN, EMBED), dtype=jnp.float32) * (1.0 / np.sqrt(EMBED))
    b1 = jax.random.normal(k_b1, (HIDDEN,), dtype=jnp.float32) * 0.01
    W2 = jax.random.normal(k_w2, (NUM_CLASSES, HIDDEN), dtype=jnp.float32) * (1.0 / np.sqrt(HIDDEN))
    b2 = jax.random.normal(k_b2, (NUM_CLASSES,), dtype=jnp.float32) * 0.01
    return {"x": x, "emb": emb, "W1": W1, "b1": b1, "W2": W2, "b2": b2}


def reference(x, emb, W1, b1, W2, b2):
    # embedding lookup: [B, L, D]
    embedded = jnp.take(emb, x, axis=0)
    # permute(0,2,1) + AdaptiveAvgPool1d(1) + squeeze == mean over sequence dim
    pooled = jnp.mean(embedded, axis=1)  # [B, D]
    h = jnp.maximum(pooled @ W1.T + b1, 0.0)  # fc1 + relu
    # dropout is identity in eval mode
    out = h @ W2.T + b2  # fc2
    return out

if __name__ == "__main__":
    import jax
    _d = setup_inputs()
    print(jax.jit(kernel)(*tuple(_d.values())))

</pallas_src>

<mosaic_0001>
#map = affine_map<(d0, d1) -> (0, 0)>
module attributes {stable_mosaic.version = 14 : i64} {
  func.func @_pool_body(%arg0: i32, %arg1: i32, %arg2: memref<4096x200xi32, #tpu.memory_space<hbm>>, %arg3: memref<100000x64xf32, #tpu.memory_space<hbm>>, %arg4: memref<4096x64xf32, #tpu.memory_space<hbm>>, %arg5: memref<128x200xi32, #tpu.memory_space<vmem>>, %arg6: memref<4x200x64xf32, #tpu.memory_space<vmem>>, %arg7: memref<128x64xf32, #tpu.memory_space<vmem>>, %arg8: memref<!tpu.dma_semaphore, #tpu.memory_space<semaphore_mem>>, %arg9: memref<!tpu.dma_semaphore, #tpu.memory_space<semaphore_mem>>, %arg10: memref<!tpu.dma_semaphore, #tpu.memory_space<semaphore_mem>>, %arg11: memref<!tpu.dma_semaphore, #tpu.memory_space<semaphore_mem>>) attributes {dimension_semantics = [#tpu.dimension_semantics<core_parallel>, #tpu.dimension_semantics<subcore_parallel>], iteration_bounds = array<i64: 2, 16>, scalar_prefetch = 0 : i64, scratch_operands = 7 : i64, tpu.core_type = #tpu.core_type<sc_vector_subcore>, window_params = [{transform_indices = #map}, {transform_indices = #map}, {transform_indices = #map}]} {
    %mul3A = arith.constant 2 : i32
    %mul3A_0 = arith.muli %arg1, %mul3A : i32
    %add3A = arith.addi %mul3A_0, %arg0 : i32
    %mul3A_1 = arith.constant 128 : i32
    %mul3A_2 = arith.muli %add3A, %mul3A_1 : i32
    "tpu.region"() ({
      %run_scoped3A = tpu.sem_alloc : memref<!tpu.dma_semaphore, #tpu.memory_space<semaphore_mem>>
      %dma_start3A_127 = arith.constant 0 : i32
      %dma_start3A_128 = tpu.memref_slice %arg2[%mul3A_2, %dma_start3A_127] : memref<4096x200xi32, #tpu.memory_space<hbm>> -> memref<128x200xi32, #tpu.memory_space<hbm>>
      %dma_start3A_129 = arith.constant 0 : i32
      %dma_start3A_130 = tpu.memref_slice %arg2[%mul3A_2, %dma_start3A_129] : memref<4096x200xi32, #tpu.memory_space<hbm>> -> memref<128x200xi32, #tpu.memory_space<hbm>>
      tpu.enqueue_dma source(%dma_start3A_130 : memref<128x200xi32, #tpu.memory_space<hbm>>) target(%arg5 : memref<128x200xi32, #tpu.memory_space<vmem>>) target_semaphore(%run_scoped3A : memref<!tpu.dma_semaphore, #tpu.memory_space<semaphore_mem>>)
      %dma_wait3A = arith.constant 0 : i32
      %dma_wait3A_131 = tpu.memref_slice %arg2[%mul3A_2, %dma_wait3A] : memref<4096x200xi32, #tpu.memory_space<hbm>> -> memref<128x200xi32, #tpu.memory_space<hbm>>
      %dma_wait3A_132 = arith.constant 0 : i32
      %dma_wait3A_133 = tpu.memref_slice %arg2[%mul3A_2, %dma_wait3A_132] : memref<4096x200xi32, #tpu.memory_space<hbm>> -> memref<128x200xi32, #tpu.memory_space<hbm>>
      tpu.wait_dma2 semaphore(%run_scoped3A : memref<!tpu.dma_semaphore, #tpu.memory_space<semaphore_mem>>) src(%dma_wait3A_133 : memref<128x200xi32, #tpu.memory_space<hbm>>) dst(%arg5 : memref<128x200xi32, #tpu.memory_space<vmem>>)
      tpu.yield
    }) : () -> ()
    %dma_start3A = arith.constant 0 : i32
    %dma_start3A_3 = arith.constant 0 : i32
    %dma_start3A_4 = arith.constant 0 : i32
    %dma_start3A_5 = arith.constant 0 : i32
    %dma_start3A_6 = tpu.memref_slice %arg6[%dma_start3A_3, %dma_start3A_4, %dma_start3A_5] : memref<4x200x64xf32, #tpu.memory_space<vmem>> -> memref<1x200x64xf32, #tpu.memory_space<vmem>>
    %dma_start3A_7 = tpu.memref_squeeze %dma_start3A_6 : memref<1x200x64xf32, #tpu.memory_space<vmem>> -> memref<200x64xf32, #tpu.memory_space<vmem>>
    %dma_start3A_8 = arith.constant 0 : i32
    %dma_start3A_9 = arith.constant 0 : i32
    %dma_start3A_10 = tpu.memref_slice %dma_start3A_7[%dma_start3A_8, %dma_start3A_9] : memref<200x64xf32, #tpu.memory_space<vmem>> -> memref<128x64xf32, #tpu.memory_space<vmem>>
    %dma_start3A_11 = arith.constant 0 : i32
    %dma_start3A_12 = tpu.memref_slice %arg5[%dma_start3A, %dma_start3A_11] : memref<128x200xi32, #tpu.memory_space<vmem>> -> memref<1x128xi32, #tpu.memory_space<vmem>>
    %dma_start3A_13 = tpu.memref_squeeze %dma_start3A_12 : memref<1x128xi32, #tpu.memory_space<vmem>> -> memref<128xi32, #tpu.memory_space<vmem>>
    %dma_start3A_14 = arith.constant 0 : i32
    %dma_start3A_15 = arith.constant 0 : i32
    %dma_start3A_16 = tpu.memref_slice %arg3[%dma_start3A_14, %dma_start3A_15] : memref<100000x64xf32, #tpu.memory_space<hbm>> -> memref<100000x64xf32, #tpu.memory_space<hbm>>
    tpu.enqueue_indirect_dma source(%dma_start3A_16 : memref<100000x64xf32, #tpu.memory_space<hbm>>) target(%dma_start3A_10 : memref<128x64xf32, #tpu.memory_space<vmem>>) offsets(%dma_start3A_13 : memref<128xi32, #tpu.memory_space<vmem>>) semaphore(%arg8 : memref<!tpu.dma_semaphore, #tpu.memory_space<semaphore_mem>>)
    %dma_start3A_17 = arith.constant 0 : i32
    %dma_start3A_18 = arith.constant 0 : i32
    %dma_start3A_19 = arith.constant 0 : i32
    %dma_start3A_20 = arith.constant 0 : i32
    %dma_start3A_21 = tpu.memref_slice %arg6[%dma_start3A_18, %dma_start3A_19, %dma_start3A_20] : memref<4x200x64xf32, #tpu.memory_space<vmem>> -> memref<1x200x64xf32, #tpu.memory_space<vmem>>
    %dma_start3A_22 = tpu.memref_squeeze %dma_start3A_21 : memref<1x200x64xf32, #tpu.memory_space<vmem>> -> memref<200x64xf32, #tpu.memory_space<vmem>>
    %dma_start3A_23 = arith.constant 128 : i32
    %dma_start3A_24 = arith.constant 0 : i32
    %dma_start3A_25 = tpu.memref_slice %dma_start3A_22[%dma_start3A_23, %dma_start3A_24] : memref<200x64xf32, #tpu.memory_space<vmem>> -> memref<72x64xf32, #tpu.memory_space<vmem>>
    %dma_start3A_26 = arith.constant 128 : i32
    %dma_start3A_27 = tpu.memref_slice %arg5[%dma_start3A_17, %dma_start3A_26] : memref<128x200xi32, #tpu.memory_space<vmem>> -> memref<1x72xi32, #tpu.memory_space<vmem>>
    %dma_start3A_28 = tpu.memref_squeeze %dma_start3A_27 : memref<1x72xi32, #tpu.memory_space<vmem>> -> memref<72xi32, #tpu.memory_space<vmem>>
    %dma_start3A_29 = arith.constant 0 : i32
    %dma_start3A_30 = arith.constant 0 : i32
    %dma_start3A_31 = tpu.memref_slice %arg3[%dma_start3A_29, %dma_start3A_30] : memref<100000x64xf32, #tpu.memory_space<hbm>> -> memref<100000x64xf32, #tpu.memory_space<hbm>>
    tpu.enqueue_indirect_dma source(%dma_start3A_31 : memref<100000x64xf32, #tpu.memory_space<hbm>>) target(%dma_start3A_25 : memref<72x64xf32, #tpu.memory_space<vmem>>) offsets(%dma_start3A_28 : memref<72xi32, #tpu.memory_space<vmem>>) semaphore(%arg8 : memref<!tpu.dma_semaphore, #tpu.memory_space<semaphore_mem>>)
    %dma_start3A_32 = arith.constant 1 : i32
    %dma_start3A_33 = arith.constant 1 : i32
    %dma_start3A_34 = arith.constant 0 : i32
    %dma_start3A_35 = arith.constant 0 : i32
    %dma_start3A_36 = tpu.memref_slice %arg6[%dma_start3A_33, %dma_start3A_34, %dma_start3A_35] : memref<4x200x64xf32, #tpu.memory_space<vmem>> -> memref<1x200x64xf32, #tpu.memory_space<vmem>>
    %dma_start3A_37 = tpu.memref_squeeze %dma_start3A_36 : memref<1x200x64xf32, #tpu.memory_space<vmem>> -> memref<200x64xf32, #tpu.memory_space<vmem>>
    %dma_start3A_38 = arith.constant 0 : i32
    %dma_start3A_39 = arith.constant 0 : i32
    %dma_start3A_40 = tpu.memref_slice %dma_start3A_37[%dma_start3A_38, %dma_start3A_39] : memref<200x64xf32, #tpu.memory_space<vmem>> -> memref<128x64xf32, #tpu.memory_space<vmem>>
    %dma_start3A_41 = arith.constant 0 : i32
    %dma_start3A_42 = tpu.memref_slice %arg5[%dma_start3A_32, %dma_start3A_41] : memref<128x200xi32, #tpu.memory_space<vmem>> -> memref<1x128xi32, #tpu.memory_space<vmem>>
    %dma_start3A_43 = tpu.memref_squeeze %dma_start3A_42 : memref<1x128xi32, #tpu.memory_space<vmem>> -> memref<128xi32, #tpu.memory_space<vmem>>
    %dma_start3A_44 = arith.constant 0 : i32
    %dma_start3A_45 = arith.constant 0 : i32
    %dma_start3A_46 = tpu.memref_slice %arg3[%dma_start3A_44, %dma_start3A_45] : memref<100000x64xf32, #tpu.memory_space<hbm>> -> memref<100000x64xf32, #tpu.memory_space<hbm>>
    tpu.enqueue_indirect_dma source(%dma_start3A_46 : memref<100000x64xf32, #tpu.memory_space<hbm>>) target(%dma_start3A_40 : memref<128x64xf32, #tpu.memory_space<vmem>>) offsets(%dma_start3A_43 : memref<128xi32, #tpu.memory_space<vmem>>) semaphore(%arg9 : memref<!tpu.dma_semaphore, #tpu.memory_space<semaphore_mem>>)
    %dma_start3A_47 = arith.constant 1 : i32
    %dma_start3A_48 = arith.constant 1 : i32
    %dma_start3A_49 = arith.constant 0 : i32
    %dma_start3A_50 = arith.constant 0 : i32
    %dma_start3A_51 = tpu.memref_slice %arg6[%dma_start3A_48, %dma_start3A_49, %dma_start3A_50] : memref<4x200x64xf32, #tpu.memory_space<vmem>> -> memref<1x200x64xf32, #tpu.memory_space<vmem>>
    %dma_start3A_52 = tpu.memref_squeeze %dma_start3A_51 : memref<1x200x64xf32, #tpu.memory_space<vmem>> -> memref<200x64xf32, #tpu.memory_space<vmem>>
    %dma_start3A_53 = arith.constant 128 : i32
    %dma_start3A_54 = arith.constant 0 : i32
    %dma_start3A_55 = tpu.memref_slice %dma_start3A_52[%dma_start3A_53, %dma_start3A_54] : memref<200x64xf32, #tpu.memory_space<vmem>> -> memref<72x64xf32, #tpu.memory_space<vmem>>
    %dma_start3A_56 = arith.constant 128 : i32
    %dma_start3A_57 = tpu.memref_slice %arg5[%dma_start3A_47, %dma_start3A_56] : memref<128x200xi32, #tpu.memory_space<vmem>> -> memref<1x72xi32, #tpu.memory_space<vmem>>
    %dma_start3A_58 = tpu.memref_squeeze %dma_start3A_57 : memref<1x72xi32, #tpu.memory_space<vmem>> -> memref<72xi32, #tpu.memory_space<vmem>>
    %dma_start3A_59 = arith.constant 0 : i32
    %dma_start3A_60 = arith.constant 0 : i32
    %dma_start3A_61 = tpu.memref_slice %arg3[%dma_start3A_59, %dma_start3A_60] : memref<100000x64xf32, #tpu.memory_space<hbm>> -> memref<100000x64xf32, #tpu.memory_space<hbm>>
    tpu.enqueue_indirect_dma source(%dma_start3A_61 : memref<100000x64xf32, #tpu.memory_space<hbm>>) target(%dma_start3A_55 : memref<72x64xf32, #tpu.memory_space<vmem>>) offsets(%dma_start3A_58 : memref<72xi32, #tpu.memory_space<vmem>>) semaphore(%arg9 : memref<!tpu.dma_semaphore, #tpu.memory_space<semaphore_mem>>)
    %dma_start3A_62 = arith.constant 2 : i32
    %dma_start3A_63 = arith.constant 2 : i32
    %dma_start3A_64 = arith.constant 0 : i32
    %dma_start3A_65 = arith.constant 0 : i32
    %dma_start3A_66 = tpu.memref_slice %arg6[%dma_start3A_63, %dma_start3A_64, %dma_start3A_65] : memref<4x200x64xf32, #tpu.memory_space<vmem>> -> memref<1x200x64xf32, #tpu.memory_space<vmem>>
    %dma_start3A_67 = tpu.memref_squeeze %dma_start3A_66 : memref<1x200x64xf32, #tpu.memory_space<vmem>> -> memref<200x64xf32, #tpu.memory_space<vmem>>
    %dma_start3A_68 = arith.constant 0 : i32
    %dma_start3A_69 = arith.constant 0 : i32
    %dma_start3A_70 = tpu.memref_slice %dma_start3A_67[%dma_start3A_68, %dma_start3A_69] : memref<200x64xf32, #tpu.memory_space<vmem>> -> memref<128x64xf32, #tpu.memory_space<vmem>>
    %dma_start3A_71 = arith.constant 0 : i32
    %dma_start3A_72 = tpu.memref_slice %arg5[%dma_start3A_62, %dma_start3A_71] : memref<128x200xi32, #tpu.memory_space<vmem>> -> memref<1x128xi32, #tpu.memory_space<vmem>>
    %dma_start3A_73 = tpu.memref_squeeze %dma_start3A_72 : memref<1x128xi32, #tpu.memory_space<vmem>> -> memref<128xi32, #tpu.memory_space<vmem>>
    %dma_start3A_74 = arith.constant 0 : i32
    %dma_start3A_75 = arith.constant 0 : i32
    %dma_start3A_76 = tpu.memref_slice %arg3[%dma_start3A_74, %dma_start3A_75] : memref<100000x64xf32, #tpu.memory_space<hbm>> -> memref<100000x64xf32, #tpu.memory_space<hbm>>
    tpu.enqueue_indirect_dma source(%dma_start3A_76 : memref<100000x64xf32, #tpu.memory_space<hbm>>) target(%dma_start3A_70 : memref<128x64xf32, #tpu.memory_space<vmem>>) offsets(%dma_start3A_73 : memref<128xi32, #tpu.memory_space<vmem>>) semaphore(%arg10 : memref<!tpu.dma_semaphore, #tpu.memory_space<semaphore_mem>>)
    %dma_start3A_77 = arith.constant 2 : i32
    %dma_start3A_78 = arith.constant 2 : i32
    %dma_start3A_79 = arith.constant 0 : i32
    %dma_start3A_80 = arith.constant 0 : i32
    %dma_start3A_81 = tpu.memref_slice %arg6[%dma_start3A_78, %dma_start3A_79, %dma_start3A_80] : memref<4x200x64xf32, #tpu.memory_space<vmem>> -> memref<1x200x64xf32, #tpu.memory_space<vmem>>
    %dma_start3A_82 = tpu.memref_squeeze %dma_start3A_81 : memref<1x200x64xf32, #tpu.memory_space<vmem>> -> memref<200x64xf32, #tpu.memory_space<vmem>>
    %dma_start3A_83 = arith.constant 128 : i32
    %dma_start3A_84 = arith.constant 0 : i32
    %dma_start3A_85 = tpu.memref_slice %dma_start3A_82[%dma_start3A_83, %dma_start3A_84] : memref<200x64xf32, #tpu.memory_space<vmem>> -> memref<72x64xf32, #tpu.memory_space<vmem>>
    %dma_start3A_86 = arith.constant 128 : i32
    %dma_start3A_87 = tpu.memref_slice %arg5[%dma_start3A_77, %dma_start3A_86] : memref<128x200xi32, #tpu.memory_space<vmem>> -> memref<1x72xi32, #tpu.memory_space<vmem>>
    %dma_start3A_88 = tpu.memref_squeeze %dma_start3A_87 : memref<1x72xi32, #tpu.memory_space<vmem>> -> memref<72xi32, #tpu.memory_space<vmem>>
    %dma_start3A_89 = arith.constant 0 : i32
    %dma_start3A_90 = arith.constant 0 : i32
    %dma_start3A_91 = tpu.memref_slice %arg3[%dma_start3A_89, %dma_start3A_90] : memref<100000x64xf32, #tpu.memory_space<hbm>> -> memref<100000x64xf32, #tpu.memory_space<hbm>>
    tpu.enqueue_indirect_dma source(%dma_start3A_91 : memref<100000x64xf32, #tpu.memory_space<hbm>>) target(%dma_start3A_85 : memref<72x64xf32, #tpu.memory_space<vmem>>) offsets(%dma_start3A_88 : memref<72xi32, #tpu.memory_space<vmem>>) semaphore(%arg10 : memref<!tpu.dma_semaphore, #tpu.memory_space<semaphore_mem>>)
    %dma_start3A_92 = arith.constant 3 : i32
    %dma_start3A_93 = arith.constant 3 : i32
    %dma_start3A_94 = arith.constant 0 : i32
    %dma_start3A_95 = arith.constant 0 : i32
    %dma_start3A_96 = tpu.memref_slice %arg6[%dma_start3A_93, %dma_start3A_94, %dma_start3A_95] : memref<4x200x64xf32, #tpu.memory_space<vmem>> -> memref<1x200x64xf32, #tpu.memory_space<vmem>>
    %dma_start3A_97 = tpu.memref_squeeze %dma_start3A_96 : memref<1x200x64xf32, #tpu.memory_space<vmem>> -> memref<200x64xf32, #tpu.memory_space<vmem>>
    %dma_start3A_98 = arith.constant 0 : i32
    %dma_start3A_99 = arith.constant 0 : i32
    %dma_start3A_100 = tpu.memref_slice %dma_start3A_97[%dma_start3A_98, %dma_start3A_99] : memref<200x64xf32, #tpu.memory_space<vmem>> -> memref<128x64xf32, #tpu.memory_space<vmem>>
    %dma_start3A_101 = arith.constant 0 : i32
    %dma_start3A_102 = tpu.memref_slice %arg5[%dma_start3A_92, %dma_start3A_101] : memref<128x200xi32, #tpu.memory_space<vmem>> -> memref<1x128xi32, #tpu.memory_space<vmem>>
    %dma_start3A_103 = tpu.memref_squeeze %dma_start3A_102 : memref<1x128xi32, #tpu.memory_space<vmem>> -> memref<128xi32, #tpu.memory_space<vmem>>
    %dma_start3A_104 = arith.constant 0 : i32
    %dma_start3A_105 = arith.constant 0 : i32
    %dma_start3A_106 = tpu.memref_slice %arg3[%dma_start3A_104, %dma_start3A_105] : memref<100000x64xf32, #tpu.memory_space<hbm>> -> memref<100000x64xf32, #tpu.memory_space<hbm>>
    tpu.enqueue_indirect_dma source(%dma_start3A_106 : memref<100000x64xf32, #tpu.memory_space<hbm>>) target(%dma_start3A_100 : memref<128x64xf32, #tpu.memory_space<vmem>>) offsets(%dma_start3A_103 : memref<128xi32, #tpu.memory_space<vmem>>) semaphore(%arg11 : memref<!tpu.dma_semaphore, #tpu.memory_space<semaphore_mem>>)
    %dma_start3A_107 = arith.constant 3 : i32
    %dma_start3A_108 = arith.constant 3 : i32
    %dma_start3A_109 = arith.constant 0 : i32
    %dma_start3A_110 = arith.constant 0 : i32
    %dma_start3A_111 = tpu.memref_slice %arg6[%dma_start3A_108, %dma_start3A_109, %dma_start3A_110] : memref<4x200x64xf32, #tpu.memory_space<vmem>> -> memref<1x200x64xf32, #tpu.memory_space<vmem>>
    %dma_start3A_112 = tpu.memref_squeeze %dma_start3A_111 : memref<1x200x64xf32, #tpu.memory_space<vmem>> -> memref<200x64xf32, #tpu.memory_space<vmem>>
    %dma_start3A_113 = arith.constant 128 : i32
    %dma_start3A_114 = arith.constant 0 : i32
    %dma_start3A_115 = tpu.memref_slice %dma_start3A_112[%dma_start3A_113, %dma_start3A_114] : memref<200x64xf32, #tpu.memory_space<vmem>> -> memref<72x64xf32, #tpu.memory_space<vmem>>
    %dma_start3A_116 = arith.constant 128 : i32
    %dma_start3A_117 = tpu.memref_slice %arg5[%dma_start3A_107, %dma_start3A_116] : memref<128x200xi32, #tpu.memory_space<vmem>> -> memref<1x72xi32, #tpu.memory_space<vmem>>
    %dma_start3A_118 = tpu.memref_squeeze %dma_start3A_117 : memref<1x72xi32, #tpu.memory_space<vmem>> -> memref<72xi32, #tpu.memory_space<vmem>>
    %dma_start3A_119 = arith.constant 0 : i32
    %dma_start3A_120 = arith.constant 0 : i32
    %dma_start3A_121 = tpu.memref_slice %arg3[%dma_start3A_119, %dma_start3A_120] : memref<100000x64xf32, #tpu.memory_space<hbm>> -> memref<100000x64xf32, #tpu.memory_space<hbm>>
    tpu.enqueue_indirect_dma source(%dma_start3A_121 : memref<100000x64xf32, #tpu.memory_space<hbm>>) target(%dma_start3A_115 : memref<72x64xf32, #tpu.memory_space<vmem>>) offsets(%dma_start3A_118 : memref<72xi32, #tpu.memory_space<vmem>>) semaphore(%arg11 : memref<!tpu.dma_semaphore, #tpu.memory_space<semaphore_mem>>)
    %scan3A = arith.constant 0 : i32
    %scan3A_122 = arith.constant 0 : i32
    %scan3A_123 = arith.constant 32 : i32
    %scan3A_124 = arith.addi %scan3A_122, %scan3A_123 : i32
    %scan3A_125 = arith.constant 1 : i32
    scf.for %scan3A_127 = %scan3A_122 to %scan3A_124 step %scan3A_125  : i32 {
      %mul3A_128 = arith.constant 4 : i32
      %mul3A_129 = arith.muli %mul3A_128, %scan3A_127 : i32
      %add3A_130 = arith.constant 0 : i32
      %add3A_131 = arith.addi %mul3A_129, %add3A_130 : i32
      %dma_wait3A = arith.constant 0 : i32
      %dma_wait3A_132 = arith.constant 0 : i32
      %dma_wait3A_133 = arith.constant 0 : i32
      %dma_wait3A_134 = tpu.memref_slice %arg6[%dma_wait3A, %dma_wait3A_132, %dma_wait3A_133] : memref<4x200x64xf32, #tpu.memory_space<vmem>> -> memref<1x200x64xf32, #tpu.memory_space<vmem>>
      %dma_wait3A_135 = tpu.memref_squeeze %dma_wait3A_134 : memref<1x200x64xf32, #tpu.memory_space<vmem>> -> memref<200x64xf32, #tpu.memory_space<vmem>>
      %dma_wait3A_136 = arith.constant 0 : i32
      %dma_wait3A_137 = arith.constant 0 : i32
      %dma_wait3A_138 = tpu.memref_slice %dma_wait3A_135[%dma_wait3A_136, %dma_wait3A_137] : memref<200x64xf32, #tpu.memory_space<vmem>> -> memref<128x64xf32, #tpu.memory_space<vmem>>
      %dma_wait3A_139 = arith.constant 0 : i32
      %dma_wait3A_140 = tpu.memref_slice %arg5[%add3A_131, %dma_wait3A_139] : memref<128x200xi32, #tpu.memory_space<vmem>> -> memref<1x128xi32, #tpu.memory_space<vmem>>
      %dma_wait3A_141 = tpu.memref_squeeze %dma_wait3A_140 : memref<1x128xi32, #tpu.memory_space<vmem>> -> memref<128xi32, #tpu.memory_space<vmem>>
      %dma_wait3A_142 = arith.constant 0 : i32
      %dma_wait3A_143 = arith.constant 0 : i32
      %dma_wait3A_144 = tpu.memref_slice %arg3[%dma_wait3A_142, %dma_wait3A_143] : memref<100000x64xf32, #tpu.memory_space<hbm>> -> memref<100000x64xf32, #tpu.memory_space<hbm>>
      tpu.wait_indirect_dma semaphore(%arg8 : memref<!tpu.dma_semaphore, #tpu.memory_space<semaphore_mem>>) src(%dma_wait3A_144 : memref<100000x64xf32, #tpu.memory_space<hbm>>) dst(%dma_wait3A_138 : memref<128x64xf32, #tpu.memory_space<vmem>>)
      %dma_wait3A_145 = arith.constant 0 : i32
      %dma_wait3A_146 = arith.constant 0 : i32
      %dma_wait3A_147 = arith.constant 0 : i32
      %dma_wait3A_148 = tpu.memref_slice %arg6[%dma_wait3A_145, %dma_wait3A_146, %dma_wait3A_147] : memref<4x200x64xf32, #tpu.memory_space<vmem>> -> memref<1x200x64xf32, #tpu.memory_space<vmem>>
      %dma_wait3A_149 = tpu.memref_squeeze %dma_wait3A_148 : memref<1x200x64xf32, #tpu.memory_space<vmem>> -> memref<200x64xf32, #tpu.memory_space<vmem>>
      %dma_wait3A_150 = arith.constant 128 : i32
      %dma_wait3A_151 = arith.constant 0 : i32
      %dma_wait3A_152 = tpu.memref_slice %dma_wait3A_149[%dma_wait3A_150, %dma_wait3A_151] : memref<200x64xf32, #tpu.memory_space<vmem>> -> memref<72x64xf32, #tpu.memory_space<vmem>>
      %dma_wait3A_153 = arith.constant 128 : i32
      %dma_wait3A_154 = tpu.memref_slice %arg5[%add3A_131, %dma_wait3A_153] : memref<128x200xi32, #tpu.memory_space<vmem>> -> memref<1x72xi32, #tpu.memory_space<vmem>>
      %dma_wait3A_155 = tpu.memref_squeeze %dma_wait3A_154 : memref<1x72xi32, #tpu.memory_space<vmem>> -> memref<72xi32, #tpu.memory_space<vmem>>
      %dma_wait3A_156 = arith.constant 0 : i32
      %dma_wait3A_157 = arith.constant 0 : i32
      %dma_wait3A_158 = tpu.memref_slice %arg3[%dma_wait3A_156, %dma_wait3A_157] : memref<100000x64xf32, #tpu.memory_space<hbm>> -> memref<100000x64xf32, #tpu.memory_space<hbm>>
      tpu.wait_indirect_dma semaphore(%arg8 : memref<!tpu.dma_semaphore, #tpu.memory_space<semaphore_mem>>) src(%dma_wait3A_158 : memref<100000x64xf32, #tpu.memory_space<hbm>>) dst(%dma_wait3A_152 : memref<72x64xf32, #tpu.memory_space<vmem>>)
      %add3A_159 = arith.constant 4 : i32
      %add3A_160 = arith.addi %add3A_131, %add3A_159 : i32
      %lt3A = arith.constant 128 : i32
      %lt3A_161 = arith.cmpi slt, %add3A_160, %lt3A : i32
      %convert_element_type3A = arith.extui %lt3A_161 : i1 to i32
      %cond3A = arith.constant 0 : i32
      %cond3A_162 = arith.cmpi ne, %convert_element_type3A, %cond3A : i32
      scf.if %cond3A_162 {
        %add3A_466 = arith.constant 4 : i32
        %add3A_467 = arith.addi %add3A_131, %add3A_466 : i32
        %dma_start3A_468 = arith.constant 0 : i32
        %dma_start3A_469 = arith.constant 0 : i32
        %dma_start3A_470 = arith.constant 0 : i32
        %dma_start3A_471 = tpu.memref_slice %arg6[%dma_start3A_468, %dma_start3A_469, %dma_start3A_470] : memref<4x200x64xf32, #tpu.memory_space<vmem>> -> memref<1x200x64xf32, #tpu.memory_space<vmem>>
        %dma_start3A_472 = tpu.memref_squeeze %dma_start3A_471 : memref<1x200x64xf32, #tpu.memory_space<vmem>> -> memref<200x64xf32, #tpu.memory_space<vmem>>
        %dma_start3A_473 = arith.constant 0 : i32
        %dma_start3A_474 = arith.constant 0 : i32
        %dma_start3A_475 = tpu.memref_slice %dma_start3A_472[%dma_start3A_473, %dma_start3A_474] : memref<200x64xf32, #tpu.memory_space<vmem>> -> memref<128x64xf32, #tpu.memory_space<vmem>>
        %dma_start3A_476 = arith.constant 0 : i32
        %dma_start3A_477 = tpu.memref_slice %arg5[%add3A_467, %dma_start3A_476] : memref<128x200xi32, #tpu.memory_space<vmem>> -> memref<1x128xi32, #tpu.memory_space<vmem>>
        %dma_start3A_478 = tpu.memref_squeeze %dma_start3A_477 : memref<1x128xi32, #tpu.memory_space<vmem>> -> memref<128xi32, #tpu.memory_space<vmem>>
        %dma_start3A_479 = arith.constant 0 : i32
        %dma_start3A_480 = arith.constant 0 : i32
        %dma_start3A_481 = tpu.memref_slice %arg3[%dma_start3A_479, %dma_start3A_480] : memref<100000x64xf32, #tpu.memory_space<hbm>> -> memref<100000x64xf32, #tpu.memory_space<hbm>>
        tpu.enqueue_indirect_dma source(%dma_start3A_481 : memref<100000x64xf32, #tpu.memory_space<hbm>>) target(%dma_start3A_475 : memref<128x64xf32, #tpu.memory_space<vmem>>) offsets(%dma_start3A_478 : memref<128xi32, #tpu.memory_space<vmem>>) semaphore(%arg8 : memref<!tpu.dma_semaphore, #tpu.memory_space<semaphore_mem>>)
        %dma_start3A_482 = arith.constant 0 : i32
        %dma_start3A_483 = arith.constant 0 : i32
        %dma_start3A_484 = arith.constant 0 : i32
        %dma_start3A_485 = tpu.memref_slice %arg6[%dma_start3A_482, %dma_start3A_483, %dma_start3A_484] : memref<4x200x64xf32, #tpu.memory_space<vmem>> -> memref<1x200x64xf32, #tpu.memory_space<vmem>>
        %dma_start3A_486 = tpu.memref_squeeze %dma_start3A_485 : memref<1x200x64xf32, #tpu.memory_space<vmem>> -> memref<200x64xf32, #tpu.memory_space<vmem>>
        %dma_start3A_487 = arith.constant 128 : i32
        %dma_start3A_488 = arith.constant 0 : i32
        %dma_start3A_489 = tpu.memref_slice %dma_start3A_486[%dma_start3A_487, %dma_start3A_488] : memref<200x64xf32, #tpu.memory_space<vmem>> -> memref<72x64xf32, #tpu.memory_space<vmem>>
        %dma_start3A_490 = arith.constant 128 : i32
        %dma_start3A_491 = tpu.memref_slice %arg5[%add3A_467, %dma_start3A_490] : memref<128x200xi32, #tpu.memory_space<vmem>> -> memref<1x72xi32, #tpu.memory_space<vmem>>
        %dma_start3A_492 = tpu.memref_squeeze %dma_start3A_491 : memref<1x72xi32, #tpu.memory_space<vmem>> -> memref<72xi32, #tpu.memory_space<vmem>>
        %dma_start3A_493 = arith.constant 0 : i32
        %dma_start3A_494 = arith.constant 0 : i32
        %dma_start3A_495 = tpu.memref_slice %arg3[%dma_start3A_493, %dma_start3A_494] : memref<100000x64xf32, #tpu.memory_space<hbm>> -> memref<100000x64xf32, #tpu.memory_space<hbm>>
        tpu.enqueue_indirect_dma source(%dma_start3A_495 : memref<100000x64xf32, #tpu.memory_space<hbm>>) target(%dma_start3A_489 : memref<72x64xf32, #tpu.memory_space<vmem>>) offsets(%dma_start3A_492 : memref<72xi32, #tpu.memory_space<vmem>>) semaphore(%arg8 : memref<!tpu.dma_semaphore, #tpu.memory_space<semaphore_mem>>)
      } else {
      }
      %broadcast_in_dim3A = arith.constant 0.000000e+00 : f32
      %broadcast_in_dim3A_163 = vector.broadcast %broadcast_in_dim3A : f32 to vector<16xf32>
      %broadcast_in_dim3A_164 = arith.constant 0.000000e+00 : f32
      %broadcast_in_dim3A_165 = vector.broadcast %broadcast_in_dim3A_164 : f32 to vector<16xf32>
      %broadcast_in_dim3A_166 = arith.constant 0.000000e+00 : f32
      %broadcast_in_dim3A_167 = vector.broadcast %broadcast_in_dim3A_166 : f32 to vector<16xf32>
      %broadcast_in_dim3A_168 = arith.constant 0.000000e+00 : f32
      %broadcast_in_dim3A_169 = vector.broadcast %broadcast_in_dim3A_168 : f32 to vector<16xf32>
      %scan3A_170 = arith.constant 0 : i32
      %scan3A_171 = arith.constant 0 : i32
      %scan3A_172 = arith.constant 200 : i32
      %scan3A_173 = arith.addi %scan3A_171, %scan3A_172 : i32
      %scan3A_174 = arith.constant 8 : i32
      %scan3A_175:4 = scf.for %scan3A_466 = %scan3A_171 to %scan3A_173 step %scan3A_174 iter_args(%scan3A_467 = %broadcast_in_dim3A_163, %scan3A_468 = %broadcast_in_dim3A_165, %scan3A_469 = %broadcast_in_dim3A_167, %scan3A_470 = %broadcast_in_dim3A_169) -> (vector<16xf32>, vector<16xf32>, vector<16xf32>, vector<16xf32>)  : i32 {
        %get3A = arith.constant 0 : i32
        %get3A_471 = arith.constant 0 : i32
        %get3A_472 = tpu.memref_slice %arg6[%scan3A_170, %get3A, %get3A_471] : memref<4x200x64xf32, #tpu.memory_space<vmem>> -> memref<1x200x64xf32, #tpu.memory_space<vmem>>
        %get3A_473 = tpu.memref_squeeze %get3A_472 : memref<1x200x64xf32, #tpu.memory_space<vmem>> -> memref<200x64xf32, #tpu.memory_space<vmem>>
        %get3A_474 = arith.index_cast %scan3A_466 : i32 to index
        %get3A_475 = arith.constant 0 : index
        %get3A_476 = tpu.vector_load %get3A_473[%get3A_474, %get3A_475] {strides = array<i32>} : memref<200x64xf32, #tpu.memory_space<vmem>>, vector<1x16xf32>,
        %get3A_477 = vector.shape_cast %get3A_476 : vector<1x16xf32> to vector<16xf32>
        %add3A_478 = arith.addf %scan3A_467, %get3A_477 : vector<16xf32>
        %get3A_479 = arith.constant 0 : i32
        %get3A_480 = arith.constant 0 : i32
        %get3A_481 = tpu.memref_slice %arg6[%scan3A_170, %get3A_479, %get3A_480] : memref<4x200x64xf32, #tpu.memory_space<vmem>> -> memref<1x200x64xf32, #tpu.memory_space<vmem>>
        %get3A_482 = tpu.memref_squeeze %get3A_481 : memref<1x200x64xf32, #tpu.memory_space<vmem>> -> memref<200x64xf32, #tpu.memory_space<vmem>>
        %get3A_483 = arith.index_cast %scan3A_466 : i32 to index
        %get3A_484 = arith.constant 16 : index
        %get3A_485 = tpu.vector_load %get3A_482[%get3A_483, %get3A_484] {strides = array<i32>} : memref<200x64xf32, #tpu.memory_space<vmem>>, vector<1x16xf32>,
        %get3A_486 = vector.shape_cast %get3A_485 : vector<1x16xf32> to vector<16xf32>
        %add3A_487 = arith.addf %scan3A_468, %get3A_486 : vector<16xf32>
        %get3A_488 = arith.constant 0 : i32
        %get3A_489 = arith.constant 0 : i32
        %get3A_490 = tpu.memref_slice %arg6[%scan3A_170, %get3A_488, %get3A_489] : memref<4x200x64xf32, #tpu.memory_space<vmem>> -> memref<1x200x64xf32, #tpu.memory_space<vmem>>
        %get3A_491 = tpu.memref_squeeze %get3A_490 : memref<1x200x64xf32, #tpu.memory_space<vmem>> -> memref<200x64xf32, #tpu.memory_space<vmem>>
        %get3A_492 = arith.index_cast %scan3A_466 : i32 to index
        %get3A_493 = arith.constant 32 : index
        %get3A_494 = tpu.vector_load %get3A_491[%get3A_492, %get3A_493] {strides = array<i32>} : memref<200x64xf32, #tpu.memory_space<vmem>>, vector<1x16xf32>,
        %get3A_495 = vector.shape_cast %get3A_494 : vector<1x16xf32> to vector<16xf32>
        %add3A_496 = arith.addf %scan3A_469, %get3A_495 : vector<16xf32>
        %get3A_497 = arith.constant 0 : i32
        %get3A_498 = arith.constant 0 : i32
        %get3A_499 = tpu.memref_slice %arg6[%scan3A_170, %get3A_497, %get3A_498] : memref<4x200x64xf32, #tpu.memory_space<vmem>> -> memref<1x200x64xf32, #tpu.memory_space<vmem>>
        %get3A_500 = tpu.memref_squeeze %get3A_499 : memref<1x200x64xf32, #tpu.memory_space<vmem>> -> memref<200x64xf32, #tpu.memory_space<vmem>>
        %get3A_501 = arith.index_cast %scan3A_466 : i32 to index
        %get3A_502 = arith.constant 48 : index
        %get3A_503 = tpu.vector_load %get3A_500[%get3A_501, %get3A_502] {strides = array<i32>} : memref<200x64xf32, #tpu.memory_space<vmem>>, vector<1x16xf32>,
        %get3A_504 = vector.shape_cast %get3A_503 : vector<1x16xf32> to vector<16xf32>
        %add3A_505 = arith.addf %scan3A_470, %get3A_504 : vector<16xf32>
        %scan3A_506 = arith.constant 1 : i32
        %scan3A_507 = arith.addi %scan3A_466, %scan3A_506 : i32
        %get3A_508 = arith.constant 0 : i32
        %get3A_509 = arith.constant 0 : i32
        %get3A_510 = tpu.memref_slice %arg6[%scan3A_170, %get3A_508, %get3A_509] : memref<4x200x64xf32, #tpu.memory_space<vmem>> -> memref<1x200x64xf32, #tpu.memory_space<vmem>>
        %get3A_511 = tpu.memref_squeeze %get3A_510 : memref<1x200x64xf32, #tpu.memory_space<vmem>> -> memref<200x64xf32, #tpu.memory_space<vmem>>
        %get3A_512 = arith.index_cast %scan3A_507 : i32 to index
        %get3A_513 = arith.constant 0 : index
        %get3A_514 = tpu.vector_load %get3A_511[%get3A_512, %get3A_513] {strides = array<i32>} : memref<200x64xf32, #tpu.memory_space<vmem>>, vector<1x16xf32>,
        %get3A_515 = vector.shape_cast %get3A_514 : vector<1x16xf32> to vector<16xf32>
        %add3A_516 = arith.addf %add3A_478, %get3A_515 : vector<16xf32>
        %get3A_517 = arith.constant 0 : i32
        %get3A_518 = arith.constant 0 : i32
        %get3A_519 = tpu.memref_slice %arg6[%scan3A_170, %get3A_517, %get3A_518] : memref<4x200x64xf32, #tpu.memory_space<vmem>> -> memref<1x200x64xf32, #tpu.memory_space<vmem>>
        %get3A_520 = tpu.memref_squeeze %get3A_519 : memref<1x200x64xf32, #tpu.memory_space<vmem>> -> memref<200x64xf32, #tpu.memory_space<vmem>>
        %get3A_521 = arith.index_cast %scan3A_507 : i32 to index
        %get3A_522 = arith.constant 16 : index
        %get3A_523 = tpu.vector_load %get3A_520[%get3A_521, %get3A_522] {strides = array<i32>} : memref<200x64xf32, #tpu.memory_space<vmem>>, vector<1x16xf32>,
        %get3A_524 = vector.shape_cast %get3A_523 : vector<1x16xf32> to vector<16xf32>
        %add3A_525 = arith.addf %add3A_487, %get3A_524 : vector<16xf32>
        %get3A_526 = arith.constant 0 : i32
        %get3A_527 = arith.constant 0 : i32
        %get3A_528 = tpu.memref_slice %arg6[%scan3A_170, %get3A_526, %get3A_527] : memref<4x200x64xf32, #tpu.memory_space<vmem>> -> memref<1x200x64xf32, #tpu.memory_space<vmem>>
        %get3A_529 = tpu.memref_squeeze %get3A_528 : memref<1x200x64xf32, #tpu.memory_space<vmem>> -> memref<200x64xf32, #tpu.memory_space<vmem>>
        %get3A_530 = arith.index_cast %scan3A_507 : i32 to index
        %get3A_531 = arith.constant 32 : index
        %get3A_532 = tpu.vector_load %get3A_529[%get3A_530, %get3A_531] {strides = array<i32>} : memref<200x64xf32, #tpu.memory_space<vmem>>, vector<1x16xf32>,
        %get3A_533 = vector.shape_cast %get3A_532 : vector<1x16xf32> to vector<16xf32>
        %add3A_534 = arith.addf %add3A_496, %get3A_533 : vector<16xf32>
        %get3A_535 = arith.constant 0 : i32
        %get3A_536 = arith.constant 0 : i32
        %get3A_537 = tpu.memref_slice %arg6[%scan3A_170, %get3A_535, %get3A_536] : memref<4x200x64xf32, #tpu.memory_space<vmem>> -> memref<1x200x64xf32, #tpu.memory_space<vmem>>
        %get3A_538 = tpu.memref_squeeze %get3A_537 : memref<1x200x64xf32, #tpu.memory_space<vmem>> -> memref<200x64xf32, #tpu.memory_space<vmem>>
        %get3A_539 = arith.index_cast %scan3A_507 : i32 to index
        %get3A_540 = arith.constant 48 : index
        %get3A_541 = tpu.vector_load %get3A_538[%get3A_539, %get3A_540] {strides = array<i32>} : memref<200x64xf32, #tpu.memory_space<vmem>>, vector<1x16xf32>,
        %get3A_542 = vector.shape_cast %get3A_541 : vector<1x16xf32> to vector<16xf32>
        %add3A_543 = arith.addf %add3A_505, %get3A_542 : vector<16xf32>
        %scan3A_544 = arith.constant 2 : i32
        %scan3A_545 = arith.addi %scan3A_466, %scan3A_544 : i32
        %get3A_546 = arith.constant 0 : i32
        %get3A_547 = arith.constant 0 : i32
        %get3A_548 = tpu.memref_slice %arg6[%scan3A_170, %get3A_546, %get3A_547] : memref<4x200x64xf32, #tpu.memory_space<vmem>> -> memref<1x200x64xf32, #tpu.memory_space<vmem>>
        %get3A_549 = tpu.memref_squeeze %get3A_548 : memref<1x200x64xf32, #tpu.memory_space<vmem>> -> memref<200x64xf32, #tpu.memory_space<vmem>>
        %get3A_550 = arith.index_cast %scan3A_545 : i32 to index
        %get3A_551 = arith.constant 0 : index
        %get3A_552 = tpu.vector_load %get3A_549[%get3A_550, %get3A_551] {strides = array<i32>} : memref<200x64xf32, #tpu.memory_space<vmem>>, vector<1x16xf32>,
        %get3A_553 = vector.shape_cast %get3A_552 : vector<1x16xf32> to vector<16xf32>
        %add3A_554 = arith.addf %add3A_516, %get3A_553 : vector<16xf32>
        %get3A_555 = arith.constant 0 : i32
        %get3A_556 = arith.constant 0 : i32
        %get3A_557 = tpu.memref_slice %arg6[%scan3A_170, %get3A_555, %get3A_556] : memref<4x200x64xf32, #tpu.memory_space<vmem>> -> memref<1x200x64xf32, #tpu.memory_space<vmem>>
        %get3A_558 = tpu.memref_squeeze %get3A_557 : memref<1x200x64xf32, #tpu.memory_space<vmem>> -> memref<200x64xf32, #tpu.memory_space<vmem>>
        %get3A_559 = arith.index_cast %scan3A_545 : i32 to index
        %get3A_560 = arith.constant 16 : index
        %get3A_561 = tpu.vector_load %get3A_558[%get3A_559, %get3A_560] {strides = array<i32>} : memref<200x64xf32, #tpu.memory_space<vmem>>, vector<1x16xf32>,
        %get3A_562 = vector.shape_cast %get3A_561 : vector<1x16xf32> to vector<16xf32>
        %add3A_563 = arith.addf %add3A_525, %get3A_562 : vector<16xf32>
        %get3A_564 = arith.constant 0 : i32
        %get3A_565 = arith.constant 0 : i32
        %get3A_566 = tpu.memref_slice %arg6[%scan3A_170, %get3A_564, %get3A_565] : memref<4x200x64xf32, #tpu.memory_space<vmem>> -> memref<1x200x64xf32, #tpu.memory_space<vmem>>
        %get3A_567 = tpu.memref_squeeze %get3A_566 : memref<1x200x64xf32, #tpu.memory_space<vmem>> -> memref<200x64xf32, #tpu.memory_space<vmem>>
        %get3A_568 = arith.index_cast %scan3A_545 : i32 to index
        %get3A_569 = arith.constant 32 : index
        %get3A_570 = tpu.vector_load %get3A_567[%get3A_568, %get3A_569] {strides = array<i32>} : memref<200x64xf32, #tpu.memory_space<vmem>>, vector<1x16xf32>,
        %get3A_571 = vector.shape_cast %get3A_570 : vector<1x16xf32> to vector<16xf32>
        %add3A_572 = arith.addf %add3A_534, %get3A_571 : vector<16xf32>
        %get3A_573 = arith.constant 0 : i32
        %get3A_574 = arith.constant 0 : i32
        %get3A_575 = tpu.memref_slice %arg6[%scan3A_170, %get3A_573, %get3A_574] : memref<4x200x64xf32, #tpu.memory_space<vmem>> -> memref<1x200x64xf32, #tpu.memory_space<vmem>>
        %get3A_576 = tpu.memref_squeeze %get3A_575 : memref<1x200x64xf32, #tpu.memory_space<vmem>> -> memref<200x64xf32, #tpu.memory_space<vmem>>
        %get3A_577 = arith.index_cast %scan3A_545 : i32 to index
        %get3A_578 = arith.constant 48 : index
        %get3A_579 = tpu.vector_load %get3A_576[%get3A_577, %get3A_578] {strides = array<i32>} : memref<200x64xf32, #tpu.memory_space<vmem>>, vector<1x16xf32>,
        %get3A_580 = vector.shape_cast %get3A_579 : vector<1x16xf32> to vector<16xf32>
        %add3A_581 = arith.addf %add3A_543, %get3A_580 : vector<16xf32>
        %scan3A_582 = arith.constant 3 : i32
        %scan3A_583 = arith.addi %scan3A_466, %scan3A_582 : i32
        %get3A_584 = arith.constant 0 : i32
        %get3A_585 = arith.constant 0 : i32
        %get3A_586 = tpu.memref_slice %arg6[%scan3A_170, %get3A_584, %get3A_585] : memref<4x200x64xf32, #tpu.memory_space<vmem>> -> memref<1x200x64xf32, #tpu.memory_space<vmem>>
        %get3A_587 = tpu.memref_squeeze %get3A_586 : memref<1x200x64xf32, #tpu.memory_space<vmem>> -> memref<200x64xf32, #tpu.memory_space<vmem>>
        %get3A_588 = arith.index_cast %scan3A_583 : i32 to index
        %get3A_589 = arith.constant 0 : index
        %get3A_590 = tpu.vector_load %get3A_587[%get3A_588, %get3A_589] {strides = array<i32>} : memref<200x64xf32, #tpu.memory_space<vmem>>, vector<1x16xf32>,
        %get3A_591 = vector.shape_cast %get3A_590 : vector<1x16xf32> to vector<16xf32>
        %add3A_592 = arith.addf %add3A_554, %get3A_591 : vector<16xf32>
        %get3A_593 = arith.constant 0 : i32
        %get3A_594 = arith.constant 0 : i32
        %get3A_595 = tpu.memref_slice %arg6[%scan3A_170, %get3A_593, %get3A_594] : memref<4x200x64xf32, #tpu.memory_space<vmem>> -> memref<1x200x64xf32, #tpu.memory_space<vmem>>
        %get3A_596 = tpu.memref_squeeze %get3A_595 : memref<1x200x64xf32, #tpu.memory_space<vmem>> -> memref<200x64xf32, #tpu.memory_space<vmem>>
        %get3A_597 = arith.index_cast %scan3A_583 : i32 to index
        %get3A_598 = arith.constant 16 : index
        %get3A_599 = tpu.vector_load %get3A_596[%get3A_597, %get3A_598] {strides = array<i32>} : memref<200x64xf32, #tpu.memory_space<vmem>>, vector<1x16xf32>,
        %get3A_600 = vector.shape_cast %get3A_599 : vector<1x16xf32> to vector<16xf32>
        %add3A_601 = arith.addf %add3A_563, %get3A_600 : vector<16xf32>
        %get3A_602 = arith.constant 0 : i32
        %get3A_603 = arith.constant 0 : i32
        %get3A_604 = tpu.memref_slice %arg6[%scan3A_170, %get3A_602, %get3A_603] : memref<4x200x64xf32, #tpu.memory_space<vmem>> -> memref<1x200x64xf32, #tpu.memory_space<vmem>>
        %get3A_605 = tpu.memref_squeeze %get3A_604 : memref<1x200x64xf32, #tpu.memory_space<vmem>> -> memref<200x64xf32, #tpu.memory_space<vmem>>
        %get3A_606 = arith.index_cast %scan3A_583 : i32 to index
        %get3A_607 = arith.constant 32 : index
        %get3A_608 = tpu.vector_load %get3A_605[%get3A_606, %get3A_607] {strides = array<i32>} : memref<200x64xf32, #tpu.memory_space<vmem>>, vector<1x16xf32>,
        %get3A_609 = vector.shape_cast %get3A_608 : vector<1x16xf32> to vector<16xf32>
        %add3A_610 = arith.addf %add3A_572, %get3A_609 : vector<16xf32>
        %get3A_611 = arith.constant 0 : i32
        %get3A_612 = arith.constant 0 : i32
        %get3A_613 = tpu.memref_slice %arg6[%scan3A_170, %get3A_611, %get3A_612] : memref<4x200x64xf32, #tpu.memory_space<vmem>> -> memref<1x200x64xf32, #tpu.memory_space<vmem>>
        %get3A_614 = tpu.memref_squeeze %get3A_613 : memref<1x200x64xf32, #tpu.memory_space<vmem>> -> memref<200x64xf32, #tpu.memory_space<vmem>>
        %get3A_615 = arith.index_cast %scan3A_583 : i32 to index
        %get3A_616 = arith.constant 48 : index
        %get3A_617 = tpu.vector_load %get3A_614[%get3A_615, %get3A_616] {strides = array<i32>} : memref<200x64xf32, #tpu.memory_space<vmem>>, vector<1x16xf32>,
        %get3A_618 = vector.shape_cast %get3A_617 : vector<1x16xf32> to vector<16xf32>
        %add3A_619 = arith.addf %add3A_581, %get3A_618 : vector<16xf32>
        %scan3A_620 = arith.constant 4 : i32
        %scan3A_621 = arith.addi %scan3A_466, %scan3A_620 : i32
        %get3A_622 = arith.constant 0 : i32
        %get3A_623 = arith.constant 0 : i32
        %get3A_624 = tpu.memref_slice %arg6[%scan3A_170, %get3A_622, %get3A_623] : memref<4x200x64xf32, #tpu.memory_space<vmem>> -> memref<1x200x64xf32, #tpu.memory_space<vmem>>
        %get3A_625 = tpu.memref_squeeze %get3A_624 : memref<1x200x64xf32, #tpu.memory_space<vmem>> -> memref<200x64xf32, #tpu.memory_space<vmem>>
        %get3A_626 = arith.index_cast %scan3A_621 : i32 to index
        %get3A_627 = arith.constant 0 : index
        %get3A_628 = tpu.vector_load %get3A_625[%get3A_626, %get3A_627] {strides = array<i32>} : memref<200x64xf32, #tpu.memory_space<vmem>>, vector<1x16xf32>,
        %get3A_629 = vector.shape_cast %get3A_628 : vector<1x16xf32> to vector<16xf32>
        %add3A_630 = arith.addf %add3A_592, %get3A_629 : vector<16xf32>
        %get3A_631 = arith.constant 0 : i32
        %get3A_632 = arith.constant 0 : i32
        %get3A_633 = tpu.memref_slice %arg6[%scan3A_170, %get3A_631, %get3A_632] : memref<4x200x64xf32, #tpu.memory_space<vmem>> -> memref<1x200x64xf32, #tpu.memory_space<vmem>>
        %get3A_634 = tpu.memref_squeeze %get3A_633 : memref<1x200x64xf32, #tpu.memory_space<vmem>> -> memref<200x64xf32, #tpu.memory_space<vmem>>
        %get3A_635 = arith.index_cast %scan3A_621 : i32 to index
        %get3A_636 = arith.constant 16 : index
        %get3A_637 = tpu.vector_load %get3A_634[%get3A_635, %get3A_636] {strides = array<i32>} : memref<200x64xf32, #tpu.memory_space<vmem>>, vector<1x16xf32>,
        %get3A_638 = vector.shape_cast %get3A_637 : vector<1x16xf32> to vector<16xf32>
        %add3A_639 = arith.addf %add3A_601, %get3A_638 : vector<16xf32>
        %get3A_640 = arith.constant 0 : i32
        %get3A_641 = arith.constant 0 : i32
        %get3A_642 = tpu.memref_slice %arg6[%scan3A_170, %get3A_640, %get3A_641] : memref<4x200x64xf32, #tpu.memory_space<vmem>> -> memref<1x200x64xf32, #tpu.memory_space<vmem>>
        %get3A_643 = tpu.memref_squeeze %get3A_642 : memref<1x200x64xf32, #tpu.memory_space<vmem>> -> memref<200x64xf32, #tpu.memory_space<vmem>>
        %get3A_644 = arith.index_cast %scan3A_621 : i32 to index
        %get3A_645 = arith.constant 32 : index
        %get3A_646 = tpu.vector_load %get3A_643[%get3A_644, %get3A_645] {strides = array<i32>} : memref<200x64xf32, #tpu.memory_space<vmem>>, vector<1x16xf32>,
        %get3A_647 = vector.shape_cast %get3A_646 : vector<1x16xf32> to vector<16xf32>
        %add3A_648 = arith.addf %add3A_610, %get3A_647 : vector<16xf32>
        %get3A_649 = arith.constant 0 : i32
        %get3A_650 = arith.constant 0 : i32
        %get3A_651 = tpu.memref_slice %arg6[%scan3A_170, %get3A_649, %get3A_650] : memref<4x200x64xf32, #tpu.memory_space<vmem>> -> memref<1x200x64xf32, #tpu.memory_space<vmem>>
        %get3A_652 = tpu.memref_squeeze %get3A_651 : memref<1x200x64xf32, #tpu.memory_space<vmem>> -> memref<200x64xf32, #tpu.memory_space<vmem>>
        %get3A_653 = arith.index_cast %scan3A_621 : i32 to index
        %get3A_654 = arith.constant 48 : index
        %get3A_655 = tpu.vector_load %get3A_652[%get3A_653, %get3A_654] {strides = array<i32>} : memref<200x64xf32, #tpu.memory_space<vmem>>, vector<1x16xf32>,
        %get3A_656 = vector.shape_cast %get3A_655 : vector<1x16xf32> to vector<16xf32>
        %add3A_657 = arith.addf %add3A_619, %get3A_656 : vector<16xf32>
        %scan3A_658 = arith.constant 5 : i32
        %scan3A_659 = arith.addi %scan3A_466, %scan3A_658 : i32
        %get3A_660 = arith.constant 0 : i32
        %get3A_661 = arith.constant 0 : i32
        %get3A_662 = tpu.memref_slice %arg6[%scan3A_170, %get3A_660, %get3A_661] : memref<4x200x64xf32, #tpu.memory_space<vmem>> -> memref<1x200x64xf32, #tpu.memory_space<vmem>>
        %get3A_663 = tpu.memref_squeeze %get3A_662 : memref<1x200x64xf32, #tpu.memory_space<vmem>> -> memref<200x64xf32, #tpu.memory_space<vmem>>
        %get3A_664 = arith.index_cast %scan3A_659 : i32 to index
        %get3A_665 = arith.constant 0 : index
        %get3A_666 = tpu.vector_load %get3A_663[%get3A_664, %get3A_665] {strides = array<i32>} : memref<200x64xf32, #tpu.memory_space<vmem>>, vector<1x16xf32>,
        %get3A_667 = vector.shape_cast %get3A_666 : vector<1x16xf32> to vector<16xf32>
        %add3A_668 = arith.addf %add3A_630, %get3A_667 : vector<16xf32>
        %get3A_669 = arith.constant 0 : i32
        %get3A_670 = arith.constant 0 : i32
        %get3A_671 = tpu.memref_slice %arg6[%scan3A_170, %get3A_669, %get3A_670] : memref<4x200x64xf32, #tpu.memory_space<vmem>> -> memref<1x200x64xf32, #tpu.memory_space<vmem>>
        %get3A_672 = tpu.memref_squeeze %get3A_671 : memref<1x200x64xf32, #tpu.memory_space<vmem>> -> memref<200x64xf32, #tpu.memory_space<vmem>>
        %get3A_673 = arith.index_cast %scan3A_659 : i32 to index
        %get3A_674 = arith.constant 16 : index
        %get3A_675 = tpu.vector_load %get3A_672[%get3A_673, %get3A_674] {strides = array<i32>} : memref<200x64xf32, #tpu.memory_space<vmem>>, vector<1x16xf32>,
        %get3A_676 = vector.shape_cast %get3A_675 : vector<1x16xf32> to vector<16xf32>
        %add3A_677 = arith.addf %add3A_639, %get3A_676 : vector<16xf32>
        %get3A_678 = arith.constant 0 : i32
        %get3A_679 = arith.constant 0 : i32
        %get3A_680 = tpu.memref_slice %arg6[%scan3A_170, %get3A_678, %get3A_679] : memref<4x200x64xf32, #tpu.memory_space<vmem>> -> memref<1x200x64xf32, #tpu.memory_space<vmem>>
        %get3A_681 = tpu.memref_squeeze %get3A_680 : memref<1x200x64xf32, #tpu.memory_space<vmem>> -> memref<200x64xf32, #tpu.memory_space<vmem>>
        %get3A_682 = arith.index_cast %scan3A_659 : i32 to index
        %get3A_683 = arith.constant 32 : index
        %get3A_684 = tpu.vector_load %get3A_681[%get3A_682, %get3A_683] {strides = array<i32>} : memref<200x64xf32, #tpu.memory_space<vmem>>, vector<1x16xf32>,
        %get3A_685 = vector.shape_cast %get3A_684 : vector<1x16xf32> to vector<16xf32>
        %add3A_686 = arith.addf %add3A_648, %get3A_685 : vector<16xf32>
        %get3A_687 = arith.constant 0 : i32
        %get3A_688 = arith.constant 0 : i32
        %get3A_689 = tpu.memref_slice %arg6[%scan3A_170, %get3A_687, %get3A_688] : memref<4x200x64xf32, #tpu.memory_space<vmem>> -> memref<1x200x64xf32, #tpu.memory_space<vmem>>
        %get3A_690 = tpu.memref_squeeze %get3A_689 : memref<1x200x64xf32, #tpu.memory_space<vmem>> -> memref<200x64xf32, #tpu.memory_space<vmem>>
        %get3A_691 = arith.index_cast %scan3A_659 : i32 to index
        %get3A_692 = arith.constant 48 : index
        %get3A_693 = tpu.vector_load %get3A_690[%get3A_691, %get3A_692] {strides = array<i32>} : memref<200x64xf32, #tpu.memory_space<vmem>>, vector<1x16xf32>,
        %get3A_694 = vector.shape_cast %get3A_693 : vector<1x16xf32> to vector<16xf32>
        %add3A_695 = arith.addf %add3A_657, %get3A_694 : vector<16xf32>
        %scan3A_696 = arith.constant 6 : i32
        %scan3A_697 = arith.addi %scan3A_466, %scan3A_696 : i32
        %get3A_698 = arith.constant 0 : i32
        %get3A_699 = arith.constant 0 : i32
        %get3A_700 = tpu.memref_slice %arg6[%scan3A_170, %get3A_698, %get3A_699] : memref<4x200x64xf32, #tpu.memory_space<vmem>> -> memref<1x200x64xf32, #tpu.memory_space<vmem>>
        %get3A_701 = tpu.memref_squeeze %get3A_700 : memref<1x200x64xf32, #tpu.memory_space<vmem>> -> memref<200x64xf32, #tpu.memory_space<vmem>>
        %get3A_702 = arith.index_cast %scan3A_697 : i32 to index
        %get3A_703 = arith.constant 0 : index
        %get3A_704 = tpu.vector_load %get3A_701[%get3A_702, %get3A_703] {strides = array<i32>} : memref<200x64xf32, #tpu.memory_space<vmem>>, vector<1x16xf32>,
        %get3A_705 = vector.shape_cast %get3A_704 : vector<1x16xf32> to vector<16xf32>
        %add3A_706 = arith.addf %add3A_668, %get3A_705 : vector<16xf32>
        %get3A_707 = arith.constant 0 : i32
        %get3A_708 = arith.constant 0 : i32
        %get3A_709 = tpu.memref_slice %arg6[%scan3A_170, %get3A_707, %get3A_708] : memref<4x200x64xf32, #tpu.memory_space<vmem>> -> memref<1x200x64xf32, #tpu.memory_space<vmem>>
        %get3A_710 = tpu.memref_squeeze %get3A_709 : memref<1x200x64xf32, #tpu.memory_space<vmem>> -> memref<200x64xf32, #tpu.memory_space<vmem>>
        %get3A_711 = arith.index_cast %scan3A_697 : i32 to index
        %get3A_712 = arith.constant 16 : index
        %get3A_713 = tpu.vector_load %get3A_710[%get3A_711, %get3A_712] {strides = array<i32>} : memref<200x64xf32, #tpu.memory_space<vmem>>, vector<1x16xf32>,
        %get3A_714 = vector.shape_cast %get3A_713 : vector<1x16xf32> to vector<16xf32>
        %add3A_715 = arith.addf %add3A_677, %get3A_714 : vector<16xf32>
        %get3A_716 = arith.constant 0 : i32
        %get3A_717 = arith.constant 0 : i32
        %get3A_718 = tpu.memref_slice %arg6[%scan3A_170, %get3A_716, %get3A_717] : memref<4x200x64xf32, #tpu.memory_space<vmem>> -> memref<1x200x64xf32, #tpu.memory_space<vmem>>
        %get3A_719 = tpu.memref_squeeze %get3A_718 : memref<1x200x64xf32, #tpu.memory_space<vmem>> -> memref<200x64xf32, #tpu.memory_space<vmem>>
        %get3A_720 = arith.index_cast %scan3A_697 : i32 to index
        %get3A_721 = arith.constant 32 : index
        %get3A_722 = tpu.vector_load %get3A_719[%get3A_720, %get3A_721] {strides = array<i32>} : memref<200x64xf32, #tpu.memory_space<vmem>>, vector<1x16xf32>,
        %get3A_723 = vector.shape_cast %get3A_722 : vector<1x16xf32> to vector<16xf32>
        %add3A_724 = arith.addf %add3A_686, %get3A_723 : vector<16xf32>
        %get3A_725 = arith.constant 0 : i32
        %get3A_726 = arith.constant 0 : i32
        %get3A_727 = tpu.memref_slice %arg6[%scan3A_170, %get3A_725, %get3A_726] : memref<4x200x64xf32, #tpu.memory_space<vmem>> -> memref<1x200x64xf32, #tpu.memory_space<vmem>>
        %get3A_728 = tpu.memref_squeeze %get3A_727 : memref<1x200x64xf32, #tpu.memory_space<vmem>> -> memref<200x64xf32, #tpu.memory_space<vmem>>
        %get3A_729 = arith.index_cast %scan3A_697 : i32 to index
        %get3A_730 = arith.constant 48 : index
        %get3A_731 = tpu.vector_load %get3A_728[%get3A_729, %get3A_730] {strides = array<i32>} : memref<200x64xf32, #tpu.memory_space<vmem>>, vector<1x16xf32>,
        %get3A_732 = vector.shape_cast %get3A_731 : vector<1x16xf32> to vector<16xf32>
        %add3A_733 = arith.addf %add3A_695, %get3A_732 : vector<16xf32>
        %scan3A_734 = arith.constant 7 : i32
        %scan3A_735 = arith.addi %scan3A_466, %scan3A_734 : i32
        %get3A_736 = arith.constant 0 : i32
        %get3A_737 = arith.constant 0 : i32
        %get3A_738 = tpu.memref_slice %arg6[%scan3A_170, %get3A_736, %get3A_737] : memref<4x200x64xf32, #tpu.memory_space<vmem>> -> memref<1x200x64xf32, #tpu.memory_space<vmem>>
        %get3A_739 = tpu.memref_squeeze %get3A_738 : memref<1x200x64xf32, #tpu.memory_space<vmem>> -> memref<200x64xf32, #tpu.memory_space<vmem>>
        %get3A_740 = arith.index_cast %scan3A_735 : i32 to index
        %get3A_741 = arith.constant 0 : index
        %get3A_742 = tpu.vector_load %get3A_739[%get3A_740, %get3A_741] {strides = array<i32>} : memref<200x64xf32, #tpu.memory_space<vmem>>, vector<1x16xf32>,
        %get3A_743 = vector.shape_cast %get3A_742 : vector<1x16xf32> to vector<16xf32>
        %add3A_744 = arith.addf %add3A_706, %get3A_743 : vector<16xf32>
        %get3A_745 = arith.constant 0 : i32
        %get3A_746 = arith.constant 0 : i32
        %get3A_747 = tpu.memref_slice %arg6[%scan3A_170, %get3A_745, %get3A_746] : memref<4x200x64xf32, #tpu.memory_space<vmem>> -> memref<1x200x64xf32, #tpu.memory_space<vmem>>
        %get3A_748 = tpu.memref_squeeze %get3A_747 : memref<1x200x64xf32, #tpu.memory_space<vmem>> -> memref<200x64xf32, #tpu.memory_space<vmem>>
        %get3A_749 = arith.index_cast %scan3A_735 : i32 to index
        %get3A_750 = arith.constant 16 : index
        %get3A_751 = tpu.vector_load %get3A_748[%get3A_749, %get3A_750] {strides = array<i32>} : memref<200x64xf32, #tpu.memory_space<vmem>>, vector<1x16xf32>,
        %get3A_752 = vector.shape_cast %get3A_751 : vector<1x16xf32> to vector<16xf32>
        %add3A_753 = arith.addf %add3A_715, %get3A_752 : vector<16xf32>
        %get3A_754 = arith.constant 0 : i32
        %get3A_755 = arith.constant 0 : i32
        %get3A_756 = tpu.memref_slice %arg6[%scan3A_170, %get3A_754, %get3A_755] : memref<4x200x64xf32, #tpu.memory_space<vmem>> -> memref<1x200x64xf32, #tpu.memory_space<vmem>>
        %get3A_757 = tpu.memref_squeeze %get3A_756 : memref<1x200x64xf32, #tpu.memory_space<vmem>> -> memref<200x64xf32, #tpu.memory_space<vmem>>
        %get3A_758 = arith.index_cast %scan3A_735 : i32 to index
        %get3A_759 = arith.constant 32 : index
        %get3A_760 = tpu.vector_load %get3A_757[%get3A_758, %get3A_759] {strides = array<i32>} : memref<200x64xf32, #tpu.memory_space<vmem>>, vector<1x16xf32>,
        %get3A_761 = vector.shape_cast %get3A_760 : vector<1x16xf32> to vector<16xf32>
        %add3A_762 = arith.addf %add3A_724, %get3A_761 : vector<16xf32>
        %get3A_763 = arith.constant 0 : i32
        %get3A_764 = arith.constant 0 : i32
        %get3A_765 = tpu.memref_slice %arg6[%scan3A_170, %get3A_763, %get3A_764] : memref<4x200x64xf32, #tpu.memory_space<vmem>> -> memref<1x200x64xf32, #tpu.memory_space<vmem>>
        %get3A_766 = tpu.memref_squeeze %get3A_765 : memref<1x200x64xf32, #tpu.memory_space<vmem>> -> memref<200x64xf32, #tpu.memory_space<vmem>>
        %get3A_767 = arith.index_cast %scan3A_735 : i32 to index
        %get3A_768 = arith.constant 48 : index
        %get3A_769 = tpu.vector_load %get3A_766[%get3A_767, %get3A_768] {strides = array<i32>} : memref<200x64xf32, #tpu.memory_space<vmem>>, vector<1x16xf32>,
        %get3A_770 = vector.shape_cast %get3A_769 : vector<1x16xf32> to vector<16xf32>
        %add3A_771 = arith.addf %add3A_733, %get3A_770 : vector<16xf32>
        scf.yield %add3A_744, %add3A_753, %add3A_762, %add3A_771 : vector<16xf32>, vector<16xf32>, vector<16xf32>, vector<16xf32>
      }
      %scan3A_176 = arith.constant 200 : i32
      %mul3A_177 = arith.constant 5.000000e-03 : f32
      %mul3A_178 = vector.broadcast %mul3A_177 : f32 to vector<16xf32>
      %mul3A_179 = arith.mulf %scan3A_175#0, %mul3A_178 : vector<16xf32>
      %swap3A = arith.index_cast %add3A_131 : i32 to index
      %swap3A_180 = arith.constant 0 : index
      %swap3A_181 = tpu.vector_load %arg7[%swap3A, %swap3A_180] {strides = array<i32>} : memref<128x64xf32, #tpu.memory_space<vmem>>, vector<1x16xf32>,
      %swap3A_182 = vector.shape_cast %swap3A_181 : vector<1x16xf32> to vector<16xf32>
      %swap3A_183 = vector.shape_cast %mul3A_179 : vector<16xf32> to vector<1x16xf32>
      tpu.vector_store %arg7[%swap3A, %swap3A_180], %swap3A_183 {strides = array<i32>} : memref<128x64xf32, #tpu.memory_space<vmem>>, vector<1x16xf32>,
      %mul3A_184 = arith.constant 5.000000e-03 : f32
      %mul3A_185 = vector.broadcast %mul3A_184 : f32 to vector<16xf32>
      %mul3A_186 = arith.mulf %scan3A_175#1, %mul3A_185 : vector<16xf32>
      %swap3A_187 = arith.index_cast %add3A_131 : i32 to index
      %swap3A_188 = arith.constant 16 : index
      %swap3A_189 = tpu.vector_load %arg7[%swap3A_187, %swap3A_188] {strides = array<i32>} : memref<128x64xf32, #tpu.memory_space<vmem>>, vector<1x16xf32>,
      %swap3A_190 = vector.shape_cast %swap3A_189 : vector<1x16xf32> to vector<16xf32>
      %swap3A_191 = vector.shape_cast %mul3A_186 : vector<16xf32> to vector<1x16xf32>
      tpu.vector_store %arg7[%swap3A_187, %swap3A_188], %swap3A_191 {strides = array<i32>} : memref<128x64xf32, #tpu.memory_space<vmem>>, vector<1x16xf32>,
      %mul3A_192 = arith.constant 5.000000e-03 : f32
      %mul3A_193 = vector.broadcast %mul3A_192 : f32 to vector<16xf32>
      %mul3A_194 = arith.mulf %scan3A_175#2, %mul3A_193 : vector<16xf32>
      %swap3A_195 = arith.index_cast %add3A_131 : i32 to index
      %swap3A_196 = arith.constant 32 : index
      %swap3A_197 = tpu.vector_load %arg7[%swap3A_195, %swap3A_196] {strides = array<i32>} : memref<128x64xf32, #tpu.memory_space<vmem>>, vector<1x16xf32>,
      %swap3A_198 = vector.shape_cast %swap3A_197 : vector<1x16xf32> to vector<16xf32>
      %swap3A_199 = vector.shape_cast %mul3A_194 : vector<16xf32> to vector<1x16xf32>
      tpu.vector_store %arg7[%swap3A_195, %swap3A_196], %swap3A_199 {strides = array<i32>} : memref<128x64xf32, #tpu.memory_space<vmem>>, vector<1x16xf32>,
      %mul3A_200 = arith.constant 5.000000e-03 : f32
      %mul3A_201 = vector.broadcast %mul3A_200 : f32 to vector<16xf32>
      %mul3A_202 = arith.mulf %scan3A_175#3, %mul3A_201 : vector<16xf32>
      %swap3A_203 = arith.index_cast %add3A_131 : i32 to index
      %swap3A_204 = arith.constant 48 : index
      %swap3A_205 = tpu.vector_load %arg7[%swap3A_203, %swap3A_204] {strides = array<i32>} : memref<128x64xf32, #tpu.memory_space<vmem>>, vector<1x16xf32>,
      %swap3A_206 = vector.shape_cast %swap3A_205 : vector<1x16xf32> to vector<16xf32>
      %swap3A_207 = vector.shape_cast %mul3A_202 : vector<16xf32> to vector<1x16xf32>
      tpu.vector_store %arg7[%swap3A_203, %swap3A_204], %swap3A_207 {strides = array<i32>} : memref<128x64xf32, #tpu.memory_space<vmem>>, vector<1x16xf32>,
      %mul3A_208 = arith.constant 4 : i32
      %mul3A_209 = arith.muli %mul3A_208, %scan3A_127 : i32
      %add3A_210 = arith.constant 1 : i32
      %add3A_211 = arith.addi %mul3A_209, %add3A_210 : i32
      %dma_wait3A_212 = arith.constant 1 : i32
      %dma_wait3A_213 = arith.constant 0 : i32
      %dma_wait3A_214 = arith.constant 0 : i32
      %dma_wait3A_215 = tpu.memref_slice %arg6[%dma_wait3A_212, %dma_wait3A_213, %dma_wait3A_214] : memref<4x200x64xf32, #tpu.memory_space<vmem>> -> memref<1x200x64xf32, #tpu.memory_space<vmem>>
      %dma_wait3A_216 = tpu.memref_squeeze %dma_wait3A_215 : memref<1x200x64xf32, #tpu.memory_space<vmem>> -> memref<200x64xf32, #tpu.memory_space<vmem>>
      %dma_wait3A_217 = arith.constant 0 : i32
      %dma_wait3A_218 = arith.constant 0 : i32
      %dma_wait3A_219 = tpu.memref_slice %dma_wait3A_216[%dma_wait3A_217, %dma_wait3A_218] : memref<200x64xf32, #tpu.memory_space<vmem>> -> memref<128x64xf32, #tpu.memory_space<vmem>>
      %dma_wait3A_220 = arith.constant 0 : i32
      %dma_wait3A_221 = tpu.memref_slice %arg5[%add3A_211, %dma_wait3A_220] : memref<128x200xi32, #tpu.memory_space<vmem>> -> memref<1x128xi32, #tpu.memory_space<vmem>>
      %dma_wait3A_222 = tpu.memref_squeeze %dma_wait3A_221 : memref<1x128xi32, #tpu.memory_space<vmem>> -> memref<128xi32, #tpu.memory_space<vmem>>
      %dma_wait3A_223 = arith.constant 0 : i32
      %dma_wait3A_224 = arith.constant 0 : i32
      %dma_wait3A_225 = tpu.memref_slice %arg3[%dma_wait3A_223, %dma_wait3A_224] : memref<100000x64xf32, #tpu.memory_space<hbm>> -> memref<100000x64xf32, #tpu.memory_space<hbm>>
      tpu.wait_indirect_dma semaphore(%arg9 : memref<!tpu.dma_semaphore, #tpu.memory_space<semaphore_mem>>) src(%dma_wait3A_225 : memref<100000x64xf32, #tpu.memory_space<hbm>>) dst(%dma_wait3A_219 : memref<128x64xf32, #tpu.memory_space<vmem>>)
      %dma_wait3A_226 = arith.constant 1 : i32
      %dma_wait3A_227 = arith.constant 0 : i32
      %dma_wait3A_228 = arith.constant 0 : i32
      %dma_wait3A_229 = tpu.memref_slice %arg6[%dma_wait3A_226, %dma_wait3A_227, %dma_wait3A_228] : memref<4x200x64xf32, #tpu.memory_space<vmem>> -> memref<1x200x64xf32, #tpu.memory_space<vmem>>
      %dma_wait3A_230 = tpu.memref_squeeze %dma_wait3A_229 : memref<1x200x64xf32, #tpu.memory_space<vmem>> -> memref<200x64xf32, #tpu.memory_space<vmem>>
      %dma_wait3A_231 = arith.constant 128 : i32
      %dma_wait3A_232 = arith.constant 0 : i32
      %dma_wait3A_233 = tpu.memref_slice %dma_wait3A_230[%dma_wait3A_231, %dma_wait3A_232] : memref<200x64xf32, #tpu.memory_space<vmem>> -> memref<72x64xf32, #tpu.memory_space<vmem>>
      %dma_wait3A_234 = arith.constant 128 : i32
      %dma_wait3A_235 = tpu.memref_slice %arg5[%add3A_211, %dma_wait3A_234] : memref<128x200xi32, #tpu.memory_space<vmem>> -> memref<1x72xi32, #tpu.memory_space<vmem>>
      %dma_wait3A_236 = tpu.memref_squeeze %dma_wait3A_235 : memref<1x72xi32, #tpu.memory_space<vmem>> -> memref<72xi32, #tpu.memory_space<vmem>>
      %dma_wait3A_237 = arith.constant 0 : i32
      %dma_wait3A_238 = arith.constant 0 : i32
      %dma_wait3A_239 = tpu.memref_slice %arg3[%dma_wait3A_237, %dma_wait3A_238] : memref<100000x64xf32, #tpu.memory_space<hbm>> -> memref<100000x64xf32, #tpu.memory_space<hbm>>
      tpu.wait_indirect_dma semaphore(%arg9 : memref<!tpu.dma_semaphore, #tpu.memory_space<semaphore_mem>>) src(%dma_wait3A_239 : memref<100000x64xf32, #tpu.memory_space<hbm>>) dst(%dma_wait3A_233 : memref<72x64xf32, #tpu.memory_space<vmem>>)
      %add3A_240 = arith.constant 4 : i32
      %add3A_241 = arith.addi %add3A_211, %add3A_240 : i32
      %lt3A_242 = arith.constant 128 : i32
      %lt3A_243 = arith.cmpi slt, %add3A_241, %lt3A_242 : i32
      %convert_element_type3A_244 = arith.extui %lt3A_243 : i1 to i32
      %cond3A_245 = arith.constant 0 : i32
      %cond3A_246 = arith.cmpi ne, %convert_element_type3A_244, %cond3A_245 : i32
      scf.if %cond3A_246 {
        %add3A_466 = arith.constant 4 : i32
        %add3A_467 = arith.addi %add3A_211, %add3A_466 : i32
        %dma_start3A_468 = arith.constant 1 : i32
        %dma_start3A_469 = arith.constant 0 : i32
        %dma_start3A_470 = arith.constant 0 : i32
        %dma_start3A_471 = tpu.memref_slice %arg6[%dma_start3A_468, %dma_start3A_469, %dma_start3A_470] : memref<4x200x64xf32, #tpu.memory_space<vmem>> -> memref<1x200x64xf32, #tpu.memory_space<vmem>>
        %dma_start3A_472 = tpu.memref_squeeze %dma_start3A_471 : memref<1x200x64xf32, #tpu.memory_space<vmem>> -> memref<200x64xf32, #tpu.memory_space<vmem>>
        %dma_start3A_473 = arith.constant 0 : i32
        %dma_start3A_474 = arith.constant 0 : i32
        %dma_start3A_475 = tpu.memref_slice %dma_start3A_472[%dma_start3A_473, %dma_start3A_474] : memref<200x64xf32, #tpu.memory_space<vmem>> -> memref<128x64xf32, #tpu.memory_space<vmem>>
        %dma_start3A_476 = arith.constant 0 : i32
        %dma_start3A_477 = tpu.memref_slice %arg5[%add3A_467, %dma_start3A_476] : memref<128x200xi32, #tpu.memory_space<vmem>> -> memref<1x128xi32, #tpu.memory_space<vmem>>
        %dma_start3A_478 = tpu.memref_squeeze %dma_start3A_477 : memref<1x128xi32, #tpu.memory_space<vmem>> -> memref<128xi32, #tpu.memory_space<vmem>>
        %dma_start3A_479 = arith.constant 0 : i32
        %dma_start3A_480 = arith.constant 0 : i32
        %dma_start3A_481 = tpu.memref_slice %arg3[%dma_start3A_479, %dma_start3A_480] : memref<100000x64xf32, #tpu.memory_space<hbm>> -> memref<100000x64xf32, #tpu.memory_space<hbm>>
        tpu.enqueue_indirect_dma source(%dma_start3A_481 : memref<100000x64xf32, #tpu.memory_space<hbm>>) target(%dma_start3A_475 : memref<128x64xf32, #tpu.memory_space<vmem>>) offsets(%dma_start3A_478 : memref<128xi32, #tpu.memory_space<vmem>>) semaphore(%arg9 : memref<!tpu.dma_semaphore, #tpu.memory_space<semaphore_mem>>)
        %dma_start3A_482 = arith.constant 1 : i32
        %dma_start3A_483 = arith.constant 0 : i32
        %dma_start3A_484 = arith.constant 0 : i32
        %dma_start3A_485 = tpu.memref_slice %arg6[%dma_start3A_482, %dma_start3A_483, %dma_start3A_484] : memref<4x200x64xf32, #tpu.memory_space<vmem>> -> memref<1x200x64xf32, #tpu.memory_space<vmem>>
        %dma_start3A_486 = tpu.memref_squeeze %dma_start3A_485 : memref<1x200x64xf32, #tpu.memory_space<vmem>> -> memref<200x64xf32, #tpu.memory_space<vmem>>
        %dma_start3A_487 = arith.constant 128 : i32
        %dma_start3A_488 = arith.constant 0 : i32
        %dma_start3A_489 = tpu.memref_slice %dma_start3A_486[%dma_start3A_487, %dma_start3A_488] : memref<200x64xf32, #tpu.memory_space<vmem>> -> memref<72x64xf32, #tpu.memory_space<vmem>>
        %dma_start3A_490 = arith.constant 128 : i32
        %dma_start3A_491 = tpu.memref_slice %arg5[%add3A_467, %dma_start3A_490] : memref<128x200xi32, #tpu.memory_space<vmem>> -> memref<1x72xi32, #tpu.memory_space<vmem>>
        %dma_start3A_492 = tpu.memref_squeeze %dma_start3A_491 : memref<1x72xi32, #tpu.memory_space<vmem>> -> memref<72xi32, #tpu.memory_space<vmem>>
        %dma_start3A_493 = arith.constant 0 : i32
        %dma_start3A_494 = arith.constant 0 : i32
        %dma_start3A_495 = tpu.memref_slice %arg3[%dma_start3A_493, %dma_start3A_494] : memref<100000x64xf32, #tpu.memory_space<hbm>> -> memref<100000x64xf32, #tpu.memory_space<hbm>>
        tpu.enqueue_indirect_dma source(%dma_start3A_495 : memref<100000x64xf32, #tpu.memory_space<hbm>>) target(%dma_start3A_489 : memref<72x64xf32, #tpu.memory_space<vmem>>) offsets(%dma_start3A_492 : memref<72xi32, #tpu.memory_space<vmem>>) semaphore(%arg9 : memref<!tpu.dma_semaphore, #tpu.memory_space<semaphore_mem>>)
      } else {
      }
      %broadcast_in_dim3A_247 = arith.constant 0.000000e+00 : f32
      %broadcast_in_dim3A_248 = vector.broadcast %broadcast_in_dim3A_247 : f32 to vector<16xf32>
      %broadcast_in_dim3A_249 = arith.constant 0.000000e+00 : f32
      %broadcast_in_dim3A_250 = vector.broadcast %broadcast_in_dim3A_249 : f32 to vector<16xf32>
      %broadcast_in_dim3A_251 = arith.constant 0.000000e+00 : f32
      %broadcast_in_dim3A_252 = vector.broadcast %broadcast_in_dim3A_251 : f32 to vector<16xf32>
      %broadcast_in_dim3A_253 = arith.constant 0.000000e+00 : f32
      %broadcast_in_dim3A_254 = vector.broadcast %broadcast_in_dim3A_253 : f32 to vector<16xf32>
      %scan3A_255 = arith.constant 1 : i32
      %scan3A_256 = arith.constant 0 : i32
      %scan3A_257 = arith.constant 200 : i32
      %scan3A_258 = arith.addi %scan3A_256, %scan3A_257 : i32
      %scan3A_259 = arith.constant 8 : i32
      %scan3A_260:4 = scf.for %scan3A_466 = %scan3A_256 to %scan3A_258 step %scan3A_259 iter_args(%scan3A_467 = %broadcast_in_dim3A_248, %scan3A_468 = %broadcast_in_dim3A_250, %scan3A_469 = %broadcast_in_dim3A_252, %scan3A_470 = %broadcast_in_dim3A_254) -> (vector<16xf32>, vector<16xf32>, vector<16xf32>, vector<16xf32>)  : i32 {
        %get3A = arith.constant 0 : i32
        %get3A_471 = arith.constant 0 : i32
        %get3A_472 = tpu.memref_slice %arg6[%scan3A_255, %get3A, %get3A_471] : memref<4x200x64xf32, #tpu.memory_space<vmem>> -> memref<1x200x64xf32, #tpu.memory_space<vmem>>
        %get3A_473 = tpu.memref_squeeze %get3A_472 : memref<1x200x64xf32, #tpu.memory_space<vmem>> -> memref<200x64xf32, #tpu.memory_space<vmem>>
        %get3A_474 = arith.index_cast %scan3A_466 : i32 to index
        %get3A_475 = arith.constant 0 : index
        %get3A_476 = tpu.vector_load %get3A_473[%get3A_474, %get3A_475] {strides = array<i32>} : memref<200x64xf32, #tpu.memory_space<vmem>>, vector<1x16xf32>,
        %get3A_477 = vector.shape_cast %get3A_476 : vector<1x16xf32> to vector<16xf32>
        %add3A_478 = arith.addf %scan3A_467, %get3A_477 : vector<16xf32>
        %get3A_479 = arith.constant 0 : i32
        %get3A_480 = arith.constant 0 : i32
        %get3A_481 = tpu.memref_slice %arg6[%scan3A_255, %get3A_479, %get3A_480] : memref<4x200x64xf32, #tpu.memory_space<vmem>> -> memref<1x200x64xf32, #tpu.memory_space<vmem>>
        %get3A_482 = tpu.memref_squeeze %get3A_481 : memref<1x200x64xf32, #tpu.memory_space<vmem>> -> memref<200x64xf32, #tpu.memory_space<vmem>>
        %get3A_483 = arith.index_cast %scan3A_466 : i32 to index
        %get3A_484 = arith.constant 16 : index
        %get3A_485 = tpu.vector_load %get3A_482[%get3A_483, %get3A_484] {strides = array<i32>} : memref<200x64xf32, #tpu.memory_space<vmem>>, vector<1x16xf32>,
        %get3A_486 = vector.shape_cast %get3A_485 : vector<1x16xf32> to vector<16xf32>
        %add3A_487 = arith.addf %scan3A_468, %get3A_486 : vector<16xf32>
        %get3A_488 = arith.constant 0 : i32
        %get3A_489 = arith.constant 0 : i32
        %get3A_490 = tpu.memref_slice %arg6[%scan3A_255, %get3A_488, %get3A_489] : memref<4x200x64xf32, #tpu.memory_space<vmem>> -> memref<1x200x64xf32, #tpu.memory_space<vmem>>
        %get3A_491 = tpu.memref_squeeze %get3A_490 : memref<1x200x64xf32, #tpu.memory_space<vmem>> -> memref<200x64xf32, #tpu.memory_space<vmem>>
        %get3A_492 = arith.index_cast %scan3A_466 : i32 to index
        %get3A_493 = arith.constant 32 : index
        %get3A_494 = tpu.vector_load %get3A_491[%get3A_492, %get3A_493] {strides = array<i32>} : memref<200x64xf32, #tpu.memory_space<vmem>>, vector<1x16xf32>,
        %get3A_495 = vector.shape_cast %get3A_494 : vector<1x16xf32> to vector<16xf32>
        %add3A_496 = arith.addf %scan3A_469, %get3A_495 : vector<16xf32>
        %get3A_497 = arith.constant 0 : i32
        %get3A_498 = arith.constant 0 : i32
        %get3A_499 = tpu.memref_slice %arg6[%scan3A_255, %get3A_497, %get3A_498] : memref<4x200x64xf32, #tpu.memory_space<vmem>> -> memref<1x200x64xf32, #tpu.memory_space<vmem>>
        %get3A_500 = tpu.memref_squeeze %get3A_499 : memref<1x200x64xf32, #tpu.memory_space<vmem>> -> memref<200x64xf32, #tpu.memory_space<vmem>>
        %get3A_501 = arith.index_cast %scan3A_466 : i32 to index
        %get3A_502 = arith.constant 48 : index
        %get3A_503 = tpu.vector_load %get3A_500[%get3A_501, %get3A_502] {strides = array<i32>} : memref<200x64xf32, #tpu.memory_space<vmem>>, vector<1x16xf32>,
        %get3A_504 = vector.shape_cast %get3A_503 : vector<1x16xf32> to vector<16xf32>
        %add3A_505 = arith.addf %scan3A_470, %get3A_504 : vector<16xf32>
        %scan3A_506 = arith.constant 1 : i32
        %scan3A_507 = arith.addi %scan3A_466, %scan3A_506 : i32
        %get3A_508 = arith.constant 0 : i32
        %get3A_509 = arith.constant 0 : i32
        %get3A_510 = tpu.memref_slice %arg6[%scan3A_255, %get3A_508, %get3A_509] : memref<4x200x64xf32, #tpu.memory_space<vmem>> -> memref<1x200x64xf32, #tpu.memory_space<vmem>>
        %get3A_511 = tpu.memref_squeeze %get3A_510 : memref<1x200x64xf32, #tpu.memory_space<vmem>> -> memref<200x64xf32, #tpu.memory_space<vmem>>
        %get3A_512 = arith.index_cast %scan3A_507 : i32 to index
        %get3A_513 = arith.constant 0 : index
        %get3A_514 = tpu.vector_load %get3A_511[%get3A_512, %get3A_513] {strides = array<i32>} : memref<200x64xf32, #tpu.memory_space<vmem>>, vector<1x16xf32>,
        %get3A_515 = vector.shape_cast %get3A_514 : vector<1x16xf32> to vector<16xf32>
        %add3A_516 = arith.addf %add3A_478, %get3A_515 : vector<16xf32>
        %get3A_517 = arith.constant 0 : i32
        %get3A_518 = arith.constant 0 : i32
        %get3A_519 = tpu.memref_slice %arg6[%scan3A_255, %get3A_517, %get3A_518] : memref<4x200x64xf32, #tpu.memory_space<vmem>> -> memref<1x200x64xf32, #tpu.memory_space<vmem>>
        %get3A_520 = tpu.memref_squeeze %get3A_519 : memref<1x200x64xf32, #tpu.memory_space<vmem>> -> memref<200x64xf32, #tpu.memory_space<vmem>>
        %get3A_521 = arith.index_cast %scan3A_507 : i32 to index
        %get3A_522 = arith.constant 16 : index
        %get3A_523 = tpu.vector_load %get3A_520[%get3A_521, %get3A_522] {strides = array<i32>} : memref<200x64xf32, #tpu.memory_space<vmem>>, vector<1x16xf32>,
        %get3A_524 = vector.shape_cast %get3A_523 : vector<1x16xf32> to vector<16xf32>
        %add3A_525 = arith.addf %add3A_487, %get3A_524 : vector<16xf32>
        %get3A_526 = arith.constant 0 : i32
        %get3A_527 = arith.constant 0 : i32
        %get3A_528 = tpu.memref_slice %arg6[%scan3A_255, %get3A_526, %get3A_527] : memref<4x200x64xf32, #tpu.memory_space<vmem>> -> memref<1x200x64xf32, #tpu.memory_space<vmem>>
        %get3A_529 = tpu.memref_squeeze %get3A_528 : memref<1x200x64xf32, #tpu.memory_space<vmem>> -> memref<200x64xf32, #tpu.memory_space<vmem>>
        %get3A_530 = arith.index_cast %scan3A_507 : i32 to index
        %get3A_531 = arith.constant 32 : index
        %get3A_532 = tpu.vector_load %get3A_529[%get3A_530, %get3A_531] {strides = array<i32>} : memref<200x64xf32, #tpu.memory_space<vmem>>, vector<1x16xf32>,
        %get3A_533 = vector.shape_cast %get3A_532 : vector<1x16xf32> to vector<16xf32>
        %add3A_534 = arith.addf %add3A_496, %get3A_533 : vector<16xf32>
        %get3A_535 = arith.constant 0 : i32
        %get3A_536 = arith.constant 0 : i32
        %get3A_537 = tpu.memref_slice %arg6[%scan3A_255, %get3A_535, %get3A_536] : memref<4x200x64xf32, #tpu.memory_space<vmem>> -> memref<1x200x64xf32, #tpu.memory_space<vmem>>
        %get3A_538 = tpu.memref_squeeze %get3A_537 : memref<1x200x64xf32, #tpu.memory_space<vmem>> -> memref<200x64xf32, #tpu.memory_space<vmem>>
        %get3A_539 = arith.index_cast %scan3A_507 : i32 to index
        %get3A_540 = arith.constant 48 : index
        %get3A_541 = tpu.vector_load %get3A_538[%get3A_539, %get3A_540] {strides = array<i32>} : memref<200x64xf32, #tpu.memory_space<vmem>>, vector<1x16xf32>,
        %get3A_542 = vector.shape_cast %get3A_541 : vector<1x16xf32> to vector<16xf32>
        %add3A_543 = arith.addf %add3A_505, %get3A_542 : vector<16xf32>
        %scan3A_544 = arith.constant 2 : i32
        %scan3A_545 = arith.addi %scan3A_466, %scan3A_544 : i32
        %get3A_546 = arith.constant 0 : i32
        %get3A_547 = arith.constant 0 : i32
        %get3A_548 = tpu.memref_slice %arg6[%scan3A_255, %get3A_546, %get3A_547] : memref<4x200x64xf32, #tpu.memory_space<vmem>> -> memref<1x200x64xf32, #tpu.memory_space<vmem>>
        %get3A_549 = tpu.memref_squeeze %get3A_548 : memref<1x200x64xf32, #tpu.memory_space<vmem>> -> memref<200x64xf32, #tpu.memory_space<vmem>>
        %get3A_550 = arith.index_cast %scan3A_545 : i32 to index
        %get3A_551 = arith.constant 0 : index
        %get3A_552 = tpu.vector_load %get3A_549[%get3A_550, %get3A_551] {strides = array<i32>} : memref<200x64xf32, #tpu.memory_space<vmem>>, vector<1x16xf32>,
        %get3A_553 = vector.shape_cast %get3A_552 : vector<1x16xf32> to vector<16xf32>
        %add3A_554 = arith.addf %add3A_516, %get3A_553 : vector<16xf32>
        %get3A_555 = arith.constant 0 : i32
        %get3A_556 = arith.constant 0 : i32
        %get3A_557 = tpu.memref_slice %arg6[%scan3A_255, %get3A_555, %get3A_556] : memref<4x200x64xf32, #tpu.memory_space<vmem>> -> memref<1x200x64xf32, #tpu.memory_space<vmem>>
        %get3A_558 = tpu.memref_squeeze %get3A_557 : memref<1x200x64xf32, #tpu.memory_space<vmem>> -> memref<200x64xf32, #tpu.memory_space<vmem>>
        %get3A_559 = arith.index_cast %scan3A_545 : i32 to index
        %get3A_560 = arith.constant 16 : index
        %get3A_561 = tpu.vector_load %get3A_558[%get3A_559, %get3A_560] {strides = array<i32>} : memref<200x64xf32, #tpu.memory_space<vmem>>, vector<1x16xf32>,
        %get3A_562 = vector.shape_cast %get3A_561 : vector<1x16xf32> to vector<16xf32>
        %add3A_563 = arith.addf %add3A_525, %get3A_562 : vector<16xf32>
        %get3A_564 = arith.constant 0 : i32
        %get3A_565 = arith.constant 0 : i32
        %get3A_566 = tpu.memref_slice %arg6[%scan3A_255, %get3A_564, %get3A_565] : memref<4x200x64xf32, #tpu.memory_space<vmem>> -> memref<1x200x64xf32, #tpu.memory_space<vmem>>
        %get3A_567 = tpu.memref_squeeze %get3A_566 : memref<1x200x64xf32, #tpu.memory_space<vmem>> -> memref<200x64xf32, #tpu.memory_space<vmem>>
        %get3A_568 = arith.index_cast %scan3A_545 : i32 to index
        %get3A_569 = arith.constant 32 : index
        %get3A_570 = tpu.vector_load %get3A_567[%get3A_568, %get3A_569] {strides = array<i32>} : memref<200x64xf32, #tpu.memory_space<vmem>>, vector<1x16xf32>,
        %get3A_571 = vector.shape_cast %get3A_570 : vector<1x16xf32> to vector<16xf32>
        %add3A_572 = arith.addf %add3A_534, %get3A_571 : vector<16xf32>
        %get3A_573 = arith.constant 0 : i32
        %get3A_574 = arith.constant 0 : i32
        %get3A_575 = tpu.memref_slice %arg6[%scan3A_255, %get3A_573, %get3A_574] : memref<4x200x64xf32, #tpu.memory_space<vmem>> -> memref<1x200x64xf32, #tpu.memory_space<vmem>>
        %get3A_576 = tpu.memref_squeeze %get3A_575 : memref<1x200x64xf32, #tpu.memory_space<vmem>> -> memref<200x64xf32, #tpu.memory_space<vmem>>
        %get3A_577 = arith.index_cast %scan3A_545 : i32 to index
        %get3A_578 = arith.constant 48 : index
        %get3A_579 = tpu.vector_load %get3A_576[%get3A_577, %get3A_578] {strides = array<i32>} : memref<200x64xf32, #tpu.memory_space<vmem>>, vector<1x16xf32>,
        %get3A_580 = vector.shape_cast %get3A_579 : vector<1x16xf32> to vector<16xf32>
        %add3A_581 = arith.addf %add3A_543, %get3A_580 : vector<16xf32>
        %scan3A_582 = arith.constant 3 : i32
        %scan3A_583 = arith.addi %scan3A_466, %scan3A_582 : i32
        %get3A_584 = arith.constant 0 : i32
        %get3A_585 = arith.constant 0 : i32
        %get3A_586 = tpu.memref_slice %arg6[%scan3A_255, %get3A_584, %get3A_585] : memref<4x200x64xf32, #tpu.memory_space<vmem>> -> memref<1x200x64xf32, #tpu.memory_space<vmem>>
        %get3A_587 = tpu.memref_squeeze %get3A_586 : memref<1x200x64xf32, #tpu.memory_space<vmem>> -> memref<200x64xf32, #tpu.memory_space<vmem>>
        %get3A_588 = arith.index_cast %scan3A_583 : i32 to index
        %get3A_589 = arith.constant 0 : index
        %get3A_590 = tpu.vector_load %get3A_587[%get3A_588, %get3A_589] {strides = array<i32>} : memref<200x64xf32, #tpu.memory_space<vmem>>, vector<1x16xf32>,
        %get3A_591 = vector.shape_cast %get3A_590 : vector<1x16xf32> to vector<16xf32>
        %add3A_592 = arith.addf %add3A_554, %get3A_591 : vector<16xf32>
        %get3A_593 = arith.constant 0 : i32
        %get3A_594 = arith.constant 0 : i32
        %get3A_595 = tpu.memref_slice %arg6[%scan3A_255, %get3A_593, %get3A_594] : memref<4x200x64xf32, #tpu.memory_space<vmem>> -> memref<1x200x64xf32, #tpu.memory_space<vmem>>
        %get3A_596 = tpu.memref_squeeze %get3A_595 : memref<1x200x64xf32, #tpu.memory_space<vmem>> -> memref<200x64xf32, #tpu.memory_space<vmem>>
        %get3A_597 = arith.index_cast %scan3A_583 : i32 to index
        %get3A_598 = arith.constant 16 : index
        %get3A_599 = tpu.vector_load %get3A_596[%get3A_597, %get3A_598] {strides = array<i32>} : memref<200x64xf32, #tpu.memory_space<vmem>>, vector<1x16xf32>,
        %get3A_600 = vector.shape_cast %get3A_599 : vector<1x16xf32> to vector<16xf32>
        %add3A_601 = arith.addf %add3A_563, %get3A_600 : vector<16xf32>
        %get3A_602 = arith.constant 0 : i32
        %get3A_603 = arith.constant 0 : i32
        %get3A_604 = tpu.memref_slice %arg6[%scan3A_255, %get3A_602, %get3A_603] : memref<4x200x64xf32, #tpu.memory_space<vmem>> -> memref<1x200x64xf32, #tpu.memory_space<vmem>>
        %get3A_605 = tpu.memref_squeeze %get3A_604 : memref<1x200x64xf32, #tpu.memory_space<vmem>> -> memref<200x64xf32, #tpu.memory_space<vmem>>
        %get3A_606 = arith.index_cast %scan3A_583 : i32 to index
        %get3A_607 = arith.constant 32 : index
        %get3A_608 = tpu.vector_load %get3A_605[%get3A_606, %get3A_607] {strides = array<i32>} : memref<200x64xf32, #tpu.memory_space<vmem>>, vector<1x16xf32>,
        %get3A_609 = vector.shape_cast %get3A_608 : vector<1x16xf32> to vector<16xf32>
        %add3A_610 = arith.addf %add3A_572, %get3A_609 : vector<16xf32>
        %get3A_611 = arith.constant 0 : i32
        %get3A_612 = arith.constant 0 : i32
        %get3A_613 = tpu.memref_slice %arg6[%scan3A_255, %get3A_611, %get3A_612] : memref<4x200x64xf32, #tpu.memory_space<vmem>> -> memref<1x200x64xf32, #tpu.memory_space<vmem>>
        %get3A_614 = tpu.memref_squeeze %get3A_613 : memref<1x200x64xf32, #tpu.memory_space<vmem>> -> memref<200x64xf32, #tpu.memory_space<vmem>>
        %get3A_615 = arith.index_cast %scan3A_583 : i32 to index
        %get3A_616 = arith.constant 48 : index
        %get3A_617 = tpu.vector_load %get3A_614[%get3A_615, %get3A_616] {strides = array<i32>} : memref<200x64xf32, #tpu.memory_space<vmem>>, vector<1x16xf32>,
        %get3A_618 = vector.shape_cast %get3A_617 : vector<1x16xf32> to vector<16xf32>
        %add3A_619 = arith.addf %add3A_581, %get3A_618 : vector<16xf32>
        %scan3A_620 = arith.constant 4 : i32
        %scan3A_621 = arith.addi %scan3A_466, %scan3A_620 : i32
        %get3A_622 = arith.constant 0 : i32
        %get3A_623 = arith.constant 0 : i32
        %get3A_624 = tpu.memref_slice %arg6[%scan3A_255, %get3A_622, %get3A_623] : memref<4x200x64xf32, #tpu.memory_space<vmem>> -> memref<1x200x64xf32, #tpu.memory_space<vmem>>
        %get3A_625 = tpu.memref_squeeze %get3A_624 : memref<1x200x64xf32, #tpu.memory_space<vmem>> -> memref<200x64xf32, #tpu.memory_space<vmem>>
        %get3A_626 = arith.index_cast %scan3A_621 : i32 to index
        %get3A_627 = arith.constant 0 : index
        %get3A_628 = tpu.vector_load %get3A_625[%get3A_626, %get3A_627] {strides = array<i32>} : memref<200x64xf32, #tpu.memory_space<vmem>>, vector<1x16xf32>,
        %get3A_629 = vector.shape_cast %get3A_628 : vector<1x16xf32> to vector<16xf32>
        %add3A_630 = arith.addf %add3A_592, %get3A_629 : vector<16xf32>
        %get3A_631 = arith.constant 0 : i32
        %get3A_632 = arith.constant 0 : i32
        %get3A_633 = tpu.memref_slice %arg6[%scan3A_255, %get3A_631, %get3A_632] : memref<4x200x64xf32, #tpu.memory_space<vmem>> -> memref<1x200x64xf32, #tpu.memory_space<vmem>>
        %get3A_634 = tpu.memref_squeeze %get3A_633 : memref<1x200x64xf32, #tpu.memory_space<vmem>> -> memref<200x64xf32, #tpu.memory_space<vmem>>
        %get3A_635 = arith.index_cast %scan3A_621 : i32 to index
        %get3A_636 = arith.constant 16 : index
        %get3A_637 = tpu.vector_load %get3A_634[%get3A_635, %get3A_636] {strides = array<i32>} : memref<200x64xf32, #tpu.memory_space<vmem>>, vector<1x16xf32>,
        %get3A_638 = vector.shape_cast %get3A_637 : vector<1x16xf32> to vector<16xf32>
        %add3A_639 = arith.addf %add3A_601, %get3A_638 : vector<16xf32>
        %get3A_640 = arith.constant 0 : i32
        %get3A_641 = arith.constant 0 : i32
        %get3A_642 = tpu.memref_slice %arg6[%scan3A_255, %get3A_640, %get3A_641] : memref<4x200x64xf32, #tpu.memory_space<vmem>> -> memref<1x200x64xf32, #tpu.memory_space<vmem>>
        %get3A_643 = tpu.memref_squeeze %get3A_642 : memref<1x200x64xf32, #tpu.memory_space<vmem>> -> memref<200x64xf32, #tpu.memory_space<vmem>>
        %get3A_644 = arith.index_cast %scan3A_621 : i32 to index
        %get3A_645 = arith.constant 32 : index
        %get3A_646 = tpu.vector_load %get3A_643[%get3A_644, %get3A_645] {strides = array<i32>} : memref<200x64xf32, #tpu.memory_space<vmem>>, vector<1x16xf32>,
        %get3A_647 = vector.shape_cast %get3A_646 : vector<1x16xf32> to vector<16xf32>
        %add3A_648 = arith.addf %add3A_610, %get3A_647 : vector<16xf32>
        %get3A_649 = arith.constant 0 : i32
        %get3A_650 = arith.constant 0 : i32
        %get3A_651 = tpu.memref_slice %arg6[%scan3A_255, %get3A_649, %get3A_650] : memref<4x200x64xf32, #tpu.memory_space<vmem>> -> memref<1x200x64xf32, #tpu.memory_space<vmem>>
        %get3A_652 = tpu.memref_squeeze %get3A_651 : memref<1x200x64xf32, #tpu.memory_space<vmem>> -> memref<200x64xf32, #tpu.memory_space<vmem>>
        %get3A_653 = arith.index_cast %scan3A_621 : i32 to index
        %get3A_654 = arith.constant 48 : index
        %get3A_655 = tpu.vector_load %get3A_652[%get3A_653, %get3A_654] {strides = array<i32>} : memref<200x64xf32, #tpu.memory_space<vmem>>, vector<1x16xf32>,
        %get3A_656 = vector.shape_cast %get3A_655 : vector<1x16xf32> to vector<16xf32>
        %add3A_657 = arith.addf %add3A_619, %get3A_656 : vector<16xf32>
        %scan3A_658 = arith.constant 5 : i32
        %scan3A_659 = arith.addi %scan3A_466, %scan3A_658 : i32
        %get3A_660 = arith.constant 0 : i32
        %get3A_661 = arith.constant 0 : i32
        %get3A_662 = tpu.memref_slice %arg6[%scan3A_255, %get3A_660, %get3A_661] : memref<4x200x64xf32, #tpu.memory_space<vmem>> -> memref<1x200x64xf32, #tpu.memory_space<vmem>>
        %get3A_663 = tpu.memref_squeeze %get3A_662 : memref<1x200x64xf32, #tpu.memory_space<vmem>> -> memref<200x64xf32, #tpu.memory_space<vmem>>
        %get3A_664 = arith.index_cast %scan3A_659 : i32 to index
        %get3A_665 = arith.constant 0 : index
        %get3A_666 = tpu.vector_load %get3A_663[%get3A_664, %get3A_665] {strides = array<i32>} : memref<200x64xf32, #tpu.memory_space<vmem>>, vector<1x16xf32>,
        %get3A_667 = vector.shape_cast %get3A_666 : vector<1x16xf32> to vector<16xf32>
        %add3A_668 = arith.addf %add3A_630, %get3A_667 : vector<16xf32>
        %get3A_669 = arith.constant 0 : i32
        %get3A_670 = arith.constant 0 : i32
        %get3A_671 = tpu.memref_slice %arg6[%scan3A_255, %get3A_669, %get3A_670] : memref<4x200x64xf32, #tpu.memory_space<vmem>> -> memref<1x200x64xf32, #tpu.memory_space<vmem>>
        %get3A_672 = tpu.memref_squeeze %get3A_671 : memref<1x200x64xf32, #tpu.memory_space<vmem>> -> memref<200x64xf32, #tpu.memory_space<vmem>>
        %get3A_673 = arith.index_cast %scan3A_659 : i32 to index
        %get3A_674 = arith.constant 16 : index
        %get3A_675 = tpu.vector_load %get3A_672[%get3A_673, %get3A_674] {strides = array<i32>} : memref<200x64xf32, #tpu.memory_space<vmem>>, vector<1x16xf32>,
        %get3A_676 = vector.shape_cast %get3A_675 : vector<1x16xf32> to vector<16xf32>
        %add3A_677 = arith.addf %add3A_639, %get3A_676 : vector<16xf32>
        %get3A_678 = arith.constant 0 : i32
        %get3A_679 = arith.constant 0 : i32
        %get3A_680 = tpu.memref_slice %arg6[%scan3A_255, %get3A_678, %get3A_679] : memref<4x200x64xf32, #tpu.memory_space<vmem>> -> memref<1x200x64xf32, #tpu.memory_space<vmem>>
        %get3A_681 = tpu.memref_squeeze %get3A_680 : memref<1x200x64xf32, #tpu.memory_space<vmem>> -> memref<200x64xf32, #tpu.memory_space<vmem>>
        %get3A_682 = arith.index_cast %scan3A_659 : i32 to index
        %get3A_683 = arith.constant 32 : index
        %get3A_684 = tpu.vector_load %get3A_681[%get3A_682, %get3A_683] {strides = array<i32>} : memref<200x64xf32, #tpu.memory_space<vmem>>, vector<1x16xf32>,
        %get3A_685 = vector.shape_cast %get3A_684 : vector<1x16xf32> to vector<16xf32>
        %add3A_686 = arith.addf %add3A_648, %get3A_685 : vector<16xf32>
        %get3A_687 = arith.constant 0 : i32
        %get3A_688 = arith.constant 0 : i32
        %get3A_689 = tpu.memref_slice %arg6[%scan3A_255, %get3A_687, %get3A_688] : memref<4x200x64xf32, #tpu.memory_space<vmem>> -> memref<1x200x64xf32, #tpu.memory_space<vmem>>
        %get3A_690 = tpu.memref_squeeze %get3A_689 : memref<1x200x64xf32, #tpu.memory_space<vmem>> -> memref<200x64xf32, #tpu.memory_space<vmem>>
        %get3A_691 = arith.index_cast %scan3A_659 : i32 to index
        %get3A_692 = arith.constant 48 : index
        %get3A_693 = tpu.vector_load %get3A_690[%get3A_691, %get3A_692] {strides = array<i32>} : memref<200x64xf32, #tpu.memory_space<vmem>>, vector<1x16xf32>,
        %get3A_694 = vector.shape_cast %get3A_693 : vector<1x16xf32> to vector<16xf32>
        %add3A_695 = arith.addf %add3A_657, %get3A_694 : vector<16xf32>
        %scan3A_696 = arith.constant 6 : i32
        %scan3A_697 = arith.addi %scan3A_466, %scan3A_696 : i32
        %get3A_698 = arith.constant 0 : i32
        %get3A_699 = arith.constant 0 : i32
        %get3A_700 = tpu.memref_slice %arg6[%scan3A_255, %get3A_698, %get3A_699] : memref<4x200x64xf32, #tpu.memory_space<vmem>> -> memref<1x200x64xf32, #tpu.memory_space<vmem>>
        %get3A_701 = tpu.memref_squeeze %get3A_700 : memref<1x200x64xf32, #tpu.memory_space<vmem>> -> memref<200x64xf32, #tpu.memory_space<vmem>>
        %get3A_702 = arith.index_cast %scan3A_697 : i32 to index
        %get3A_703 = arith.constant 0 : index
        %get3A_704 = tpu.vector_load %get3A_701[%get3A_702, %get3A_703] {strides = array<i32>} : memref<200x64xf32, #tpu.memory_space<vmem>>, vector<1x16xf32>,
        %get3A_705 = vector.shape_cast %get3A_704 : vector<1x16xf32> to vector<16xf32>
        %add3A_706 = arith.addf %add3A_668, %get3A_705 : vector<16xf32>
        %get3A_707 = arith.constant 0 : i32
        %get3A_708 = arith.constant 0 : i32
        %get3A_709 = tpu.memref_slice %arg6[%scan3A_255, %get3A_707, %get3A_708] : memref<4x200x64xf32, #tpu.memory_space<vmem>> -> memref<1x200x64xf32, #tpu.memory_space<vmem>>
        %get3A_710 = tpu.memref_squeeze %get3A_709 : memref<1x200x64xf32, #tpu.memory_space<vmem>> -> memref<200x64xf32, #tpu.memory_space<vmem>>
        %get3A_711 = arith.index_cast %scan3A_697 : i32 to index
        %get3A_712 = arith.constant 16 : index
        %get3A_713 = tpu.vector_load %get3A_710[%get3A_711, %get3A_712] {strides = array<i32>} : memref<200x64xf32, #tpu.memory_space<vmem>>, vector<1x16xf32>,
        %get3A_714 = vector.shape_cast %get3A_713 : vector<1x16xf32> to vector<16xf32>
        %add3A_715 = arith.addf %add3A_677, %get3A_714 : vector<16xf32>
        %get3A_716 = arith.constant 0 : i32
        %get3A_717 = arith.constant 0 : i32
        %get3A_718 = tpu.memref_slice %arg6[%scan3A_255, %get3A_716, %get3A_717] : memref<4x200x64xf32, #tpu.memory_space<vmem>> -> memref<1x200x64xf32, #tpu.memory_space<vmem>>
        %get3A_719 = tpu.memref_squeeze %get3A_718 : memref<1x200x64xf32, #tpu.memory_space<vmem>> -> memref<200x64xf32, #tpu.memory_space<vmem>>
        %get3A_720 = arith.index_cast %scan3A_697 : i32 to index
        %get3A_721 = arith.constant 32 : index
        %get3A_722 = tpu.vector_load %get3A_719[%get3A_720, %get3A_721] {strides = array<i32>} : memref<200x64xf32, #tpu.memory_space<vmem>>, vector<1x16xf32>,
        %get3A_723 = vector.shape_cast %get3A_722 : vector<1x16xf32> to vector<16xf32>
        %add3A_724 = arith.addf %add3A_686, %get3A_723 : vector<16xf32>
        %get3A_725 = arith.constant 0 : i32
        %get3A_726 = arith.constant 0 : i32
        %get3A_727 = tpu.memref_slice %arg6[%scan3A_255, %get3A_725, %get3A_726] : memref<4x200x64xf32, #tpu.memory_space<vmem>> -> memref<1x200x64xf32, #tpu.memory_space<vmem>>
        %get3A_728 = tpu.memref_squeeze %get3A_727 : memref<1x200x64xf32, #tpu.memory_space<vmem>> -> memref<200x64xf32, #tpu.memory_space<vmem>>
        %get3A_729 = arith.index_cast %scan3A_697 : i32 to index
        %get3A_730 = arith.constant 48 : index
        %get3A_731 = tpu.vector_load %get3A_728[%get3A_729, %get3A_730] {strides = array<i32>} : memref<200x64xf32, #tpu.memory_space<vmem>>, vector<1x16xf32>,
        %get3A_732 = vector.shape_cast %get3A_731 : vector<1x16xf32> to vector<16xf32>
        %add3A_733 = arith.addf %add3A_695, %get3A_732 : vector<16xf32>
        %scan3A_734 = arith.constant 7 : i32
        %scan3A_735 = arith.addi %scan3A_466, %scan3A_734 : i32
        %get3A_736 = arith.constant 0 : i32
        %get3A_737 = arith.constant 0 : i32
        %get3A_738 = tpu.memref_slice %arg6[%scan3A_255, %get3A_736, %get3A_737] : memref<4x200x64xf32, #tpu.memory_space<vmem>> -> memref<1x200x64xf32, #tpu.memory_space<vmem>>
        %get3A_739 = tpu.memref_squeeze %get3A_738 : memref<1x200x64xf32, #tpu.memory_space<vmem>> -> memref<200x64xf32, #tpu.memory_space<vmem>>
        %get3A_740 = arith.index_cast %scan3A_735 : i32 to index
        %get3A_741 = arith.constant 0 : index
        %get3A_742 = tpu.vector_load %get3A_739[%get3A_740, %get3A_741] {strides = array<i32>} : memref<200x64xf32, #tpu.memory_space<vmem>>, vector<1x16xf32>,
        %get3A_743 = vector.shape_cast %get3A_742 : vector<1x16xf32> to vector<16xf32>
        %add3A_744 = arith.addf %add3A_706, %get3A_743 : vector<16xf32>
        %get3A_745 = arith.constant 0 : i32
        %get3A_746 = arith.constant 0 : i32
        %get3A_747 = tpu.memref_slice %arg6[%scan3A_255, %get3A_745, %get3A_746] : memref<4x200x64xf32, #tpu.memory_space<vmem>> -> memref<1x200x64xf32, #tpu.memory_space<vmem>>
        %get3A_748 = tpu.memref_squeeze %get3A_747 : memref<1x200x64xf32, #tpu.memory_space<vmem>> -> memref<200x64xf32, #tpu.memory_space<vmem>>
        %get3A_749 = arith.index_cast %scan3A_735 : i32 to index
        %get3A_750 = arith.constant 16 : index
        %get3A_751 = tpu.vector_load %get3A_748[%get3A_749, %get3A_750] {strides = array<i32>} : memref<200x64xf32, #tpu.memory_space<vmem>>, vector<1x16xf32>,
        %get3A_752 = vector.shape_cast %get3A_751 : vector<1x16xf32> to vector<16xf32>
        %add3A_753 = arith.addf %add3A_715, %get3A_752 : vector<16xf32>
        %get3A_754 = arith.constant 0 : i32
        %get3A_755 = arith.constant 0 : i32
        %get3A_756 = tpu.memref_slice %arg6[%scan3A_255, %get3A_754, %get3A_755] : memref<4x200x64xf32, #tpu.memory_space<vmem>> -> memref<1x200x64xf32, #tpu.memory_space<vmem>>
        %get3A_757 = tpu.memref_squeeze %get3A_756 : memref<1x200x64xf32, #tpu.memory_space<vmem>> -> memref<200x64xf32, #tpu.memory_space<vmem>>
        %get3A_758 = arith.index_cast %scan3A_735 : i32 to index
        %get3A_759 = arith.constant 32 : index
        %get3A_760 = tpu.vector_load %get3A_757[%get3A_758, %get3A_759] {strides = array<i32>} : memref<200x64xf32, #tpu.memory_space<vmem>>, vector<1x16xf32>,
        %get3A_761 = vector.shape_cast %get3A_760 : vector<1x16xf32> to vector<16xf32>
        %add3A_762 = arith.addf %add3A_724, %get3A_761 : vector<16xf32>
        %get3A_763 = arith.constant 0 : i32
        %get3A_764 = arith.constant 0 : i32
        %get3A_765 = tpu.memref_slice %arg6[%scan3A_255, %get3A_763, %get3A_764] : memref<4x200x64xf32, #tpu.memory_space<vmem>> -> memref<1x200x64xf32, #tpu.memory_space<vmem>>
        %get3A_766 = tpu.memref_squeeze %get3A_765 : memref<1x200x64xf32, #tpu.memory_space<vmem>> -> memref<200x64xf32, #tpu.memory_space<vmem>>
        %get3A_767 = arith.index_cast %scan3A_735 : i32 to index
        %get3A_768 = arith.constant 48 : index
        %get3A_769 = tpu.vector_load %get3A_766[%get3A_767, %get3A_768] {strides = array<i32>} : memref<200x64xf32, #tpu.memory_space<vmem>>, vector<1x16xf32>,
        %get3A_770 = vector.shape_cast %get3A_769 : vector<1x16xf32> to vector<16xf32>
        %add3A_771 = arith.addf %add3A_733, %get3A_770 : vector<16xf32>
        scf.yield %add3A_744, %add3A_753, %add3A_762, %add3A_771 : vector<16xf32>, vector<16xf32>, vector<16xf32>, vector<16xf32>
      }
      %scan3A_261 = arith.constant 200 : i32
      %mul3A_262 = arith.constant 5.000000e-03 : f32
      %mul3A_263 = vector.broadcast %mul3A_262 : f32 to vector<16xf32>
      %mul3A_264 = arith.mulf %scan3A_260#0, %mul3A_263 : vector<16xf32>
      %swap3A_265 = arith.index_cast %add3A_211 : i32 to index
      %swap3A_266 = arith.constant 0 : index
      %swap3A_267 = tpu.vector_load %arg7[%swap3A_265, %swap3A_266] {strides = array<i32>} : memref<128x64xf32, #tpu.memory_space<vmem>>, vector<1x16xf32>,
      %swap3A_268 = vector.shape_cast %swap3A_267 : vector<1x16xf32> to vector<16xf32>
      %swap3A_269 = vector.shape_cast %mul3A_264 : vector<16xf32> to vector<1x16xf32>
      tpu.vector_store %arg7[%swap3A_265, %swap3A_266], %swap3A_269 {strides = array<i32>} : memref<128x64xf32, #tpu.memory_space<vmem>>, vector<1x16xf32>,
      %mul3A_270 = arith.constant 5.000000e-03 : f32
      %mul3A_271 = vector.broadcast %mul3A_270 : f32 to vector<16xf32>
      %mul3A_272 = arith.mulf %scan3A_260#1, %mul3A_271 : vector<16xf32>
      %swap3A_273 = arith.index_cast %add3A_211 : i32 to index
      %swap3A_274 = arith.constant 16 : index
      %swap3A_275 = tpu.vector_load %arg7[%swap3A_273, %swap3A_274] {strides = array<i32>} : memref<128x64xf32, #tpu.memory_space<vmem>>, vector<1x16xf32>,
      %swap3A_276 = vector.shape_cast %swap3A_275 : vector<1x16xf32> to vector<16xf32>
      %swap3A_277 = vector.shape_cast %mul3A_272 : vector<16xf32> to vector<1x16xf32>
      tpu.vector_store %arg7[%swap3A_273, %swap3A_274], %swap3A_277 {strides = array<i32>} : memref<128x64xf32, #tpu.memory_space<vmem>>, vector<1x16xf32>,
      %mul3A_278 = arith.constant 5.000000e-03 : f32
      %mul3A_279 = vector.broadcast %mul3A_278 : f32 to vector<16xf32>
      %mul3A_280 = arith.mulf %scan3A_260#2, %mul3A_279 : vector<16xf32>
      %swap3A_281 = arith.index_cast %add3A_211 : i32 to index
      %swap3A_282 = arith.constant 32 : index
      %swap3A_283 = tpu.vector_load %arg7[%swap3A_281, %swap3A_282] {strides = array<i32>} : memref<128x64xf32, #tpu.memory_space<vmem>>, vector<1x16xf32>,
      %swap3A_284 = vector.shape_cast %swap3A_283 : vector<1x16xf32> to vector<16xf32>
      %swap3A_285 = vector.shape_cast %mul3A_280 : vector<16xf32> to vector<1x16xf32>
      tpu.vector_store %arg7[%swap3A_281, %swap3A_282], %swap3A_285 {strides = array<i32>} : memref<128x64xf32, #tpu.memory_space<vmem>>, vector<1x16xf32>,
      %mul3A_286 = arith.constant 5.000000e-03 : f32
      %mul3A_287 = vector.broadcast %mul3A_286 : f32 to vector<16xf32>
      %mul3A_288 = arith.mulf %scan3A_260#3, %mul3A_287 : vector<16xf32>
      %swap3A_289 = arith.index_cast %add3A_211 : i32 to index
      %swap3A_290 = arith.constant 48 : index
      %swap3A_291 = tpu.vector_load %arg7[%swap3A_289, %swap3A_290] {strides = array<i32>} : memref<128x64xf32, #tpu.memory_space<vmem>>, vector<1x16xf32>,
      %swap3A_292 = vector.shape_cast %swap3A_291 : vector<1x16xf32> to vector<16xf32>
      %swap3A_293 = vector.shape_cast %mul3A_288 : vector<16xf32> to vector<1x16xf32>
      tpu.vector_store %arg7[%swap3A_289, %swap3A_290], %swap3A_293 {strides = array<i32>} : memref<128x64xf32, #tpu.memory_space<vmem>>, vector<1x16xf32>,
      %mul3A_294 = arith.constant 4 : i32
      %mul3A_295 = arith.muli %mul3A_294, %scan3A_127 : i32
      %add3A_296 = arith.constant 2 : i32
      %add3A_297 = arith.addi %mul3A_295, %add3A_296 : i32
      %dma_wait3A_298 = arith.constant 2 : i32
      %dma_wait3A_299 = arith.constant 0 : i32
      %dma_wait3A_300 = arith.constant 0 : i32
      %dma_wait3A_301 = tpu.memref_slice %arg6[%dma_wait3A_298, %dma_wait3A_299, %dma_wait3A_300] : memref<4x200x64xf32, #tpu.memory_space<vmem>> -> memref<1x200x64xf32, #tpu.memory_space<vmem>>
      %dma_wait3A_302 = tpu.memref_squeeze %dma_wait3A_301 : memref<1x200x64xf32, #tpu.memory_space<vmem>> -> memref<200x64xf32, #tpu.memory_space<vmem>>
      %dma_wait3A_303 = arith.constant 0 : i32
      %dma_wait3A_304 = arith.constant 0 : i32
      %dma_wait3A_305 = tpu.memref_slice %dma_wait3A_302[%dma_wait3A_303, %dma_wait3A_304] : memref<200x64xf32, #tpu.memory_space<vmem>> -> memref<128x64xf32, #tpu.memory_space<vmem>>
      %dma_wait3A_306 = arith.constant 0 : i32
      %dma_wait3A_307 = tpu.memref_slice %arg5[%add3A_297, %dma_wait3A_306] : memref<128x200xi32, #tpu.memory_space<vmem>> -> memref<1x128xi32, #tpu.memory_space<vmem>>
      %dma_wait3A_308 = tpu.memref_squeeze %dma_wait3A_307 : memref<1x128xi32, #tpu.memory_space<vmem>> -> memref<128xi32, #tpu.memory_space<vmem>>
      %dma_wait3A_309 = arith.constant 0 : i32
      %dma_wait3A_310 = arith.constant 0 : i32
      %dma_wait3A_311 = tpu.memref_slice %arg3[%dma_wait3A_309, %dma_wait3A_310] : memref<100000x64xf32, #tpu.memory_space<hbm>> -> memref<100000x64xf32, #tpu.memory_space<hbm>>
      tpu.wait_indirect_dma semaphore(%arg10 : memref<!tpu.dma_semaphore, #tpu.memory_space<semaphore_mem>>) src(%dma_wait3A_311 : memref<100000x64xf32, #tpu.memory_space<hbm>>) dst(%dma_wait3A_305 : memref<128x64xf32, #tpu.memory_space<vmem>>)
      %dma_wait3A_312 = arith.constant 2 : i32
      %dma_wait3A_313 = arith.constant 0 : i32
      %dma_wait3A_314 = arith.constant 0 : i32
      %dma_wait3A_315 = tpu.memref_slice %arg6[%dma_wait3A_312, %dma_wait3A_313, %dma_wait3A_314] : memref<4x200x64xf32, #tpu.memory_space<vmem>> -> memref<1x200x64xf32, #tpu.memory_space<vmem>>
      %dma_wait3A_316 = tpu.memref_squeeze %dma_wait3A_315 : memref<1x200x64xf32, #tpu.memory_space<vmem>> -> memref<200x64xf32, #tpu.memory_space<vmem>>
      %dma_wait3A_317 = arith.constant 128 : i32
      %dma_wait3A_318 = arith.constant 0 : i32
      %dma_wait3A_319 = tpu.memref_slice %dma_wait3A_316[%dma_wait3A_317, %dma_wait3A_318] : memref<200x64xf32, #tpu.memory_space<vmem>> -> memref<72x64xf32, #tpu.memory_space<vmem>>
      %dma_wait3A_320 = arith.constant 128 : i32
      %dma_wait3A_321 = tpu.memref_slice %arg5[%add3A_297, %dma_wait3A_320] : memref<128x200xi32, #tpu.memory_space<vmem>> -> memref<1x72xi32, #tpu.memory_space<vmem>>
      %dma_wait3A_322 = tpu.memref_squeeze %dma_wait3A_321 : memref<1x72xi32, #tpu.memory_space<vmem>> -> memref<72xi32, #tpu.memory_space<vmem>>
      %dma_wait3A_323 = arith.constant 0 : i32
      %dma_wait3A_324 = arith.constant 0 : i32
      %dma_wait3A_325 = tpu.memref_slice %arg3[%dma_wait3A_323, %dma_wait3A_324] : memref<100000x64xf32, #tpu.memory_space<hbm>> -> memref<100000x64xf32, #tpu.memory_space<hbm>>
      tpu.wait_indirect_dma semaphore(%arg10 : memref<!tpu.dma_semaphore, #tpu.memory_space<semaphore_mem>>) src(%dma_wait3A_325 : memref<100000x64xf32, #tpu.memory_space<hbm>>) dst(%dma_wait3A_319 : memref<72x64xf32, #tpu.memory_space<vmem>>)
      %add3A_326 = arith.constant 4 : i32
      %add3A_327 = arith.addi %add3A_297, %add3A_326 : i32
      %lt3A_328 = arith.constant 128 : i32
      %lt3A_329 = arith.cmpi slt, %add3A_327, %lt3A_328 : i32
      %convert_element_type3A_330 = arith.extui %lt3A_329 : i1 to i32
      %cond3A_331 = arith.constant 0 : i32
      %cond3A_332 = arith.cmpi ne, %convert_element_type3A_330, %cond3A_331 : i32
      scf.if %cond3A_332 {
        %add3A_466 = arith.constant 4 : i32
        %add3A_467 = arith.addi %add3A_297, %add3A_466 : i32
        %dma_start3A_468 = arith.constant 2 : i32
        %dma_start3A_469 = arith.constant 0 : i32
        %dma_start3A_470 = arith.constant 0 : i32
        %dma_start3A_471 = tpu.memref_slice %arg6[%dma_start3A_468, %dma_start3A_469, %dma_start3A_470] : memref<4x200x64xf32, #tpu.memory_space<vmem>> -> memref<1x200x64xf32, #tpu.memory_space<vmem>>
        %dma_start3A_472 = tpu.memref_squeeze %dma_start3A_471 : memref<1x200x64xf32, #tpu.memory_space<vmem>> -> memref<200x64xf32, #tpu.memory_space<vmem>>
        %dma_start3A_473 = arith.constant 0 : i32
        %dma_start3A_474 = arith.constant 0 : i32
        %dma_start3A_475 = tpu.memref_slice %dma_start3A_472[%dma_start3A_473, %dma_start3A_474] : memref<200x64xf32, #tpu.memory_space<vmem>> -> memref<128x64xf32, #tpu.memory_space<vmem>>
        %dma_start3A_476 = arith.constant 0 : i32
        %dma_start3A_477 = tpu.memref_slice %arg5[%add3A_467, %dma_start3A_476] : memref<128x200xi32, #tpu.memory_space<vmem>> -> memref<1x128xi32, #tpu.memory_space<vmem>>
        %dma_start3A_478 = tpu.memref_squeeze %dma_start3A_477 : memref<1x128xi32, #tpu.memory_space<vmem>> -> memref<128xi32, #tpu.memory_space<vmem>>
        %dma_start3A_479 = arith.constant 0 : i32
        %dma_start3A_480 = arith.constant 0 : i32
        %dma_start3A_481 = tpu.memref_slice %arg3[%dma_start3A_479, %dma_start3A_480] : memref<100000x64xf32, #tpu.memory_space<hbm>> -> memref<100000x64xf32, #tpu.memory_space<hbm>>
        tpu.enqueue_indirect_dma source(%dma_start3A_481 : memref<100000x64xf32, #tpu.memory_space<hbm>>) target(%dma_start3A_475 : memref<128x64xf32, #tpu.memory_space<vmem>>) offsets(%dma_start3A_478 : memref<128xi32, #tpu.memory_space<vmem>>) semaphore(%arg10 : memref<!tpu.dma_semaphore, #tpu.memory_space<semaphore_mem>>)
        %dma_start3A_482 = arith.constant 2 : i32
        %dma_start3A_483 = arith.constant 0 : i32
        %dma_start3A_484 = arith.constant 0 : i32
        %dma_start3A_485 = tpu.memref_slice %arg6[%dma_start3A_482, %dma_start3A_483, %dma_start3A_484] : memref<4x200x64xf32, #tpu.memory_space<vmem>> -> memref<1x200x64xf32, #tpu.memory_space<vmem>>
        %dma_start3A_486 = tpu.memref_squeeze %dma_start3A_485 : memref<1x200x64xf32, #tpu.memory_space<vmem>> -> memref<200x64xf32, #tpu.memory_space<vmem>>
        %dma_start3A_487 = arith.constant 128 : i32
        %dma_start3A_488 = arith.constant 0 : i32
        %dma_start3A_489 = tpu.memref_slice %dma_start3A_486[%dma_start3A_487, %dma_start3A_488] : memref<200x64xf32, #tpu.memory_space<vmem>> -> memref<72x64xf32, #tpu.memory_space<vmem>>
        %dma_start3A_490 = arith.constant 128 : i32
        %dma_start3A_491 = tpu.memref_slice %arg5[%add3A_467, %dma_start3A_490] : memref<128x200xi32, #tpu.memory_space<vmem>> -> memref<1x72xi32, #tpu.memory_space<vmem>>
        %dma_start3A_492 = tpu.memref_squeeze %dma_start3A_491 : memref<1x72xi32, #tpu.memory_space<vmem>> -> memref<72xi32, #tpu.memory_space<vmem>>
        %dma_start3A_493 = arith.constant 0 : i32
        %dma_start3A_494 = arith.constant 0 : i32
        %dma_start3A_495 = tpu.memref_slice %arg3[%dma_start3A_493, %dma_start3A_494] : memref<100000x64xf32, #tpu.memory_space<hbm>> -> memref<100000x64xf32, #tpu.memory_space<hbm>>
        tpu.enqueue_indirect_dma source(%dma_start3A_495 : memref<100000x64xf32, #tpu.memory_space<hbm>>) target(%dma_start3A_489 : memref<72x64xf32, #tpu.memory_space<vmem>>) offsets(%dma_start3A_492 : memref<72xi32, #tpu.memory_space<vmem>>) semaphore(%arg10 : memref<!tpu.dma_semaphore, #tpu.memory_space<semaphore_mem>>)
      } else {
      }
      %broadcast_in_dim3A_333 = arith.constant 0.000000e+00 : f32
      %broadcast_in_dim3A_334 = vector.broadcast %broadcast_in_dim3A_333 : f32 to vector<16xf32>
      %broadcast_in_dim3A_335 = arith.constant 0.000000e+00 : f32
      %broadcast_in_dim3A_336 = vector.broadcast %broadcast_in_dim3A_335 : f32 to vector<16xf32>
      %broadcast_in_dim3A_337 = arith.constant 0.000000e+00 : f32
      %broadcast_in_dim3A_338 = vector.broadcast %broadcast_in_dim3A_337 : f32 to vector<16xf32>
      %broadcast_in_dim3A_339 = arith.constant 0.000000e+00 : f32
      %broadcast_in_dim3A_340 = vector.broadcast %broadcast_in_dim3A_339 : f32 to vector<16xf32>
      %scan3A_341 = arith.constant 2 : i32
      %scan3A_342 = arith.constant 0 : i32
      %scan3A_343 = arith.constant 200 : i32
      %scan3A_344 = arith.addi %scan3A_342, %scan3A_343 : i32
      %scan3A_345 = arith.constant 8 : i32
      %scan3A_346:4 = scf.for %scan3A_466 = %scan3A_342 to %scan3A_344 step %scan3A_345 iter_args(%scan3A_467 = %broadcast_in_dim3A_334, %scan3A_468 = %broadcast_in_dim3A_336, %scan3A_469 = %broadcast_in_dim3A_338, %scan3A_470 = %broadcast_in_dim3A_340) -> (vector<16xf32>, vector<16xf32>, vector<16xf32>, vector<16xf32>)  : i32 {
        %get3A = arith.constant 0 : i32
        %get3A_471 = arith.constant 0 : i32
        %get3A_472 = tpu.memref_slice %arg6[%scan3A_341, %get3A, %get3A_471] : memref<4x200x64xf32, #tpu.memory_space<vmem>> -> memref<1x200x64xf32, #tpu.memory_space<vmem>>
        %get3A_473 = tpu.memref_squeeze %get3A_472 : memref<1x200x64xf32, #tpu.memory_space<vmem>> -> memref<200x64xf32, #tpu.memory_space<vmem>>
        %get3A_474 = arith.index_cast %scan3A_466 : i32 to index
        %get3A_475 = arith.constant 0 : index
        %get3A_476 = tpu.vector_load %get3A_473[%get3A_474, %get3A_475] {strides = array<i32>} : memref<200x64xf32, #tpu.memory_space<vmem>>, vector<1x16xf32>,
        %get3A_477 = vector.shape_cast %get3A_476 : vector<1x16xf32> to vector<16xf32>
        %add3A_478 = arith.addf %scan3A_467, %get3A_477 : vector<16xf32>
        %get3A_479 = arith.constant 0 : i32
        %get3A_480 = arith.constant 0 : i32
        %get3A_481 = tpu.memref_slice %arg6[%scan3A_341, %get3A_479, %get3A_480] : memref<4x200x64xf32, #tpu.memory_space<vmem>> -> memref<1x200x64xf32, #tpu.memory_space<vmem>>
        %get3A_482 = tpu.memref_squeeze %get3A_481 : memref<1x200x64xf32, #tpu.memory_space<vmem>> -> memref<200x64xf32, #tpu.memory_space<vmem>>
        %get3A_483 = arith.index_cast %scan3A_466 : i32 to index
        %get3A_484 = arith.constant 16 : index
        %get3A_485 = tpu.vector_load %get3A_482[%get3A_483, %get3A_484] {strides = array<i32>} : memref<200x64xf32, #tpu.memory_space<vmem>>, vector<1x16xf32>,
        %get3A_486 = vector.shape_cast %get3A_485 : vector<1x16xf32> to vector<16xf32>
        %add3A_487 = arith.addf %scan3A_468, %get3A_486 : vector<16xf32>
        %get3A_488 = arith.constant 0 : i32
        %get3A_489 = arith.constant 0 : i32
        %get3A_490 = tpu.memref_slice %arg6[%scan3A_341, %get3A_488, %get3A_489] : memref<4x200x64xf32, #tpu.memory_space<vmem>> -> memref<1x200x64xf32, #tpu.memory_space<vmem>>
        %get3A_491 = tpu.memref_squeeze %get3A_490 : memref<1x200x64xf32, #tpu.memory_space<vmem>> -> memref<200x64xf32, #tpu.memory_space<vmem>>
        %get3A_492 = arith.index_cast %scan3A_466 : i32 to index
        %get3A_493 = arith.constant 32 : index
        %get3A_494 = tpu.vector_load %get3A_491[%get3A_492, %get3A_493] {strides = array<i32>} : memref<200x64xf32, #tpu.memory_space<vmem>>, vector<1x16xf32>,
        %get3A_495 = vector.shape_cast %get3A_494 : vector<1x16xf32> to vector<16xf32>
        %add3A_496 = arith.addf %scan3A_469, %get3A_495 : vector<16xf32>
        %get3A_497 = arith.constant 0 : i32
        %get3A_498 = arith.constant 0 : i32
        %get3A_499 = tpu.memref_slice %arg6[%scan3A_341, %get3A_497, %get3A_498] : memref<4x200x64xf32, #tpu.memory_space<vmem>> -> memref<1x200x64xf32, #tpu.memory_space<vmem>>
        %get3A_500 = tpu.memref_squeeze %get3A_499 : memref<1x200x64xf32, #tpu.memory_space<vmem>> -> memref<200x64xf32, #tpu.memory_space<vmem>>
        %get3A_501 = arith.index_cast %scan3A_466 : i32 to index
        %get3A_502 = arith.constant 48 : index
        %get3A_503 = tpu.vector_load %get3A_500[%get3A_501, %get3A_502] {strides = array<i32>} : memref<200x64xf32, #tpu.memory_space<vmem>>, vector<1x16xf32>,
        %get3A_504 = vector.shape_cast %get3A_503 : vector<1x16xf32> to vector<16xf32>
        %add3A_505 = arith.addf %scan3A_470, %get3A_504 : vector<16xf32>
        %scan3A_506 = arith.constant 1 : i32
        %scan3A_507 = arith.addi %scan3A_466, %scan3A_506 : i32
        %get3A_508 = arith.constant 0 : i32
        %get3A_509 = arith.constant 0 : i32
        %get3A_510 = tpu.memref_slice %arg6[%scan3A_341, %get3A_508, %get3A_509] : memref<4x200x64xf32, #tpu.memory_space<vmem>> -> memref<1x200x64xf32, #tpu.memory_space<vmem>>
        %get3A_511 = tpu.memref_squeeze %get3A_510 : memref<1x200x64xf32, #tpu.memory_space<vmem>> -> memref<200x64xf32, #tpu.memory_space<vmem>>
        %get3A_512 = arith.index_cast %scan3A_507 : i32 to index
        %get3A_513 = arith.constant 0 : index
        %get3A_514 = tpu.vector_load %get3A_511[%get3A_512, %get3A_513] {strides = array<i32>} : memref<200x64xf32, #tpu.memory_space<vmem>>, vector<1x16xf32>,
        %get3A_515 = vector.shape_cast %get3A_514 : vector<1x16xf32> to vector<16xf32>
        %add3A_516 = arith.addf %add3A_478, %get3A_515 : vector<16xf32>
        %get3A_517 = arith.constant 0 : i32
        %get3A_518 = arith.constant 0 : i32
        %get3A_519 = tpu.memref_slice %arg6[%scan3A_341, %get3A_517, %get3A_518] : memref<4x200x64xf32, #tpu.memory_space<vmem>> -> memref<1x200x64xf32, #tpu.memory_space<vmem>>
        %get3A_520 = tpu.memref_squeeze %get3A_519 : memref<1x200x64xf32, #tpu.memory_space<vmem>> -> memref<200x64xf32, #tpu.memory_space<vmem>>
        %get3A_521 = arith.index_cast %scan3A_507 : i32 to index
        %get3A_522 = arith.constant 16 : index
        %get3A_523 = tpu.vector_load %get3A_520[%get3A_521, %get3A_522] {strides = array<i32>} : memref<200x64xf32, #tpu.memory_space<vmem>>, vector<1x16xf32>,
        %get3A_524 = vector.shape_cast %get3A_523 : vector<1x16xf32> to vector<16xf32>
        %add3A_525 = arith.addf %add3A_487, %get3A_524 : vector<16xf32>
        %get3A_526 = arith.constant 0 : i32
        %get3A_527 = arith.constant 0 : i32
        %get3A_528 = tpu.memref_slice %arg6[%scan3A_341, %get3A_526, %get3A_527] : memref<4x200x64xf32, #tpu.memory_space<vmem>> -> memref<1x200x64xf32, #tpu.memory_space<vmem>>
        %get3A_529 = tpu.memref_squeeze %get3A_528 : memref<1x200x64xf32, #tpu.memory_space<vmem>> -> memref<200x64xf32, #tpu.memory_space<vmem>>
        %get3A_530 = arith.index_cast %scan3A_507 : i32 to index
        %get3A_531 = arith.constant 32 : index
        %get3A_532 = tpu.vector_load %get3A_529[%get3A_530, %get3A_531] {strides = array<i32>} : memref<200x64xf32, #tpu.memory_space<vmem>>, vector<1x16xf32>,
        %get3A_533 = vector.shape_cast %get3A_532 : vector<1x16xf32> to vector<16xf32>
        %add3A_534 = arith.addf %add3A_496, %get3A_533 : vector<16xf32>
        %get3A_535 = arith.constant 0 : i32
        %get3A_536 = arith.constant 0 : i32
        %get3A_537 = tpu.memref_slice %arg6[%scan3A_341, %get3A_535, %get3A_536] : memref<4x200x64xf32, #tpu.memory_space<vmem>> -> memref<1x200x64xf32, #tpu.memory_space<vmem>>
        %get3A_538 = tpu.memref_squeeze %get3A_537 : memref<1x200x64xf32, #tpu.memory_space<vmem>> -> memref<200x64xf32, #tpu.memory_space<vmem>>
        %get3A_539 = arith.index_cast %scan3A_507 : i32 to index
        %get3A_540 = arith.constant 48 : index
        %get3A_541 = tpu.vector_load %get3A_538[%get3A_539, %get3A_540] {strides = array<i32>} : memref<200x64xf32, #tpu.memory_space<vmem>>, vector<1x16xf32>,
        %get3A_542 = vector.shape_cast %get3A_541 : vector<1x16xf32> to vector<16xf32>
        %add3A_543 = arith.addf %add3A_505, %get3A_542 : vector<16xf32>
        %scan3A_544 = arith.constant 2 : i32
        %scan3A_545 = arith.addi %scan3A_466, %scan3A_544 : i32
        %get3A_546 = arith.constant 0 : i32
        %get3A_547 = arith.constant 0 : i32
        %get3A_548 = tpu.memref_slice %arg6[%scan3A_341, %get3A_546, %get3A_547] : memref<4x200x64xf32, #tpu.memory_space<vmem>> -> memref<1x200x64xf32, #tpu.memory_space<vmem>>
        %get3A_549 = tpu.memref_squeeze %get3A_548 : memref<1x200x64xf32, #tpu.memory_space<vmem>> -> memref<200x64xf32, #tpu.memory_space<vmem>>
        %get3A_550 = arith.index_cast %scan3A_545 : i32 to index
        %get3A_551 = arith.constant 0 : index
        %get3A_552 = tpu.vector_load %get3A_549[%get3A_550, %get3A_551] {strides = array<i32>} : memref<200x64xf32, #tpu.memory_space<vmem>>, vector<1x16xf32>,
        %get3A_553 = vector.shape_cast %get3A_552 : vector<1x16xf32> to vector<16xf32>
        %add3A_554 = arith.addf %add3A_516, %get3A_553 : vector<16xf32>
        %get3A_555 = arith.constant 0 : i32
        %get3A_556 = arith.constant 0 : i32
        %get3A_557 = tpu.memref_slice %arg6[%scan3A_341, %get3A_555, %get3A_556] : memref<4x200x64xf32, #tpu.memory_space<vmem>> -> memref<1x200x64xf32, #tpu.memory_space<vmem>>
        %get3A_558 = tpu.memref_squeeze %get3A_557 : memref<1x200x64xf32, #tpu.memory_space<vmem>> -> memref<200x64xf32, #tpu.memory_space<vmem>>
        %get3A_559 = arith.index_cast %scan3A_545 : i32 to index
        %get3A_560 = arith.constant 16 : index
        %get3A_561 = tpu.vector_load %get3A_558[%get3A_559, %get3A_560] {strides = array<i32>} : memref<200x64xf32, #tpu.memory_space<vmem>>, vector<1x16xf32>,
        %get3A_562 = vector.shape_cast %get3A_561 : vector<1x16xf32> to vector<16xf32>
        %add3A_563 = arith.addf %add3A_525, %get3A_562 : vector<16xf32>
        %get3A_564 = arith.constant 0 : i32
        %get3A_565 = arith.constant 0 : i32
        %get3A_566 = tpu.memref_slice %arg6[%scan3A_341, %get3A_564, %get3A_565] : memref<4x200x64xf32, #tpu.memory_space<vmem>> -> memref<1x200x64xf32, #tpu.memory_space<vmem>>
        %get3A_567 = tpu.memref_squeeze %get3A_566 : memref<1x200x64xf32, #tpu.memory_space<vmem>> -> memref<200x64xf32, #tpu.memory_space<vmem>>
        %get3A_568 = arith.index_cast %scan3A_545 : i32 to index
        %get3A_569 = arith.constant 32 : index
        %get3A_570 = tpu.vector_load %get3A_567[%get3A_568, %get3A_569] {strides = array<i32>} : memref<200x64xf32, #tpu.memory_space<vmem>>, vector<1x16xf32>,
        %get3A_571 = vector.shape_cast %get3A_570 : vector<1x16xf32> to vector<16xf32>
        %add3A_572 = arith.addf %add3A_534, %get3A_571 : vector<16xf32>
        %get3A_573 = arith.constant 0 : i32
        %get3A_574 = arith.constant 0 : i32
        %get3A_575 = tpu.memref_slice %arg6[%scan3A_341, %get3A_573, %get3A_574] : memref<4x200x64xf32, #tpu.memory_space<vmem>> -> memref<1x200x64xf32, #tpu.memory_space<vmem>>
        %get3A_576 = tpu.memref_squeeze %get3A_575 : memref<1x200x64xf32, #tpu.memory_space<vmem>> -> memref<200x64xf32, #tpu.memory_space<vmem>>
        %get3A_577 = arith.index_cast %scan3A_545 : i32 to index
        %get3A_578 = arith.constant 48 : index
        %get3A_579 = tpu.vector_load %get3A_576[%get3A_577, %get3A_578] {strides = array<i32>} : memref<200x64xf32, #tpu.memory_space<vmem>>, vector<1x16xf32>,
        %get3A_580 = vector.shape_cast %get3A_579 : vector<1x16xf32> to vector<16xf32>
        %add3A_581 = arith.addf %add3A_543, %get3A_580 : vector<16xf32>
        %scan3A_582 = arith.constant 3 : i32
        %scan3A_583 = arith.addi %scan3A_466, %scan3A_582 : i32
        %get3A_584 = arith.constant 0 : i32
        %get3A_585 = arith.constant 0 : i32
        %get3A_586 = tpu.memref_slice %arg6[%scan3A_341, %get3A_584, %get3A_585] : memref<4x200x64xf32, #tpu.memory_space<vmem>> -> memref<1x200x64xf32, #tpu.memory_space<vmem>>
        %get3A_587 = tpu.memref_squeeze %get3A_586 : memref<1x200x64xf32, #tpu.memory_space<vmem>> -> memref<200x64xf32, #tpu.memory_space<vmem>>
        %get3A_588 = arith.index_cast %scan3A_583 : i32 to index
        %get3A_589 = arith.constant 0 : index
        %get3A_590 = tpu.vector_load %get3A_587[%get3A_588, %get3A_589] {strides = array<i32>} : memref<200x64xf32, #tpu.memory_space<vmem>>, vector<1x16xf32>,
        %get3A_591 = vector.shape_cast %get3A_590 : vector<1x16xf32> to vector<16xf32>
        %add3A_592 = arith.addf %add3A_554, %get3A_591 : vector<16xf32>
        %get3A_593 = arith.constant 0 : i32
        %get3A_594 = arith.constant 0 : i32
        %get3A_595 = tpu.memref_slice %arg6[%scan3A_341, %get3A_593, %get3A_594] : memref<4x200x64xf32, #tpu.memory_space<vmem>> -> memref<1x200x64xf32, #tpu.memory_space<vmem>>
        %get3A_596 = tpu.memref_squeeze %get3A_595 : memref<1x200x64xf32, #tpu.memory_space<vmem>> -> memref<200x64xf32, #tpu.memory_space<vmem>>
        %get3A_597 = arith.index_cast %scan3A_583 : i32 to index
        %get3A_598 = arith.constant 16 : index
        %get3A_599 = tpu.vector_load %get3A_596[%get3A_597, %get3A_598] {strides = array<i32>} : memref<200x64xf32, #tpu.memory_space<vmem>>, vector<1x16xf32>,
        %get3A_600 = vector.shape_cast %get3A_599 : vector<1x16xf32> to vector<16xf32>
        %add3A_601 = arith.addf %add3A_563, %get3A_600 : vector<16xf32>
        %get3A_602 = arith.constant 0 : i32
        %get3A_603 = arith.constant 0 : i32
        %get3A_604 = tpu.memref_slice %arg6[%scan3A_341, %get3A_602, %get3A_603] : memref<4x200x64xf32, #tpu.memory_space<vmem>> -> memref<1x200x64xf32, #tpu.memory_space<vmem>>
        %get3A_605 = tpu.memref_squeeze %get3A_604 : memref<1x200x64xf32, #tpu.memory_space<vmem>> -> memref<200x64xf32, #tpu.memory_space<vmem>>
        %get3A_606 = arith.index_cast %scan3A_583 : i32 to index
        %get3A_607 = arith.constant 32 : index
        %get3A_608 = tpu.vector_load %get3A_605[%get3A_606, %get3A_607] {strides = array<i32>} : memref<200x64xf32, #tpu.memory_space<vmem>>, vector<1x16xf32>,
        %get3A_609 = vector.shape_cast %get3A_608 : vector<1x16xf32> to vector<16xf32>
        %add3A_610 = arith.addf %add3A_572, %get3A_609 : vector<16xf32>
        %get3A_611 = arith.constant 0 : i32
        %get3A_612 = arith.constant 0 : i32
        %get3A_613 = tpu.memref_slice %arg6[%scan3A_341, %get3A_611, %get3A_612] : memref<4x200x64xf32, #tpu.memory_space<vmem>> -> memref<1x200x64xf32, #tpu.memory_space<vmem>>
        %get3A_614 = tpu.memref_squeeze %get3A_613 : memref<1x200x64xf32, #tpu.memory_space<vmem>> -> memref<200x64xf32, #tpu.memory_space<vmem>>
        %get3A_615 = arith.index_cast %scan3A_583 : i32 to index
        %get3A_616 = arith.constant 48 : index
        %get3A_617 = tpu.vector_load %get3A_614[%get3A_615, %get3A_616] {strides = array<i32>} : memref<200x64xf32, #tpu.memory_space<vmem>>, vector<1x16xf32>,
        %get3A_618 = vector.shape_cast %get3A_617 : vector<1x16xf32> to vector<16xf32>
        %add3A_619 = arith.addf %add3A_581, %get3A_618 : vector<16xf32>
        %scan3A_620 = arith.constant 4 : i32
        %scan3A_621 = arith.addi %scan3A_466, %scan3A_620 : i32
        %get3A_622 = arith.constant 0 : i32
        %get3A_623 = arith.constant 0 : i32
        %get3A_624 = tpu.memref_slice %arg6[%scan3A_341, %get3A_622, %get3A_623] : memref<4x200x64xf32, #tpu.memory_space<vmem>> -> memref<1x200x64xf32, #tpu.memory_space<vmem>>
        %get3A_625 = tpu.memref_squeeze %get3A_624 : memref<1x200x64xf32, #tpu.memory_space<vmem>> -> memref<200x64xf32, #tpu.memory_space<vmem>>
        %get3A_626 = arith.index_cast %scan3A_621 : i32 to index
        %get3A_627 = arith.constant 0 : index
        %get3A_628 = tpu.vector_load %get3A_625[%get3A_626, %get3A_627] {strides = array<i32>} : memref<200x64xf32, #tpu.memory_space<vmem>>, vector<1x16xf32>,
        %get3A_629 = vector.shape_cast %get3A_628 : vector<1x16xf32> to vector<16xf32>
        %add3A_630 = arith.addf %add3A_592, %get3A_629 : vector<16xf32>
        %get3A_631 = arith.constant 0 : i32
        %get3A_632 = arith.constant 0 : i32
        %get3A_633 = tpu.memref_slice %arg6[%scan3A_341, %get3A_631, %get3A_632] : memref<4x200x64xf32, #tpu.memory_space<vmem>> -> memref<1x200x64xf32, #tpu.memory_space<vmem>>
        %get3A_634 = tpu.memref_squeeze %get3A_633 : memref<1x200x64xf32, #tpu.memory_space<vmem>> -> memref<200x64xf32, #tpu.memory_space<vmem>>
        %get3A_635 = arith.index_cast %scan3A_621 : i32 to index
        %get3A_636 = arith.constant 16 : index
        %get3A_637 = tpu.vector_load %get3A_634[%get3A_635, %get3A_636] {strides = array<i32>} : memref<200x64xf32, #tpu.memory_space<vmem>>, vector<1x16xf32>,
        %get3A_638 = vector.shape_cast %get3A_637 : vector<1x16xf32> to vector<16xf32>
        %add3A_639 = arith.addf %add3A_601, %get3A_638 : vector<16xf32>
        %get3A_640 = arith.constant 0 : i32
        %get3A_641 = arith.constant 0 : i32
        %get3A_642 = tpu.memref_slice %arg6[%scan3A_341, %get3A_640, %get3A_641] : memref<4x200x64xf32, #tpu.memory_space<vmem>> -> memref<1x200x64xf32, #tpu.memory_space<vmem>>
        %get3A_643 = tpu.memref_squeeze %get3A_642 : memref<1x200x64xf32, #tpu.memory_space<vmem>> -> memref<200x64xf32, #tpu.memory_space<vmem>>
        %get3A_644 = arith.index_cast %scan3A_621 : i32 to index
        %get3A_645 = arith.constant 32 : index
        %get3A_646 = tpu.vector_load %get3A_643[%get3A_644, %get3A_645] {strides = array<i32>} : memref<200x64xf32, #tpu.memory_space<vmem>>, vector<1x16xf32>,
        %get3A_647 = vector.shape_cast %get3A_646 : vector<1x16xf32> to vector<16xf32>
        %add3A_648 = arith.addf %add3A_610, %get3A_647 : vector<16xf32>
        %get3A_649 = arith.constant 0 : i32
        %get3A_650 = arith.constant 0 : i32
        %get3A_651 = tpu.memref_slice %arg6[%scan3A_341, %get3A_649, %get3A_650] : memref<4x200x64xf32, #tpu.memory_space<vmem>> -> memref<1x200x64xf32, #tpu.memory_space<vmem>>
        %get3A_652 = tpu.memref_squeeze %get3A_651 : memref<1x200x64xf32, #tpu.memory_space<vmem>> -> memref<200x64xf32, #tpu.memory_space<vmem>>
        %get3A_653 = arith.index_cast %scan3A_621 : i32 to index
        %get3A_654 = arith.constant 48 : index
        %get3A_655 = tpu.vector_load %get3A_652[%get3A_653, %get3A_654] {strides = array<i32>} : memref<200x64xf32, #tpu.memory_space<vmem>>, vector<1x16xf32>,
        %get3A_656 = vector.shape_cast %get3A_655 : vector<1x16xf32> to vector<16xf32>
        %add3A_657 = arith.addf %add3A_619, %get3A_656 : vector<16xf32>
        %scan3A_658 = arith.constant 5 : i32
        %scan3A_659 = arith.addi %scan3A_466, %scan3A_658 : i32
        %get3A_660 = arith.constant 0 : i32
        %get3A_661 = arith.constant 0 : i32
        %get3A_662 = tpu.memref_slice %arg6[%scan3A_341, %get3A_660, %get3A_661] : memref<4x200x64xf32, #tpu.memory_space<vmem>> -> memref<1x200x64xf32, #tpu.memory_space<vmem>>
        %get3A_663 = tpu.memref_squeeze %get3A_662 : memref<1x200x64xf32, #tpu.memory_space<vmem>> -> memref<200x64xf32, #tpu.memory_space<vmem>>
        %get3A_664 = arith.index_cast %scan3A_659 : i32 to index
        %get3A_665 = arith.constant 0 : index
        %get3A_666 = tpu.vector_load %get3A_663[%get3A_664, %get3A_665] {strides = array<i32>} : memref<200x64xf32, #tpu.memory_space<vmem>>, vector<1x16xf32>,
        %get3A_667 = vector.shape_cast %get3A_666 : vector<1x16xf32> to vector<16xf32>
        %add3A_668 = arith.addf %add3A_630, %get3A_667 : vector<16xf32>
        %get3A_669 = arith.constant 0 : i32
        %get3A_670 = arith.constant 0 : i32
        %get3A_671 = tpu.memref_slice %arg6[%scan3A_341, %get3A_669, %get3A_670] : memref<4x200x64xf32, #tpu.memory_space<vmem>> -> memref<1x200x64xf32, #tpu.memory_space<vmem>>
        %get3A_672 = tpu.memref_squeeze %get3A_671 : memref<1x200x64xf32, #tpu.memory_space<vmem>> -> memref<200x64xf32, #tpu.memory_space<vmem>>
        %get3A_673 = arith.index_cast %scan3A_659 : i32 to index
        %get3A_674 = arith.constant 16 : index
        %get3A_675 = tpu.vector_load %get3A_672[%get3A_673, %get3A_674] {strides = array<i32>} : memref<200x64xf32, #tpu.memory_space<vmem>>, vector<1x16xf32>,
        %get3A_676 = vector.shape_cast %get3A_675 : vector<1x16xf32> to vector<16xf32>
        %add3A_677 = arith.addf %add3A_639, %get3A_676 : vector<16xf32>
        %get3A_678 = arith.constant 0 : i32
        %get3A_679 = arith.constant 0 : i32
        %get3A_680 = tpu.memref_slice %arg6[%scan3A_341, %get3A_678, %get3A_679] : memref<4x200x64xf32, #tpu.memory_space<vmem>> -> memref<1x200x64xf32, #tpu.memory_space<vmem>>
        %get3A_681 = tpu.memref_squeeze %get3A_680 : memref<1x200x64xf32, #tpu.memory_space<vmem>> -> memref<200x64xf32, #tpu.memory_space<vmem>>
        %get3A_682 = arith.index_cast %scan3A_659 : i32 to index
        %get3A_683 = arith.constant 32 : index
        %get3A_684 = tpu.vector_load %get3A_681[%get3A_682, %get3A_683] {strides = array<i32>} : memref<200x64xf32, #tpu.memory_space<vmem>>, vector<1x16xf32>,
        %get3A_685 = vector.shape_cast %get3A_684 : vector<1x16xf32> to vector<16xf32>
        %add3A_686 = arith.addf %add3A_648, %get3A_685 : vector<16xf32>
        %get3A_687 = arith.constant 0 : i32
        %get3A_688 = arith.constant 0 : i32
        %get3A_689 = tpu.memref_slice %arg6[%scan3A_341, %get3A_687, %get3A_688] : memref<4x200x64xf32, #tpu.memory_space<vmem>> -> memref<1x200x64xf32, #tpu.memory_space<vmem>>
        %get3A_690 = tpu.memref_squeeze %get3A_689 : memref<1x200x64xf32, #tpu.memory_space<vmem>> -> memref<200x64xf32, #tpu.memory_space<vmem>>
        %get3A_691 = arith.index_cast %scan3A_659 : i32 to index
        %get3A_692 = arith.constant 48 : index
        %get3A_693 = tpu.vector_load %get3A_690[%get3A_691, %get3A_692] {strides = array<i32>} : memref<200x64xf32, #tpu.memory_space<vmem>>, vector<1x16xf32>,
        %get3A_694 = vector.shape_cast %get3A_693 : vector<1x16xf32> to vector<16xf32>
        %add3A_695 = arith.addf %add3A_657, %get3A_694 : vector<16xf32>
        %scan3A_696 = arith.constant 6 : i32
        %scan3A_697 = arith.addi %scan3A_466, %scan3A_696 : i32
        %get3A_698 = arith.constant 0 : i32
        %get3A_699 = arith.constant 0 : i32
        %get3A_700 = tpu.memref_slice %arg6[%scan3A_341, %get3A_698, %get3A_699] : memref<4x200x64xf32, #tpu.memory_space<vmem>> -> memref<1x200x64xf32, #tpu.memory_space<vmem>>
        %get3A_701 = tpu.memref_squeeze %get3A_700 : memref<1x200x64xf32, #tpu.memory_space<vmem>> -> memref<200x64xf32, #tpu.memory_space<vmem>>
        %get3A_702 = arith.index_cast %scan3A_697 : i32 to index
        %get3A_703 = arith.constant 0 : index
        %get3A_704 = tpu.vector_load %get3A_701[%get3A_702, %get3A_703] {strides = array<i32>} : memref<200x64xf32, #tpu.memory_space<vmem>>, vector<1x16xf32>,
        %get3A_705 = vector.shape_cast %get3A_704 : vector<1x16xf32> to vector<16xf32>
        %add3A_706 = arith.addf %add3A_668, %get3A_705 : vector<16xf32>
        %get3A_707 = arith.constant 0 : i32
        %get3A_708 = arith.constant 0 : i32
        %get3A_709 = tpu.memref_slice %arg6[%scan3A_341, %get3A_707, %get3A_708] : memref<4x200x64xf32, #tpu.memory_space<vmem>> -> memref<1x200x64xf32, #tpu.memory_space<vmem>>
        %get3A_710 = tpu.memref_squeeze %get3A_709 : memref<1x200x64xf32, #tpu.memory_space<vmem>> -> memref<200x64xf32, #tpu.memory_space<vmem>>
        %get3A_711 = arith.index_cast %scan3A_697 : i32 to index
        %get3A_712 = arith.constant 16 : index
        %get3A_713 = tpu.vector_load %get3A_710[%get3A_711, %get3A_712] {strides = array<i32>} : memref<200x64xf32, #tpu.memory_space<vmem>>, vector<1x16xf32>,
        %get3A_714 = vector.shape_cast %get3A_713 : vector<1x16xf32> to vector<16xf32>
        %add3A_715 = arith.addf %add3A_677, %get3A_714 : vector<16xf32>
        %get3A_716 = arith.constant 0 : i32
        %get3A_717 = arith.constant 0 : i32
        %get3A_718 = tpu.memref_slice %arg6[%scan3A_341, %get3A_716, %get3A_717] : memref<4x200x64xf32, #tpu.memory_space<vmem>> -> memref<1x200x64xf32, #tpu.memory_space<vmem>>
        %get3A_719 = tpu.memref_squeeze %get3A_718 : memref<1x200x64xf32, #tpu.memory_space<vmem>> -> memref<200x64xf32, #tpu.memory_space<vmem>>
        %get3A_720 = arith.index_cast %scan3A_697 : i32 to index
        %get3A_721 = arith.constant 32 : index
        %get3A_722 = tpu.vector_load %get3A_719[%get3A_720, %get3A_721] {strides = array<i32>} : memref<200x64xf32, #tpu.memory_space<vmem>>, vector<1x16xf32>,
        %get3A_723 = vector.shape_cast %get3A_722 : vector<1x16xf32> to vector<16xf32>
        %add3A_724 = arith.addf %add3A_686, %get3A_723 : vector<16xf32>
        %get3A_725 = arith.constant 0 : i32
        %get3A_726 = arith.constant 0 : i32
        %get3A_727 = tpu.memref_slice %arg6[%scan3A_341, %get3A_725, %get3A_726] : memref<4x200x64xf32, #tpu.memory_space<vmem>> -> memref<1x200x64xf32, #tpu.memory_space<vmem>>
        %get3A_728 = tpu.memref_squeeze %get3A_727 : memref<1x200x64xf32, #tpu.memory_space<vmem>> -> memref<200x64xf32, #tpu.memory_space<vmem>>
        %get3A_729 = arith.index_cast %scan3A_697 : i32 to index
        %get3A_730 = arith.constant 48 : index
        %get3A_731 = tpu.vector_load %get3A_728[%get3A_729, %get3A_730] {strides = array<i32>} : memref<200x64xf32, #tpu.memory_space<vmem>>, vector<1x16xf32>,
        %get3A_732 = vector.shape_cast %get3A_731 : vector<1x16xf32> to vector<16xf32>
        %add3A_733 = arith.addf %add3A_695, %get3A_732 : vector<16xf32>
        %scan3A_734 = arith.constant 7 : i32
        %scan3A_735 = arith.addi %scan3A_466, %scan3A_734 : i32
        %get3A_736 = arith.constant 0 : i32
        %get3A_737 = arith.constant 0 : i32
        %get3A_738 = tpu.memref_slice %arg6[%scan3A_341, %get3A_736, %get3A_737] : memref<4x200x64xf32, #tpu.memory_space<vmem>> -> memref<1x200x64xf32, #tpu.memory_space<vmem>>
        %get3A_739 = tpu.memref_squeeze %get3A_738 : memref<1x200x64xf32, #tpu.memory_space<vmem>> -> memref<200x64xf32, #tpu.memory_space<vmem>>
        %get3A_740 = arith.index_cast %scan3A_735 : i32 to index
        %get3A_741 = arith.constant 0 : index
        %get3A_742 = tpu.vector_load %get3A_739[%get3A_740, %get3A_741] {strides = array<i32>} : memref<200x64xf32, #tpu.memory_space<vmem>>, vector<1x16xf32>,
        %get3A_743 = vector.shape_cast %get3A_742 : vector<1x16xf32> to vector<16xf32>
        %add3A_744 = arith.addf %add3A_706, %get3A_743 : vector<16xf32>
        %get3A_745 = arith.constant 0 : i32
        %get3A_746 = arith.constant 0 : i32
        %get3A_747 = tpu.memref_slice %arg6[%scan3A_341, %get3A_745, %get3A_746] : memref<4x200x64xf32, #tpu.memory_space<vmem>> -> memref<1x200x64xf32, #tpu.memory_space<vmem>>
        %get3A_748 = tpu.memref_squeeze %get3A_747 : memref<1x200x64xf32, #tpu.memory_space<vmem>> -> memref<200x64xf32, #tpu.memory_space<vmem>>
        %get3A_749 = arith.index_cast %scan3A_735 : i32 to index
        %get3A_750 = arith.constant 16 : index
        %get3A_751 = tpu.vector_load %get3A_748[%get3A_749, %get3A_750] {strides = array<i32>} : memref<200x64xf32, #tpu.memory_space<vmem>>, vector<1x16xf32>,
        %get3A_752 = vector.shape_cast %get3A_751 : vector<1x16xf32> to vector<16xf32>
        %add3A_753 = arith.addf %add3A_715, %get3A_752 : vector<16xf32>
        %get3A_754 = arith.constant 0 : i32
        %get3A_755 = arith.constant 0 : i32
        %get3A_756 = tpu.memref_slice %arg6[%scan3A_341, %get3A_754, %get3A_755] : memref<4x200x64xf32, #tpu.memory_space<vmem>> -> memref<1x200x64xf32, #tpu.memory_space<vmem>>
        %get3A_757 = tpu.memref_squeeze %get3A_756 : memref<1x200x64xf32, #tpu.memory_space<vmem>> -> memref<200x64xf32, #tpu.memory_space<vmem>>
        %get3A_758 = arith.index_cast %scan3A_735 : i32 to index
        %get3A_759 = arith.constant 32 : index
        %get3A_760 = tpu.vector_load %get3A_757[%get3A_758, %get3A_759] {strides = array<i32>} : memref<200x64xf32, #tpu.memory_space<vmem>>, vector<1x16xf32>,
        %get3A_761 = vector.shape_cast %get3A_760 : vector<1x16xf32> to vector<16xf32>
        %add3A_762 = arith.addf %add3A_724, %get3A_761 : vector<16xf32>
        %get3A_763 = arith.constant 0 : i32
        %get3A_764 = arith.constant 0 : i32
        %get3A_765 = tpu.memref_slice %arg6[%scan3A_341, %get3A_763, %get3A_764] : memref<4x200x64xf32, #tpu.memory_space<vmem>> -> memref<1x200x64xf32, #tpu.memory_space<vmem>>
        %get3A_766 = tpu.memref_squeeze %get3A_765 : memref<1x200x64xf32, #tpu.memory_space<vmem>> -> memref<200x64xf32, #tpu.memory_space<vmem>>
        %get3A_767 = arith.index_cast %scan3A_735 : i32 to index
        %get3A_768 = arith.constant 48 : index
        %get3A_769 = tpu.vector_load %get3A_766[%get3A_767, %get3A_768] {strides = array<i32>} : memref<200x64xf32, #tpu.memory_space<vmem>>, vector<1x16xf32>,
        %get3A_770 = vector.shape_cast %get3A_769 : vector<1x16xf32> to vector<16xf32>
        %add3A_771 = arith.addf %add3A_733, %get3A_770 : vector<16xf32>
        scf.yield %add3A_744, %add3A_753, %add3A_762, %add3A_771 : vector<16xf32>, vector<16xf32>, vector<16xf32>, vector<16xf32>
      }
      %scan3A_347 = arith.constant 200 : i32
      %mul3A_348 = arith.constant 5.000000e-03 : f32
      %mul3A_349 = vector.broadcast %mul3A_348 : f32 to vector<16xf32>
      %mul3A_350 = arith.mulf %scan3A_346#0, %mul3A_349 : vector<16xf32>
      %swap3A_351 = arith.index_cast %add3A_297 : i32 to index
      %swap3A_352 = arith.constant 0 : index
      %swap3A_353 = tpu.vector_load %arg7[%swap3A_351, %swap3A_352] {strides = array<i32>} : memref<128x64xf32, #tpu.memory_space<vmem>>, vector<1x16xf32>,
      %swap3A_354 = vector.shape_cast %swap3A_353 : vector<1x16xf32> to vector<16xf32>
      %swap3A_355 = vector.shape_cast %mul3A_350 : vector<16xf32> to vector<1x16xf32>
      tpu.vector_store %arg7[%swap3A_351, %swap3A_352], %swap3A_355 {strides = array<i32>} : memref<128x64xf32, #tpu.memory_space<vmem>>, vector<1x16xf32>,
      %mul3A_356 = arith.constant 5.000000e-03 : f32
      %mul3A_357 = vector.broadcast %mul3A_356 : f32 to vector<16xf32>
      %mul3A_358 = arith.mulf %scan3A_346#1, %mul3A_357 : vector<16xf32>
      %swap3A_359 = arith.index_cast %add3A_297 : i32 to index
      %swap3A_360 = arith.constant 16 : index
      %swap3A_361 = tpu.vector_load %arg7[%swap3A_359, %swap3A_360] {strides = array<i32>} : memref<128x64xf32, #tpu.memory_space<vmem>>, vector<1x16xf32>,
      %swap3A_362 = vector.shape_cast %swap3A_361 : vector<1x16xf32> to vector<16xf32>
      %swap3A_363 = vector.shape_cast %mul3A_358 : vector<16xf32> to vector<1x16xf32>
      tpu.vector_store %arg7[%swap3A_359, %swap3A_360], %swap3A_363 {strides = array<i32>} : memref<128x64xf32, #tpu.memory_space<vmem>>, vector<1x16xf32>,
      %mul3A_364 = arith.constant 5.000000e-03 : f32
      %mul3A_365 = vector.broadcast %mul3A_364 : f32 to vector<16xf32>
      %mul3A_366 = arith.mulf %scan3A_346#2, %mul3A_365 : vector<16xf32>
      %swap3A_367 = arith.index_cast %add3A_297 : i32 to index
      %swap3A_368 = arith.constant 32 : index
      %swap3A_369 = tpu.vector_load %arg7[%swap3A_367, %swap3A_368] {strides = array<i32>} : memref<128x64xf32, #tpu.memory_space<vmem>>, vector<1x16xf32>,
      %swap3A_370 = vector.shape_cast %swap3A_369 : vector<1x16xf32> to vector<16xf32>
      %swap3A_371 = vector.shape_cast %mul3A_366 : vector<16xf32> to vector<1x16xf32>
      tpu.vector_store %arg7[%swap3A_367, %swap3A_368], %swap3A_371 {strides = array<i32>} : memref<128x64xf32, #tpu.memory_space<vmem>>, vector<1x16xf32>,
      %mul3A_372 = arith.constant 5.000000e-03 : f32
      %mul3A_373 = vector.broadcast %mul3A_372 : f32 to vector<16xf32>
      %mul3A_374 = arith.mulf %scan3A_346#3, %mul3A_373 : vector<16xf32>
      %swap3A_375 = arith.index_cast %add3A_297 : i32 to index
      %swap3A_376 = arith.constant 48 : index
      %swap3A_377 = tpu.vector_load %arg7[%swap3A_375, %swap3A_376] {strides = array<i32>} : memref<128x64xf32, #tpu.memory_space<vmem>>, vector<1x16xf32>,
      %swap3A_378 = vector.shape_cast %swap3A_377 : vector<1x16xf32> to vector<16xf32>
      %swap3A_379 = vector.shape_cast %mul3A_374 : vector<16xf32> to vector<1x16xf32>
      tpu.vector_store %arg7[%swap3A_375, %swap3A_376], %swap3A_379 {strides = array<i32>} : memref<128x64xf32, #tpu.memory_space<vmem>>, vector<1x16xf32>,
      %mul3A_380 = arith.constant 4 : i32
      %mul3A_381 = arith.muli %mul3A_380, %scan3A_127 : i32
      %add3A_382 = arith.constant 3 : i32
      %add3A_383 = arith.addi %mul3A_381, %add3A_382 : i32
      %dma_wait3A_384 = arith.constant 3 : i32
      %dma_wait3A_385 = arith.constant 0 : i32
      %dma_wait3A_386 = arith.constant 0 : i32
      %dma_wait3A_387 = tpu.memref_slice %arg6[%dma_wait3A_384, %dma_wait3A_385, %dma_wait3A_386] : memref<4x200x64xf32, #tpu.memory_space<vmem>> -> memref<1x200x64xf32, #tpu.memory_space<vmem>>
      %dma_wait3A_388 = tpu.memref_squeeze %dma_wait3A_387 : memref<1x200x64xf32, #tpu.memory_space<vmem>> -> memref<200x64xf32, #tpu.memory_space<vmem>>
      %dma_wait3A_389 = arith.constant 0 : i32
      %dma_wait3A_390 = arith.constant 0 : i32
      %dma_wait3A_391 = tpu.memref_slice %dma_wait3A_388[%dma_wait3A_389, %dma_wait3A_390] : memref<200x64xf32, #tpu.memory_space<vmem>> -> memref<128x64xf32, #tpu.memory_space<vmem>>
      %dma_wait3A_392 = arith.constant 0 : i32
      %dma_wait3A_393 = tpu.memref_slice %arg5[%add3A_383, %dma_wait3A_392] : memref<128x200xi32, #tpu.memory_space<vmem>> -> memref<1x128xi32, #tpu.memory_space<vmem>>
      %dma_wait3A_394 = tpu.memref_squeeze %dma_wait3A_393 : memref<1x128xi32, #tpu.memory_space<vmem>> -> memref<128xi32, #tpu.memory_space<vmem>>
      %dma_wait3A_395 = arith.constant 0 : i32
      %dma_wait3A_396 = arith.constant 0 : i32
      %dma_wait3A_397 = tpu.memref_slice %arg3[%dma_wait3A_395, %dma_wait3A_396] : memref<100000x64xf32, #tpu.memory_space<hbm>> -> memref<100000x64xf32, #tpu.memory_space<hbm>>
      tpu.wait_indirect_dma semaphore(%arg11 : memref<!tpu.dma_semaphore, #tpu.memory_space<semaphore_mem>>) src(%dma_wait3A_397 : memref<100000x64xf32, #tpu.memory_space<hbm>>) dst(%dma_wait3A_391 : memref<128x64xf32, #tpu.memory_space<vmem>>)
      %dma_wait3A_398 = arith.constant 3 : i32
      %dma_wait3A_399 = arith.constant 0 : i32
      %dma_wait3A_400 = arith.constant 0 : i32
      %dma_wait3A_401 = tpu.memref_slice %arg6[%dma_wait3A_398, %dma_wait3A_399, %dma_wait3A_400] : memref<4x200x64xf32, #tpu.memory_space<vmem>> -> memref<1x200x64xf32, #tpu.memory_space<vmem>>
      %dma_wait3A_402 = tpu.memref_squeeze %dma_wait3A_401 : memref<1x200x64xf32, #tpu.memory_space<vmem>> -> memref<200x64xf32, #tpu.memory_space<vmem>>
      %dma_wait3A_403 = arith.constant 128 : i32
      %dma_wait3A_404 = arith.constant 0 : i32
      %dma_wait3A_405 = tpu.memref_slice %dma_wait3A_402[%dma_wait3A_403, %dma_wait3A_404] : memref<200x64xf32, #tpu.memory_space<vmem>> -> memref<72x64xf32, #tpu.memory_space<vmem>>
      %dma_wait3A_406 = arith.constant 128 : i32
      %dma_wait3A_407 = tpu.memref_slice %arg5[%add3A_383, %dma_wait3A_406] : memref<128x200xi32, #tpu.memory_space<vmem>> -> memref<1x72xi32, #tpu.memory_space<vmem>>
      %dma_wait3A_408 = tpu.memref_squeeze %dma_wait3A_407 : memref<1x72xi32, #tpu.memory_space<vmem>> -> memref<72xi32, #tpu.memory_space<vmem>>
      %dma_wait3A_409 = arith.constant 0 : i32
      %dma_wait3A_410 = arith.constant 0 : i32
      %dma_wait3A_411 = tpu.memref_slice %arg3[%dma_wait3A_409, %dma_wait3A_410] : memref<100000x64xf32, #tpu.memory_space<hbm>> -> memref<100000x64xf32, #tpu.memory_space<hbm>>
      tpu.wait_indirect_dma semaphore(%arg11 : memref<!tpu.dma_semaphore, #tpu.memory_space<semaphore_mem>>) src(%dma_wait3A_411 : memref<100000x64xf32, #tpu.memory_space<hbm>>) dst(%dma_wait3A_405 : memref<72x64xf32, #tpu.memory_space<vmem>>)
      %add3A_412 = arith.constant 4 : i32
      %add3A_413 = arith.addi %add3A_383, %add3A_412 : i32
      %lt3A_414 = arith.constant 128 : i32
      %lt3A_415 = arith.cmpi slt, %add3A_413, %lt3A_414 : i32
      %convert_element_type3A_416 = arith.extui %lt3A_415 : i1 to i32
      %cond3A_417 = arith.constant 0 : i32
      %cond3A_418 = arith.cmpi ne, %convert_element_type3A_416, %cond3A_417 : i32
      scf.if %cond3A_418 {
        %add3A_466 = arith.constant 4 : i32
        %add3A_467 = arith.addi %add3A_383, %add3A_466 : i32
        %dma_start3A_468 = arith.constant 3 : i32
        %dma_start3A_469 = arith.constant 0 : i32
        %dma_start3A_470 = arith.constant 0 : i32
        %dma_start3A_471 = tpu.memref_slice %arg6[%dma_start3A_468, %dma_start3A_469, %dma_start3A_470] : memref<4x200x64xf32, #tpu.memory_space<vmem>> -> memref<1x200x64xf32, #tpu.memory_space<vmem>>
        %dma_start3A_472 = tpu.memref_squeeze %dma_start3A_471 : memref<1x200x64xf32, #tpu.memory_space<vmem>> -> memref<200x64xf32, #tpu.memory_space<vmem>>
        %dma_start3A_473 = arith.constant 0 : i32
        %dma_start3A_474 = arith.constant 0 : i32
        %dma_start3A_475 = tpu.memref_slice %dma_start3A_472[%dma_start3A_473, %dma_start3A_474] : memref<200x64xf32, #tpu.memory_space<vmem>> -> memref<128x64xf32, #tpu.memory_space<vmem>>
        %dma_start3A_476 = arith.constant 0 : i32
        %dma_start3A_477 = tpu.memref_slice %arg5[%add3A_467, %dma_start3A_476] : memref<128x200xi32, #tpu.memory_space<vmem>> -> memref<1x128xi32, #tpu.memory_space<vmem>>
        %dma_start3A_478 = tpu.memref_squeeze %dma_start3A_477 : memref<1x128xi32, #tpu.memory_space<vmem>> -> memref<128xi32, #tpu.memory_space<vmem>>
        %dma_start3A_479 = arith.constant 0 : i32
        %dma_start3A_480 = arith.constant 0 : i32
        %dma_start3A_481 = tpu.memref_slice %arg3[%dma_start3A_479, %dma_start3A_480] : memref<100000x64xf32, #tpu.memory_space<hbm>> -> memref<100000x64xf32, #tpu.memory_space<hbm>>
        tpu.enqueue_indirect_dma source(%dma_start3A_481 : memref<100000x64xf32, #tpu.memory_space<hbm>>) target(%dma_start3A_475 : memref<128x64xf32, #tpu.memory_space<vmem>>) offsets(%dma_start3A_478 : memref<128xi32, #tpu.memory_space<vmem>>) semaphore(%arg11 : memref<!tpu.dma_semaphore, #tpu.memory_space<semaphore_mem>>)
        %dma_start3A_482 = arith.constant 3 : i32
        %dma_start3A_483 = arith.constant 0 : i32
        %dma_start3A_484 = arith.constant 0 : i32
        %dma_start3A_485 = tpu.memref_slice %arg6[%dma_start3A_482, %dma_start3A_483, %dma_start3A_484] : memref<4x200x64xf32, #tpu.memory_space<vmem>> -> memref<1x200x64xf32, #tpu.memory_space<vmem>>
        %dma_start3A_486 = tpu.memref_squeeze %dma_start3A_485 : memref<1x200x64xf32, #tpu.memory_space<vmem>> -> memref<200x64xf32, #tpu.memory_space<vmem>>
        %dma_start3A_487 = arith.constant 128 : i32
        %dma_start3A_488 = arith.constant 0 : i32
        %dma_start3A_489 = tpu.memref_slice %dma_start3A_486[%dma_start3A_487, %dma_start3A_488] : memref<200x64xf32, #tpu.memory_space<vmem>> -> memref<72x64xf32, #tpu.memory_space<vmem>>
        %dma_start3A_490 = arith.constant 128 : i32
        %dma_start3A_491 = tpu.memref_slice %arg5[%add3A_467, %dma_start3A_490] : memref<128x200xi32, #tpu.memory_space<vmem>> -> memref<1x72xi32, #tpu.memory_space<vmem>>
        %dma_start3A_492 = tpu.memref_squeeze %dma_start3A_491 : memref<1x72xi32, #tpu.memory_space<vmem>> -> memref<72xi32, #tpu.memory_space<vmem>>
        %dma_start3A_493 = arith.constant 0 : i32
        %dma_start3A_494 = arith.constant 0 : i32
        %dma_start3A_495 = tpu.memref_slice %arg3[%dma_start3A_493, %dma_start3A_494] : memref<100000x64xf32, #tpu.memory_space<hbm>> -> memref<100000x64xf32, #tpu.memory_space<hbm>>
        tpu.enqueue_indirect_dma source(%dma_start3A_495 : memref<100000x64xf32, #tpu.memory_space<hbm>>) target(%dma_start3A_489 : memref<72x64xf32, #tpu.memory_space<vmem>>) offsets(%dma_start3A_492 : memref<72xi32, #tpu.memory_space<vmem>>) semaphore(%arg11 : memref<!tpu.dma_semaphore, #tpu.memory_space<semaphore_mem>>)
      } else {
      }
      %broadcast_in_dim3A_419 = arith.constant 0.000000e+00 : f32
      %broadcast_in_dim3A_420 = vector.broadcast %broadcast_in_dim3A_419 : f32 to vector<16xf32>
      %broadcast_in_dim3A_421 = arith.constant 0.000000e+00 : f32
      %broadcast_in_dim3A_422 = vector.broadcast %broadcast_in_dim3A_421 : f32 to vector<16xf32>
      %broadcast_in_dim3A_423 = arith.constant 0.000000e+00 : f32
      %broadcast_in_dim3A_424 = vector.broadcast %broadcast_in_dim3A_423 : f32 to vector<16xf32>
      %broadcast_in_dim3A_425 = arith.constant 0.000000e+00 : f32
      %broadcast_in_dim3A_426 = vector.broadcast %broadcast_in_dim3A_425 : f32 to vector<16xf32>
      %scan3A_427 = arith.constant 3 : i32
      %scan3A_428 = arith.constant 0 : i32
      %scan3A_429 = arith.constant 200 : i32
      %scan3A_430 = arith.addi %scan3A_428, %scan3A_429 : i32
      %scan3A_431 = arith.constant 8 : i32
      %scan3A_432:4 = scf.for %scan3A_466 = %scan3A_428 to %scan3A_430 step %scan3A_431 iter_args(%scan3A_467 = %broadcast_in_dim3A_420, %scan3A_468 = %broadcast_in_dim3A_422, %scan3A_469 = %broadcast_in_dim3A_424, %scan3A_470 = %broadcast_in_dim3A_426) -> (vector<16xf32>, vector<16xf32>, vector<16xf32>, vector<16xf32>)  : i32 {
        %get3A = arith.constant 0 : i32
        %get3A_471 = arith.constant 0 : i32
        %get3A_472 = tpu.memref_slice %arg6[%scan3A_427, %get3A, %get3A_471] : memref<4x200x64xf32, #tpu.memory_space<vmem>> -> memref<1x200x64xf32, #tpu.memory_space<vmem>>
        %get3A_473 = tpu.memref_squeeze %get3A_472 : memref<1x200x64xf32, #tpu.memory_space<vmem>> -> memref<200x64xf32, #tpu.memory_space<vmem>>
        %get3A_474 = arith.index_cast %scan3A_466 : i32 to index
        %get3A_475 = arith.constant 0 : index
        %get3A_476 = tpu.vector_load %get3A_473[%get3A_474, %get3A_475] {strides = array<i32>} : memref<200x64xf32, #tpu.memory_space<vmem>>, vector<1x16xf32>,
        %get3A_477 = vector.shape_cast %get3A_476 : vector<1x16xf32> to vector<16xf32>
        %add3A_478 = arith.addf %scan3A_467, %get3A_477 : vector<16xf32>
        %get3A_479 = arith.constant 0 : i32
        %get3A_480 = arith.constant 0 : i32
        %get3A_481 = tpu.memref_slice %arg6[%scan3A_427, %get3A_479, %get3A_480] : memref<4x200x64xf32, #tpu.memory_space<vmem>> -> memref<1x200x64xf32, #tpu.memory_space<vmem>>
        %get3A_482 = tpu.memref_squeeze %get3A_481 : memref<1x200x64xf32, #tpu.memory_space<vmem>> -> memref<200x64xf32, #tpu.memory_space<vmem>>
        %get3A_483 = arith.index_cast %scan3A_466 : i32 to index
        %get3A_484 = arith.constant 16 : index
        %get3A_485 = tpu.vector_load %get3A_482[%get3A_483, %get3A_484] {strides = array<i32>} : memref<200x64xf32, #tpu.memory_space<vmem>>, vector<1x16xf32>,
        %get3A_486 = vector.shape_cast %get3A_485 : vector<1x16xf32> to vector<16xf32>
        %add3A_487 = arith.addf %scan3A_468, %get3A_486 : vector<16xf32>
        %get3A_488 = arith.constant 0 : i32
        %get3A_489 = arith.constant 0 : i32
        %get3A_490 = tpu.memref_slice %arg6[%scan3A_427, %get3A_488, %get3A_489] : memref<4x200x64xf32, #tpu.memory_space<vmem>> -> memref<1x200x64xf32, #tpu.memory_space<vmem>>
        %get3A_491 = tpu.memref_squeeze %get3A_490 : memref<1x200x64xf32, #tpu.memory_space<vmem>> -> memref<200x64xf32, #tpu.memory_space<vmem>>
        %get3A_492 = arith.index_cast %scan3A_466 : i32 to index
        %get3A_493 = arith.constant 32 : index
        %get3A_494 = tpu.vector_load %get3A_491[%get3A_492, %get3A_493] {strides = array<i32>} : memref<200x64xf32, #tpu.memory_space<vmem>>, vector<1x16xf32>,
        %get3A_495 = vector.shape_cast %get3A_494 : vector<1x16xf32> to vector<16xf32>
        %add3A_496 = arith.addf %scan3A_469, %get3A_495 : vector<16xf32>
        %get3A_497 = arith.constant 0 : i32
        %get3A_498 = arith.constant 0 : i32
        %get3A_499 = tpu.memref_slice %arg6[%scan3A_427, %get3A_497, %get3A_498] : memref<4x200x64xf32, #tpu.memory_space<vmem>> -> memref<1x200x64xf32, #tpu.memory_space<vmem>>
        %get3A_500 = tpu.memref_squeeze %get3A_499 : memref<1x200x64xf32, #tpu.memory_space<vmem>> -> memref<200x64xf32, #tpu.memory_space<vmem>>
        %get3A_501 = arith.index_cast %scan3A_466 : i32 to index
        %get3A_502 = arith.constant 48 : index
        %get3A_503 = tpu.vector_load %get3A_500[%get3A_501, %get3A_502] {strides = array<i32>} : memref<200x64xf32, #tpu.memory_space<vmem>>, vector<1x16xf32>,
        %get3A_504 = vector.shape_cast %get3A_503 : vector<1x16xf32> to vector<16xf32>
        %add3A_505 = arith.addf %scan3A_470, %get3A_504 : vector<16xf32>
        %scan3A_506 = arith.constant 1 : i32
        %scan3A_507 = arith.addi %scan3A_466, %scan3A_506 : i32
        %get3A_508 = arith.constant 0 : i32
        %get3A_509 = arith.constant 0 : i32
        %get3A_510 = tpu.memref_slice %arg6[%scan3A_427, %get3A_508, %get3A_509] : memref<4x200x64xf32, #tpu.memory_space<vmem>> -> memref<1x200x64xf32, #tpu.memory_space<vmem>>
        %get3A_511 = tpu.memref_squeeze %get3A_510 : memref<1x200x64xf32, #tpu.memory_space<vmem>> -> memref<200x64xf32, #tpu.memory_space<vmem>>
        %get3A_512 = arith.index_cast %scan3A_507 : i32 to index
        %get3A_513 = arith.constant 0 : index
        %get3A_514 = tpu.vector_load %get3A_511[%get3A_512, %get3A_513] {strides = array<i32>} : memref<200x64xf32, #tpu.memory_space<vmem>>, vector<1x16xf32>,
        %get3A_515 = vector.shape_cast %get3A_514 : vector<1x16xf32> to vector<16xf32>
        %add3A_516 = arith.addf %add3A_478, %get3A_515 : vector<16xf32>
        %get3A_517 = arith.constant 0 : i32
        %get3A_518 = arith.constant 0 : i32
        %get3A_519 = tpu.memref_slice %arg6[%scan3A_427, %get3A_517, %get3A_518] : memref<4x200x64xf32, #tpu.memory_space<vmem>> -> memref<1x200x64xf32, #tpu.memory_space<vmem>>
        %get3A_520 = tpu.memref_squeeze %get3A_519 : memref<1x200x64xf32, #tpu.memory_space<vmem>> -> memref<200x64xf32, #tpu.memory_space<vmem>>
        %get3A_521 = arith.index_cast %scan3A_507 : i32 to index
        %get3A_522 = arith.constant 16 : index
        %get3A_523 = tpu.vector_load %get3A_520[%get3A_521, %get3A_522] {strides = array<i32>} : memref<200x64xf32, #tpu.memory_space<vmem>>, vector<1x16xf32>,
        %get3A_524 = vector.shape_cast %get3A_523 : vector<1x16xf32> to vector<16xf32>
        %add3A_525 = arith.addf %add3A_487, %get3A_524 : vector<16xf32>
        %get3A_526 = arith.constant 0 : i32
        %get3A_527 = arith.constant 0 : i32
        %get3A_528 = tpu.memref_slice %arg6[%scan3A_427, %get3A_526, %get3A_527] : memref<4x200x64xf32, #tpu.memory_space<vmem>> -> memref<1x200x64xf32, #tpu.memory_space<vmem>>
        %get3A_529 = tpu.memref_squeeze %get3A_528 : memref<1x200x64xf32, #tpu.memory_space<vmem>> -> memref<200x64xf32, #tpu.memory_space<vmem>>
        %get3A_530 = arith.index_cast %scan3A_507 : i32 to index
        %get3A_531 = arith.constant 32 : index
        %get3A_532 = tpu.vector_load %get3A_529[%get3A_530, %get3A_531] {strides = array<i32>} : memref<200x64xf32, #tpu.memory_space<vmem>>, vector<1x16xf32>,
        %get3A_533 = vector.shape_cast %get3A_532 : vector<1x16xf32> to vector<16xf32>
        %add3A_534 = arith.addf %add3A_496, %get3A_533 : vector<16xf32>
        %get3A_535 = arith.constant 0 : i32
        %get3A_536 = arith.constant 0 : i32
        %get3A_537 = tpu.memref_slice %arg6[%scan3A_427, %get3A_535, %get3A_536] : memref<4x200x64xf32, #tpu.memory_space<vmem>> -> memref<1x200x64xf32, #tpu.memory_space<vmem>>
        %get3A_538 = tpu.memref_squeeze %get3A_537 : memref<1x200x64xf32, #tpu.memory_space<vmem>> -> memref<200x64xf32, #tpu.memory_space<vmem>>
        %get3A_539 = arith.index_cast %scan3A_507 : i32 to index
        %get3A_540 = arith.constant 48 : index
        %get3A_541 = tpu.vector_load %get3A_538[%get3A_539, %get3A_540] {strides = array<i32>} : memref<200x64xf32, #tpu.memory_space<vmem>>, vector<1x16xf32>,
        %get3A_542 = vector.shape_cast %get3A_541 : vector<1x16xf32> to vector<16xf32>
        %add3A_543 = arith.addf %add3A_505, %get3A_542 : vector<16xf32>
        %scan3A_544 = arith.constant 2 : i32
        %scan3A_545 = arith.addi %scan3A_466, %scan3A_544 : i32
        %get3A_546 = arith.constant 0 : i32
        %get3A_547 = arith.constant 0 : i32
        %get3A_548 = tpu.memref_slice %arg6[%scan3A_427, %get3A_546, %get3A_547] : memref<4x200x64xf32, #tpu.memory_space<vmem>> -> memref<1x200x64xf32, #tpu.memory_space<vmem>>
        %get3A_549 = tpu.memref_squeeze %get3A_548 : memref<1x200x64xf32, #tpu.memory_space<vmem>> -> memref<200x64xf32, #tpu.memory_space<vmem>>
        %get3A_550 = arith.index_cast %scan3A_545 : i32 to index
        %get3A_551 = arith.constant 0 : index
        %get3A_552 = tpu.vector_load %get3A_549[%get3A_550, %get3A_551] {strides = array<i32>} : memref<200x64xf32, #tpu.memory_space<vmem>>, vector<1x16xf32>,
        %get3A_553 = vector.shape_cast %get3A_552 : vector<1x16xf32> to vector<16xf32>
        %add3A_554 = arith.addf %add3A_516, %get3A_553 : vector<16xf32>
        %get3A_555 = arith.constant 0 : i32
        %get3A_556 = arith.constant 0 : i32
        %get3A_557 = tpu.memref_slice %arg6[%scan3A_427, %get3A_555, %get3A_556] : memref<4x200x64xf32, #tpu.memory_space<vmem>> -> memref<1x200x64xf32, #tpu.memory_space<vmem>>
        %get3A_558 = tpu.memref_squeeze %get3A_557 : memref<1x200x64xf32, #tpu.memory_space<vmem>> -> memref<200x64xf32, #tpu.memory_space<vmem>>
        %get3A_559 = arith.index_cast %scan3A_545 : i32 to index
        %get3A_560 = arith.constant 16 : index
        %get3A_561 = tpu.vector_load %get3A_558[%get3A_559, %get3A_560] {strides = array<i32>} : memref<200x64xf32, #tpu.memory_space<vmem>>, vector<1x16xf32>,
        %get3A_562 = vector.shape_cast %get3A_561 : vector<1x16xf32> to vector<16xf32>
        %add3A_563 = arith.addf %add3A_525, %get3A_562 : vector<16xf32>
        %get3A_564 = arith.constant 0 : i32
        %get3A_565 = arith.constant 0 : i32
        %get3A_566 = tpu.memref_slice %arg6[%scan3A_427, %get3A_564, %get3A_565] : memref<4x200x64xf32, #tpu.memory_space<vmem>> -> memref<1x200x64xf32, #tpu.memory_space<vmem>>
        %get3A_567 = tpu.memref_squeeze %get3A_566 : memref<1x200x64xf32, #tpu.memory_space<vmem>> -> memref<200x64xf32, #tpu.memory_space<vmem>>
        %get3A_568 = arith.index_cast %scan3A_545 : i32 to index
        %get3A_569 = arith.constant 32 : index
        %get3A_570 = tpu.vector_load %get3A_567[%get3A_568, %get3A_569] {strides = array<i32>} : memref<200x64xf32, #tpu.memory_space<vmem>>, vector<1x16xf32>,
        %get3A_571 = vector.shape_cast %get3A_570 : vector<1x16xf32> to vector<16xf32>
        %add3A_572 = arith.addf %add3A_534, %get3A_571 : vector<16xf32>
        %get3A_573 = arith.constant 0 : i32
        %get3A_574 = arith.constant 0 : i32
        %get3A_575 = tpu.memref_slice %arg6[%scan3A_427, %get3A_573, %get3A_574] : memref<4x200x64xf32, #tpu.memory_space<vmem>> -> memref<1x200x64xf32, #tpu.memory_space<vmem>>
        %get3A_576 = tpu.memref_squeeze %get3A_575 : memref<1x200x64xf32, #tpu.memory_space<vmem>> -> memref<200x64xf32, #tpu.memory_space<vmem>>
        %get3A_577 = arith.index_cast %scan3A_545 : i32 to index
        %get3A_578 = arith.constant 48 : index
        %get3A_579 = tpu.vector_load %get3A_576[%get3A_577, %get3A_578] {strides = array<i32>} : memref<200x64xf32, #tpu.memory_space<vmem>>, vector<1x16xf32>,
        %get3A_580 = vector.shape_cast %get3A_579 : vector<1x16xf32> to vector<16xf32>
        %add3A_581 = arith.addf %add3A_543, %get3A_580 : vector<16xf32>
        %scan3A_582 = arith.constant 3 : i32
        %scan3A_583 = arith.addi %scan3A_466, %scan3A_582 : i32
        %get3A_584 = arith.constant 0 : i32
        %get3A_585 = arith.constant 0 : i32
        %get3A_586 = tpu.memref_slice %arg6[%scan3A_427, %get3A_584, %get3A_585] : memref<4x200x64xf32, #tpu.memory_space<vmem>> -> memref<1x200x64xf32, #tpu.memory_space<vmem>>
        %get3A_587 = tpu.memref_squeeze %get3A_586 : memref<1x200x64xf32, #tpu.memory_space<vmem>> -> memref<200x64xf32, #tpu.memory_space<vmem>>
        %get3A_588 = arith.index_cast %scan3A_583 : i32 to index
        %get3A_589 = arith.constant 0 : index
        %get3A_590 = tpu.vector_load %get3A_587[%get3A_588, %get3A_589] {strides = array<i32>} : memref<200x64xf32, #tpu.memory_space<vmem>>, vector<1x16xf32>,
        %get3A_591 = vector.shape_cast %get3A_590 : vector<1x16xf32> to vector<16xf32>
        %add3A_592 = arith.addf %add3A_554, %get3A_591 : vector<16xf32>
        %get3A_593 = arith.constant 0 : i32
        %get3A_594 = arith.constant 0 : i32
        %get3A_595 = tpu.memref_slice %arg6[%scan3A_427, %get3A_593, %get3A_594] : memref<4x200x64xf32, #tpu.memory_space<vmem>> -> memref<1x200x64xf32, #tpu.memory_space<vmem>>
        %get3A_596 = tpu.memref_squeeze %get3A_595 : memref<1x200x64xf32, #tpu.memory_space<vmem>> -> memref<200x64xf32, #tpu.memory_space<vmem>>
        %get3A_597 = arith.index_cast %scan3A_583 : i32 to index
        %get3A_598 = arith.constant 16 : index
        %get3A_599 = tpu.vector_load %get3A_596[%get3A_597, %get3A_598] {strides = array<i32>} : memref<200x64xf32, #tpu.memory_space<vmem>>, vector<1x16xf32>,
        %get3A_600 = vector.shape_cast %get3A_599 : vector<1x16xf32> to vector<16xf32>
        %add3A_601 = arith.addf %add3A_563, %get3A_600 : vector<16xf32>
        %get3A_602 = arith.constant 0 : i32
        %get3A_603 = arith.constant 0 : i32
        %get3A_604 = tpu.memref_slice %arg6[%scan3A_427, %get3A_602, %get3A_603] : memref<4x200x64xf32, #tpu.memory_space<vmem>> -> memref<1x200x64xf32, #tpu.memory_space<vmem>>
        %get3A_605 = tpu.memref_squeeze %get3A_604 : memref<1x200x64xf32, #tpu.memory_space<vmem>> -> memref<200x64xf32, #tpu.memory_space<vmem>>
        %get3A_606 = arith.index_cast %scan3A_583 : i32 to index
        %get3A_607 = arith.constant 32 : index
        %get3A_608 = tpu.vector_load %get3A_605[%get3A_606, %get3A_607] {strides = array<i32>} : memref<200x64xf32, #tpu.memory_space<vmem>>, vector<1x16xf32>,
        %get3A_609 = vector.shape_cast %get3A_608 : vector<1x16xf32> to vector<16xf32>
        %add3A_610 = arith.addf %add3A_572, %get3A_609 : vector<16xf32>
        %get3A_611 = arith.constant 0 : i32
        %get3A_612 = arith.constant 0 : i32
        %get3A_613 = tpu.memref_slice %arg6[%scan3A_427, %get3A_611, %get3A_612] : memref<4x200x64xf32, #tpu.memory_space<vmem>> -> memref<1x200x64xf32, #tpu.memory_space<vmem>>
        %get3A_614 = tpu.memref_squeeze %get3A_613 : memref<1x200x64xf32, #tpu.memory_space<vmem>> -> memref<200x64xf32, #tpu.memory_space<vmem>>
        %get3A_615 = arith.index_cast %scan3A_583 : i32 to index
        %get3A_616 = arith.constant 48 : index
        %get3A_617 = tpu.vector_load %get3A_614[%get3A_615, %get3A_616] {strides = array<i32>} : memref<200x64xf32, #tpu.memory_space<vmem>>, vector<1x16xf32>,
        %get3A_618 = vector.shape_cast %get3A_617 : vector<1x16xf32> to vector<16xf32>
        %add3A_619 = arith.addf %add3A_581, %get3A_618 : vector<16xf32>
        %scan3A_620 = arith.constant 4 : i32
        %scan3A_621 = arith.addi %scan3A_466, %scan3A_620 : i32
        %get3A_622 = arith.constant 0 : i32
        %get3A_623 = arith.constant 0 : i32
        %get3A_624 = tpu.memref_slice %arg6[%scan3A_427, %get3A_622, %get3A_623] : memref<4x200x64xf32, #tpu.memory_space<vmem>> -> memref<1x200x64xf32, #tpu.memory_space<vmem>>
        %get3A_625 = tpu.memref_squeeze %get3A_624 : memref<1x200x64xf32, #tpu.memory_space<vmem>> -> memref<200x64xf32, #tpu.memory_space<vmem>>
        %get3A_626 = arith.index_cast %scan3A_621 : i32 to index
        %get3A_627 = arith.constant 0 : index
        %get3A_628 = tpu.vector_load %get3A_625[%get3A_626, %get3A_627] {strides = array<i32>} : memref<200x64xf32, #tpu.memory_space<vmem>>, vector<1x16xf32>,
        %get3A_629 = vector.shape_cast %get3A_628 : vector<1x16xf32> to vector<16xf32>
        %add3A_630 = arith.addf %add3A_592, %get3A_629 : vector<16xf32>
        %get3A_631 = arith.constant 0 : i32
        %get3A_632 = arith.constant 0 : i32
        %get3A_633 = tpu.memref_slice %arg6[%scan3A_427, %get3A_631, %get3A_632] : memref<4x200x64xf32, #tpu.memory_space<vmem>> -> memref<1x200x64xf32, #tpu.memory_space<vmem>>
        %get3A_634 = tpu.memref_squeeze %get3A_633 : memref<1x200x64xf32, #tpu.memory_space<vmem>> -> memref<200x64xf32, #tpu.memory_space<vmem>>
        %get3A_635 = arith.index_cast %scan3A_621 : i32 to index
        %get3A_636 = arith.constant 16 : index
        %get3A_637 = tpu.vector_load %get3A_634[%get3A_635, %get3A_636] {strides = array<i32>} : memref<200x64xf32, #tpu.memory_space<vmem>>, vector<1x16xf32>,
        %get3A_638 = vector.shape_cast %get3A_637 : vector<1x16xf32> to vector<16xf32>
        %add3A_639 = arith.addf %add3A_601, %get3A_638 : vector<16xf32>
        %get3A_640 = arith.constant 0 : i32
        %get3A_641 = arith.constant 0 : i32
        %get3A_642 = tpu.memref_slice %arg6[%scan3A_427, %get3A_640, %get3A_641] : memref<4x200x64xf32, #tpu.memory_space<vmem>> -> memref<1x200x64xf32, #tpu.memory_space<vmem>>
        %get3A_643 = tpu.memref_squeeze %get3A_642 : memref<1x200x64xf32, #tpu.memory_space<vmem>> -> memref<200x64xf32, #tpu.memory_space<vmem>>
        %get3A_644 = arith.index_cast %scan3A_621 : i32 to index
        %get3A_645 = arith.constant 32 : index
        %get3A_646 = tpu.vector_load %get3A_643[%get3A_644, %get3A_645] {strides = array<i32>} : memref<200x64xf32, #tpu.memory_space<vmem>>, vector<1x16xf32>,
        %get3A_647 = vector.shape_cast %get3A_646 : vector<1x16xf32> to vector<16xf32>
        %add3A_648 = arith.addf %add3A_610, %get3A_647 : vector<16xf32>
        %get3A_649 = arith.constant 0 : i32
        %get3A_650 = arith.constant 0 : i32
        %get3A_651 = tpu.memref_slice %arg6[%scan3A_427, %get3A_649, %get3A_650] : memref<4x200x64xf32, #tpu.memory_space<vmem>> -> memref<1x200x64xf32, #tpu.memory_space<vmem>>
        %get3A_652 = tpu.memref_squeeze %get3A_651 : memref<1x200x64xf32, #tpu.memory_space<vmem>> -> memref<200x64xf32, #tpu.memory_space<vmem>>
        %get3A_653 = arith.index_cast %scan3A_621 : i32 to index
        %get3A_654 = arith.constant 48 : index
        %get3A_655 = tpu.vector_load %get3A_652[%get3A_653, %get3A_654] {strides = array<i32>} : memref<200x64xf32, #tpu.memory_space<vmem>>, vector<1x16xf32>,
        %get3A_656 = vector.shape_cast %get3A_655 : vector<1x16xf32> to vector<16xf32>
        %add3A_657 = arith.addf %add3A_619, %get3A_656 : vector<16xf32>
        %scan3A_658 = arith.constant 5 : i32
        %scan3A_659 = arith.addi %scan3A_466, %scan3A_658 : i32
        %get3A_660 = arith.constant 0 : i32
        %get3A_661 = arith.constant 0 : i32
        %get3A_662 = tpu.memref_slice %arg6[%scan3A_427, %get3A_660, %get3A_661] : memref<4x200x64xf32, #tpu.memory_space<vmem>> -> memref<1x200x64xf32, #tpu.memory_space<vmem>>
        %get3A_663 = tpu.memref_squeeze %get3A_662 : memref<1x200x64xf32, #tpu.memory_space<vmem>> -> memref<200x64xf32, #tpu.memory_space<vmem>>
        %get3A_664 = arith.index_cast %scan3A_659 : i32 to index
        %get3A_665 = arith.constant 0 : index
        %get3A_666 = tpu.vector_load %get3A_663[%get3A_664, %get3A_665] {strides = array<i32>} : memref<200x64xf32, #tpu.memory_space<vmem>>, vector<1x16xf32>,
        %get3A_667 = vector.shape_cast %get3A_666 : vector<1x16xf32> to vector<16xf32>
        %add3A_668 = arith.addf %add3A_630, %get3A_667 : vector<16xf32>
        %get3A_669 = arith.constant 0 : i32
        %get3A_670 = arith.constant 0 : i32
        %get3A_671 = tpu.memref_slice %arg6[%scan3A_427, %get3A_669, %get3A_670] : memref<4x200x64xf32, #tpu.memory_space<vmem>> -> memref<1x200x64xf32, #tpu.memory_space<vmem>>
        %get3A_672 = tpu.memref_squeeze %get3A_671 : memref<1x200x64xf32, #tpu.memory_space<vmem>> -> memref<200x64xf32, #tpu.memory_space<vmem>>
        %get3A_673 = arith.index_cast %scan3A_659 : i32 to index
        %get3A_674 = arith.constant 16 : index
        %get3A_675 = tpu.vector_load %get3A_672[%get3A_673, %get3A_674] {strides = array<i32>} : memref<200x64xf32, #tpu.memory_space<vmem>>, vector<1x16xf32>,
        %get3A_676 = vector.shape_cast %get3A_675 : vector<1x16xf32> to vector<16xf32>
        %add3A_677 = arith.addf %add3A_639, %get3A_676 : vector<16xf32>
        %get3A_678 = arith.constant 0 : i32
        %get3A_679 = arith.constant 0 : i32
        %get3A_680 = tpu.memref_slice %arg6[%scan3A_427, %get3A_678, %get3A_679] : memref<4x200x64xf32, #tpu.memory_space<vmem>> -> memref<1x200x64xf32, #tpu.memory_space<vmem>>
        %get3A_681 = tpu.memref_squeeze %get3A_680 : memref<1x200x64xf32, #tpu.memory_space<vmem>> -> memref<200x64xf32, #tpu.memory_space<vmem>>
        %get3A_682 = arith.index_cast %scan3A_659 : i32 to index
        %get3A_683 = arith.constant 32 : index
        %get3A_684 = tpu.vector_load %get3A_681[%get3A_682, %get3A_683] {strides = array<i32>} : memref<200x64xf32, #tpu.memory_space<vmem>>, vector<1x16xf32>,
        %get3A_685 = vector.shape_cast %get3A_684 : vector<1x16xf32> to vector<16xf32>
        %add3A_686 = arith.addf %add3A_648, %get3A_685 : vector<16xf32>
        %get3A_687 = arith.constant 0 : i32
        %get3A_688 = arith.constant 0 : i32
        %get3A_689 = tpu.memref_slice %arg6[%scan3A_427, %get3A_687, %get3A_688] : memref<4x200x64xf32, #tpu.memory_space<vmem>> -> memref<1x200x64xf32, #tpu.memory_space<vmem>>
        %get3A_690 = tpu.memref_squeeze %get3A_689 : memref<1x200x64xf32, #tpu.memory_space<vmem>> -> memref<200x64xf32, #tpu.memory_space<vmem>>
        %get3A_691 = arith.index_cast %scan3A_659 : i32 to index
        %get3A_692 = arith.constant 48 : index
        %get3A_693 = tpu.vector_load %get3A_690[%get3A_691, %get3A_692] {strides = array<i32>} : memref<200x64xf32, #tpu.memory_space<vmem>>, vector<1x16xf32>,
        %get3A_694 = vector.shape_cast %get3A_693 : vector<1x16xf32> to vector<16xf32>
        %add3A_695 = arith.addf %add3A_657, %get3A_694 : vector<16xf32>
        %scan3A_696 = arith.constant 6 : i32
        %scan3A_697 = arith.addi %scan3A_466, %scan3A_696 : i32
        %get3A_698 = arith.constant 0 : i32
        %get3A_699 = arith.constant 0 : i32
        %get3A_700 = tpu.memref_slice %arg6[%scan3A_427, %get3A_698, %get3A_699] : memref<4x200x64xf32, #tpu.memory_space<vmem>> -> memref<1x200x64xf32, #tpu.memory_space<vmem>>
        %get3A_701 = tpu.memref_squeeze %get3A_700 : memref<1x200x64xf32, #tpu.memory_space<vmem>> -> memref<200x64xf32, #tpu.memory_space<vmem>>
        %get3A_702 = arith.index_cast %scan3A_697 : i32 to index
        %get3A_703 = arith.constant 0 : index
        %get3A_704 = tpu.vector_load %get3A_701[%get3A_702, %get3A_703] {strides = array<i32>} : memref<200x64xf32, #tpu.memory_space<vmem>>, vector<1x16xf32>,
        %get3A_705 = vector.shape_cast %get3A_704 : vector<1x16xf32> to vector<16xf32>
        %add3A_706 = arith.addf %add3A_668, %get3A_705 : vector<16xf32>
        %get3A_707 = arith.constant 0 : i32
        %get3A_708 = arith.constant 0 : i32
        %get3A_709 = tpu.memref_slice %arg6[%scan3A_427, %get3A_707, %get3A_708] : memref<4x200x64xf32, #tpu.memory_space<vmem>> -> memref<1x200x64xf32, #tpu.memory_space<vmem>>
        %get3A_710 = tpu.memref_squeeze %get3A_709 : memref<1x200x64xf32, #tpu.memory_space<vmem>> -> memref<200x64xf32, #tpu.memory_space<vmem>>
        %get3A_711 = arith.index_cast %scan3A_697 : i32 to index
        %get3A_712 = arith.constant 16 : index
        %get3A_713 = tpu.vector_load %get3A_710[%get3A_711, %get3A_712] {strides = array<i32>} : memref<200x64xf32, #tpu.memory_space<vmem>>, vector<1x16xf32>,
        %get3A_714 = vector.shape_cast %get3A_713 : vector<1x16xf32> to vector<16xf32>
        %add3A_715 = arith.addf %add3A_677, %get3A_714 : vector<16xf32>
        %get3A_716 = arith.constant 0 : i32
        %get3A_717 = arith.constant 0 : i32
        %get3A_718 = tpu.memref_slice %arg6[%scan3A_427, %get3A_716, %get3A_717] : memref<4x200x64xf32, #tpu.memory_space<vmem>> -> memref<1x200x64xf32, #tpu.memory_space<vmem>>
        %get3A_719 = tpu.memref_squeeze %get3A_718 : memref<1x200x64xf32, #tpu.memory_space<vmem>> -> memref<200x64xf32, #tpu.memory_space<vmem>>
        %get3A_720 = arith.index_cast %scan3A_697 : i32 to index
        %get3A_721 = arith.constant 32 : index
        %get3A_722 = tpu.vector_load %get3A_719[%get3A_720, %get3A_721] {strides = array<i32>} : memref<200x64xf32, #tpu.memory_space<vmem>>, vector<1x16xf32>,
        %get3A_723 = vector.shape_cast %get3A_722 : vector<1x16xf32> to vector<16xf32>
        %add3A_724 = arith.addf %add3A_686, %get3A_723 : vector<16xf32>
        %get3A_725 = arith.constant 0 : i32
        %get3A_726 = arith.constant 0 : i32
        %get3A_727 = tpu.memref_slice %arg6[%scan3A_427, %get3A_725, %get3A_726] : memref<4x200x64xf32, #tpu.memory_space<vmem>> -> memref<1x200x64xf32, #tpu.memory_space<vmem>>
        %get3A_728 = tpu.memref_squeeze %get3A_727 : memref<1x200x64xf32, #tpu.memory_space<vmem>> -> memref<200x64xf32, #tpu.memory_space<vmem>>
        %get3A_729 = arith.index_cast %scan3A_697 : i32 to index
        %get3A_730 = arith.constant 48 : index
        %get3A_731 = tpu.vector_load %get3A_728[%get3A_729, %get3A_730] {strides = array<i32>} : memref<200x64xf32, #tpu.memory_space<vmem>>, vector<1x16xf32>,
        %get3A_732 = vector.shape_cast %get3A_731 : vector<1x16xf32> to vector<16xf32>
        %add3A_733 = arith.addf %add3A_695, %get3A_732 : vector<16xf32>
        %scan3A_734 = arith.constant 7 : i32
        %scan3A_735 = arith.addi %scan3A_466, %scan3A_734 : i32
        %get3A_736 = arith.constant 0 : i32
        %get3A_737 = arith.constant 0 : i32
        %get3A_738 = tpu.memref_slice %arg6[%scan3A_427, %get3A_736, %get3A_737] : memref<4x200x64xf32, #tpu.memory_space<vmem>> -> memref<1x200x64xf32, #tpu.memory_space<vmem>>
        %get3A_739 = tpu.memref_squeeze %get3A_738 : memref<1x200x64xf32, #tpu.memory_space<vmem>> -> memref<200x64xf32, #tpu.memory_space<vmem>>
        %get3A_740 = arith.index_cast %scan3A_735 : i32 to index
        %get3A_741 = arith.constant 0 : index
        %get3A_742 = tpu.vector_load %get3A_739[%get3A_740, %get3A_741] {strides = array<i32>} : memref<200x64xf32, #tpu.memory_space<vmem>>, vector<1x16xf32>,
        %get3A_743 = vector.shape_cast %get3A_742 : vector<1x16xf32> to vector<16xf32>
        %add3A_744 = arith.addf %add3A_706, %get3A_743 : vector<16xf32>
        %get3A_745 = arith.constant 0 : i32
        %get3A_746 = arith.constant 0 : i32
        %get3A_747 = tpu.memref_slice %arg6[%scan3A_427, %get3A_745, %get3A_746] : memref<4x200x64xf32, #tpu.memory_space<vmem>> -> memref<1x200x64xf32, #tpu.memory_space<vmem>>
        %get3A_748 = tpu.memref_squeeze %get3A_747 : memref<1x200x64xf32, #tpu.memory_space<vmem>> -> memref<200x64xf32, #tpu.memory_space<vmem>>
        %get3A_749 = arith.index_cast %scan3A_735 : i32 to index
        %get3A_750 = arith.constant 16 : index
        %get3A_751 = tpu.vector_load %get3A_748[%get3A_749, %get3A_750] {strides = array<i32>} : memref<200x64xf32, #tpu.memory_space<vmem>>, vector<1x16xf32>,
        %get3A_752 = vector.shape_cast %get3A_751 : vector<1x16xf32> to vector<16xf32>
        %add3A_753 = arith.addf %add3A_715, %get3A_752 : vector<16xf32>
        %get3A_754 = arith.constant 0 : i32
        %get3A_755 = arith.constant 0 : i32
        %get3A_756 = tpu.memref_slice %arg6[%scan3A_427, %get3A_754, %get3A_755] : memref<4x200x64xf32, #tpu.memory_space<vmem>> -> memref<1x200x64xf32, #tpu.memory_space<vmem>>
        %get3A_757 = tpu.memref_squeeze %get3A_756 : memref<1x200x64xf32, #tpu.memory_space<vmem>> -> memref<200x64xf32, #tpu.memory_space<vmem>>
        %get3A_758 = arith.index_cast %scan3A_735 : i32 to index
        %get3A_759 = arith.constant 32 : index
        %get3A_760 = tpu.vector_load %get3A_757[%get3A_758, %get3A_759] {strides = array<i32>} : memref<200x64xf32, #tpu.memory_space<vmem>>, vector<1x16xf32>,
        %get3A_761 = vector.shape_cast %get3A_760 : vector<1x16xf32> to vector<16xf32>
        %add3A_762 = arith.addf %add3A_724, %get3A_761 : vector<16xf32>
        %get3A_763 = arith.constant 0 : i32
        %get3A_764 = arith.constant 0 : i32
        %get3A_765 = tpu.memref_slice %arg6[%scan3A_427, %get3A_763, %get3A_764] : memref<4x200x64xf32, #tpu.memory_space<vmem>> -> memref<1x200x64xf32, #tpu.memory_space<vmem>>
        %get3A_766 = tpu.memref_squeeze %get3A_765 : memref<1x200x64xf32, #tpu.memory_space<vmem>> -> memref<200x64xf32, #tpu.memory_space<vmem>>
        %get3A_767 = arith.index_cast %scan3A_735 : i32 to index
        %get3A_768 = arith.constant 48 : index
        %get3A_769 = tpu.vector_load %get3A_766[%get3A_767, %get3A_768] {strides = array<i32>} : memref<200x64xf32, #tpu.memory_space<vmem>>, vector<1x16xf32>,
        %get3A_770 = vector.shape_cast %get3A_769 : vector<1x16xf32> to vector<16xf32>
        %add3A_771 = arith.addf %add3A_733, %get3A_770 : vector<16xf32>
        scf.yield %add3A_744, %add3A_753, %add3A_762, %add3A_771 : vector<16xf32>, vector<16xf32>, vector<16xf32>, vector<16xf32>
      }
      %scan3A_433 = arith.constant 200 : i32
      %mul3A_434 = arith.constant 5.000000e-03 : f32
      %mul3A_435 = vector.broadcast %mul3A_434 : f32 to vector<16xf32>
      %mul3A_436 = arith.mulf %scan3A_432#0, %mul3A_435 : vector<16xf32>
      %swap3A_437 = arith.index_cast %add3A_383 : i32 to index
      %swap3A_438 = arith.constant 0 : index
      %swap3A_439 = tpu.vector_load %arg7[%swap3A_437, %swap3A_438] {strides = array<i32>} : memref<128x64xf32, #tpu.memory_space<vmem>>, vector<1x16xf32>,
      %swap3A_440 = vector.shape_cast %swap3A_439 : vector<1x16xf32> to vector<16xf32>
      %swap3A_441 = vector.shape_cast %mul3A_436 : vector<16xf32> to vector<1x16xf32>
      tpu.vector_store %arg7[%swap3A_437, %swap3A_438], %swap3A_441 {strides = array<i32>} : memref<128x64xf32, #tpu.memory_space<vmem>>, vector<1x16xf32>,
      %mul3A_442 = arith.constant 5.000000e-03 : f32
      %mul3A_443 = vector.broadcast %mul3A_442 : f32 to vector<16xf32>
      %mul3A_444 = arith.mulf %scan3A_432#1, %mul3A_443 : vector<16xf32>
      %swap3A_445 = arith.index_cast %add3A_383 : i32 to index
      %swap3A_446 = arith.constant 16 : index
      %swap3A_447 = tpu.vector_load %arg7[%swap3A_445, %swap3A_446] {strides = array<i32>} : memref<128x64xf32, #tpu.memory_space<vmem>>, vector<1x16xf32>,
      %swap3A_448 = vector.shape_cast %swap3A_447 : vector<1x16xf32> to vector<16xf32>
      %swap3A_449 = vector.shape_cast %mul3A_444 : vector<16xf32> to vector<1x16xf32>
      tpu.vector_store %arg7[%swap3A_445, %swap3A_446], %swap3A_449 {strides = array<i32>} : memref<128x64xf32, #tpu.memory_space<vmem>>, vector<1x16xf32>,
      %mul3A_450 = arith.constant 5.000000e-03 : f32
      %mul3A_451 = vector.broadcast %mul3A_450 : f32 to vector<16xf32>
      %mul3A_452 = arith.mulf %scan3A_432#2, %mul3A_451 : vector<16xf32>
      %swap3A_453 = arith.index_cast %add3A_383 : i32 to index
      %swap3A_454 = arith.constant 32 : index
      %swap3A_455 = tpu.vector_load %arg7[%swap3A_453, %swap3A_454] {strides = array<i32>} : memref<128x64xf32, #tpu.memory_space<vmem>>, vector<1x16xf32>,
      %swap3A_456 = vector.shape_cast %swap3A_455 : vector<1x16xf32> to vector<16xf32>
      %swap3A_457 = vector.shape_cast %mul3A_452 : vector<16xf32> to vector<1x16xf32>
      tpu.vector_store %arg7[%swap3A_453, %swap3A_454], %swap3A_457 {strides = array<i32>} : memref<128x64xf32, #tpu.memory_space<vmem>>, vector<1x16xf32>,
      %mul3A_458 = arith.constant 5.000000e-03 : f32
      %mul3A_459 = vector.broadcast %mul3A_458 : f32 to vector<16xf32>
      %mul3A_460 = arith.mulf %scan3A_432#3, %mul3A_459 : vector<16xf32>
      %swap3A_461 = arith.index_cast %add3A_383 : i32 to index
      %swap3A_462 = arith.constant 48 : index
      %swap3A_463 = tpu.vector_load %arg7[%swap3A_461, %swap3A_462] {strides = array<i32>} : memref<128x64xf32, #tpu.memory_space<vmem>>, vector<1x16xf32>,
      %swap3A_464 = vector.shape_cast %swap3A_463 : vector<1x16xf32> to vector<16xf32>
      %swap3A_465 = vector.shape_cast %mul3A_460 : vector<16xf32> to vector<1x16xf32>
      tpu.vector_store %arg7[%swap3A_461, %swap3A_462], %swap3A_465 {strides = array<i32>} : memref<128x64xf32, #tpu.memory_space<vmem>>, vector<1x16xf32>,
    }
    %scan3A_126 = arith.constant 32 : i32
    "tpu.region"() ({
      %run_scoped3A = tpu.sem_alloc : memref<!tpu.dma_semaphore, #tpu.memory_space<semaphore_mem>>
      %dma_start3A_127 = arith.constant 0 : i32
      %dma_start3A_128 = tpu.memref_slice %arg4[%mul3A_2, %dma_start3A_127] : memref<4096x64xf32, #tpu.memory_space<hbm>> -> memref<128x64xf32, #tpu.memory_space<hbm>>
      %dma_start3A_129 = arith.constant 0 : i32
      %dma_start3A_130 = tpu.memref_slice %arg4[%mul3A_2, %dma_start3A_129] : memref<4096x64xf32, #tpu.memory_space<hbm>> -> memref<128x64xf32, #tpu.memory_space<hbm>>
      tpu.enqueue_dma source(%arg7 : memref<128x64xf32, #tpu.memory_space<vmem>>) target(%dma_start3A_130 : memref<128x64xf32, #tpu.memory_space<hbm>>) target_semaphore(%run_scoped3A : memref<!tpu.dma_semaphore, #tpu.memory_space<semaphore_mem>>)
      %dma_wait3A = arith.constant 0 : i32
      %dma_wait3A_131 = tpu.memref_slice %arg4[%mul3A_2, %dma_wait3A] : memref<4096x64xf32, #tpu.memory_space<hbm>> -> memref<128x64xf32, #tpu.memory_space<hbm>>
      %dma_wait3A_132 = arith.constant 0 : i32
      %dma_wait3A_133 = tpu.memref_slice %arg4[%mul3A_2, %dma_wait3A_132] : memref<4096x64xf32, #tpu.memory_space<hbm>> -> memref<128x64xf32, #tpu.memory_space<hbm>>
      tpu.wait_dma2 semaphore(%run_scoped3A : memref<!tpu.dma_semaphore, #tpu.memory_space<semaphore_mem>>) src(%arg7 : memref<128x64xf32, #tpu.memory_space<vmem>>) dst(%dma_wait3A_133 : memref<128x64xf32, #tpu.memory_space<hbm>>)
      tpu.yield
    }) : () -> ()
    return
  }
}

module attributes {stable_mosaic.version = 14 : i64} {
  func.func @_mlp_body(%arg0: memref<4096x64xf32, #tpu.memory_space<vmem>>, %arg1: memref<128x64xf32, #tpu.memory_space<vmem>>, %arg2: memref<1x128xf32, #tpu.memory_space<vmem>>, %arg3: memref<2x128xf32, #tpu.memory_space<vmem>>, %arg4: memref<1x2xf32, #tpu.memory_space<vmem>>, %arg5: memref<4096x2xf32, #tpu.memory_space<vmem>>) attributes {dimension_semantics = [], scalar_prefetch = 0 : i64, scratch_operands = 0 : i64, tpu.core_type = #tpu.core_type<tc>} {
    %get3A = arith.constant 0 : index
    %get3A_0 = arith.constant 0 : index
    %get3A_1 = vector.load %arg0[%get3A, %get3A_0] : memref<4096x64xf32, #tpu.memory_space<vmem>>, vector<4096x64xf32>
    %get3A_2 = arith.constant 0 : index
    %get3A_3 = arith.constant 0 : index
    %get3A_4 = vector.load %arg1[%get3A_2, %get3A_3] : memref<128x64xf32, #tpu.memory_space<vmem>>, vector<128x64xf32>
    %dot_general3A = arith.constant dense<0.000000e+00> : vector<4096x128xf32>
    %dot_general3A_5 = tpu.matmul %get3A_1, %get3A_4, %dot_general3A {dimension_numbers = #tpu.dot_dimension_numbers<[1], [1], [0], [0], [0, 0, 1, 0], [], []>, transpose_lhs_hint = false} : vector<4096x64xf32>, vector<128x64xf32>, vector<4096x128xf32> -> vector<4096x128xf32>
    %get3A_6 = arith.constant 0 : index
    %get3A_7 = arith.constant 0 : index
    %get3A_8 = vector.load %arg2[%get3A_6, %get3A_7] : memref<1x128xf32, #tpu.memory_space<vmem>>, vector<1x128xf32>
    %add3A = vector.broadcast %get3A_8 : vector<1x128xf32> to vector<4096x128xf32>
    %add3A_9 = arith.addf %dot_general3A_5, %add3A : vector<4096x128xf32>
    %max3A = arith.constant 0.000000e+00 : f32
    %max3A_10 = vector.broadcast %max3A : f32 to vector<4096x128xf32>
    %max3A_11 = arith.maximumf %add3A_9, %max3A_10 : vector<4096x128xf32>
    %get3A_12 = arith.constant 0 : index
    %get3A_13 = arith.constant 0 : index
    %get3A_14 = vector.load %arg3[%get3A_12, %get3A_13] : memref<2x128xf32, #tpu.memory_space<vmem>>, vector<2x128xf32>
    %dot_general3A_15 = arith.constant dense<0.000000e+00> : vector<4096x2xf32>
    %dot_general3A_16 = tpu.matmul %max3A_11, %get3A_14, %dot_general3A_15 {dimension_numbers = #tpu.dot_dimension_numbers<[1], [1], [0], [0], [0, 0, 1, 0], [], []>, transpose_lhs_hint = false} : vector<4096x128xf32>, vector<2x128xf32>, vector<4096x2xf32> -> vector<4096x2xf32>
    %get3A_17 = arith.constant 0 : index
    %get3A_18 = arith.constant 0 : index
    %get3A_19 = vector.load %arg4[%get3A_17, %get3A_18] : memref<1x2xf32, #tpu.memory_space<vmem>>, vector<1x2xf32>
    %add3A_20 = vector.broadcast %get3A_19 : vector<1x2xf32> to vector<4096x2xf32>
    %add3A_21 = arith.addf %dot_general3A_16, %add3A_20 : vector<4096x2xf32>
    %swap3A = arith.constant 0 : index
    %swap3A_22 = arith.constant 0 : index
    %swap3A_23 = vector.load %arg5[%swap3A, %swap3A_22] : memref<4096x2xf32, #tpu.memory_space<vmem>>, vector<4096x2xf32>
    tpu.vector_store %arg5[%swap3A, %swap3A_22], %add3A_21 {strides = array<i32>} : memref<4096x2xf32, #tpu.memory_space<vmem>>, vector<4096x2xf32>,
    return
  }
}

</mosaic_0001>

<sc_bundles>
// kernel: kernel.4.cloned.1.call-start
scs
__scs_entry_jumppad:
0x0: {  	(pc) =	sbr.rel $0x88, $3  }
0x1: {  	(tag) =	ssettag $0x0;
	lr =	simm.s32 $0x1  }
0x2: {  	[smem:$0x3F9B] =	sst lr;
	_ =	strace $0xD0000000  }
0x3: {  	_ = 	snop  }
0x4: {  	_ = 	snop  }
0x5: {  	_ = 	snop  }
0x6: {  	_ = 	snop  }
0x7: {  	_ = 	snop  }
__scs_overlays_trampoline_lowered:
0x8: {  	[smem:$0x3FAA] =	sst s0  }
0x9: {  	[smem:$0x3FAB] =	sst s1  }
0xa: {  	[smem:$0x3FAC] =	sst s2  }
0xb: {  	[smem:$0x3FAD] =	sst s3  }
0xc: {  	[smem:$0x3FAE] =	sst s4  }
0xd: {  	[smem:$0x3FAF] =	sst s5  }
0xe: {  	[smem:$0x3FB0] =	sst s6  }
0xf: {  	[smem:$0x3FB1] =	sst s7  }
0x10: {  	[smem:$0x3FB2] =	sst s8  }
0x11: {  	[smem:$0x3FB3] =	sst s9;
	s0 =	simm.s32 @!p0 $0x0  }
0x12: {  	s1 =	sld [smem:$0x3F99];
	s0 =	simm.s32 @p0 $0x1  }
0x13: {  	[smem:$0x3FB4] =	sst s0;
	s0 =	simm.s32 @!p1 $0x0  }
0x14: {  	s2 =	sld [smem:$0x3F98];
	s0 =	simm.s32 @p1 $0x1  }
0x15: {  	[smem:$0x3FB5] =	sst s0;
	s0 =	simm.s32 @!p2 $0x0  }
0x16: {  	s3 =	sld [smem:$0x3FDB];
	s0 =	simm.s32 @p2 $0x1  }
0x17: {  	s4 =	simm.s32 $0x1BF5;
	[smem:$0x3FB7] =	sst s0  }
0x18: {  	s0 =	sld [smem:$0x3F9A];
	_ =	swait.ge [sflag:s4], $0x0  }
0x19: {  	s7 =	sld [smem:$0x3F9B]  }
0x1a: {  	s8 =	sadd.s32 $0xFFFFE003, lr  }
0x1b: {  	s9 =	sadd.s32 $0xFFFFFEF7, lr;
	s5 =	simm.s32 $0xFFFFFFFF;
	p2 =	slt.u32 s8, $0xFFFFF086  }
0x1c: {  	p1 =	slt.u32 s9, $0xF7A;
	s5 =	simm.s32 @!p2 $0x0  }
0x1d: {  	s5 =	simm.s32 @p1 $0x1;
	p0 =	seq.s32 s7, s2  }
0x1e: {  	s7 =	smul.u32 @!p0 $0xF7A, s2;
	p2 =	seq.s32 @!p0 s5, $0x0  }
0x1f: {  	s9 =	smul.u32 $0xF7A, s1;
	s8 =	simm.s32 @!p0 $0x1BF5;
	p2 =	por !p2, p0  }
0x20: {  	[sflag:s8] =	ssyncset.s32 @!p0 $0xFFFFF086;
	s6 =	sadd.s32 @!p0 s3, s7;
	s7 =	simm.s32 @!p0 $0x108  }
0x21: {  	s3 =	sadd.s32 s3, s9;
	s6 =	sadd.s32 @!p0 $0x88, s6;
	s7 =	simm.s32 @p2 $0x1082  }
0x22: {  	[simem:s7], [sflag:s8] =	dma.local @!p0 [hbm:s6], $0xF7A  }
0x23: {  	s9 =	sor.u32 $0xD0000000, s2;
	s6 =	simm.s32 $0x108;
	_ =	swait.ge @!p0 [sflag:s8], $0x0  }
0x24: {  	s3 =	sadd.s32 $0x88, s3;
	s6 =	simm.s32 @!p1 $0x1082;
	[sflag:s4] =	ssyncset.s32 $0xFFFFF086  }
0x25: {  	[simem:s6], [sflag:s4] =	dma.local [hbm:s3], $0xF7A  }
0x26: {  	[smem:$0x3F9B] =	sst s1;
	(tag) =	ssettag s2;
	_ =	strace s9  }
0x27: {  	s1 =	sld [smem:$0x3FAB]  }
0x28: {  	s2 =	sld [smem:$0x3FAC]  }
0x29: {  	s4 =	sld [smem:$0x3FAE]  }
0x2a: {  	p0 =	seq.s32 s5, $0x0;
	s5 =	sld [smem:$0x3FAF]  }
0x2b: {  	s6 =	sld [smem:$0x3FB0]  }
0x2c: {  	s7 =	sld [smem:$0x3FB1]  }
0x2d: {  	s3 =	simm.s32 $0x108;
	s8 =	sld [smem:$0x3FB2]  }
0x2e: {  	s3 =	simm.s32 @!p0 $0x1082;
	s9 =	sld [smem:$0x3FB3]  }
0x2f: {  	lr =	sadd.s32 s0, s3;
	s0 =	sld [smem:$0x3FAA]  }
0x30: {  	s3 =	sld [smem:$0x3FAD]  }
0x31: {  	[smem:$0x3FB6] =	sst s10  }
0x32: {  	s10 =	sld [smem:$0x3FB4];
	_ =	sdelay $0x3  }
0x33: {  	p0 =	seq.s32 s10, $0x1;
	s10 =	sld [smem:$0x3FB6];
	_ =	sdelay $0x3  }
0x34: {  	[smem:$0x3FB6] =	sst s10  }
0x35: {  	s10 =	sld [smem:$0x3FB5];
	_ =	sdelay $0x3  }
0x36: {  	p1 =	seq.s32 s10, $0x1;
	s10 =	sld [smem:$0x3FB6];
	_ =	sdelay $0x3  }
0x37: {  	[smem:$0x3FB6] =	sst s10  }
0x38: {  	s10 =	sld [smem:$0x3FB7]  }
0x39: {  	_ = 	snop;
	(pc) =	sbr.ind lr, $3  }
0x3a: {  	_ = 	snop  }
0x3b: {  	_ = 	snop  }
0x3c: {  	p2 =	seq.s32 s10, $0x1;
	s10 =	sld [smem:$0x3FB6]  }
0x3d: {  	_ =	shalt  }
0x3e: {  	_ =	shalt  }
0x3f: {  	_ =	shalt  }
0x40: {  	_ =	shalt  }
0x41: {  	_ =	shalt  }
0x42: {  	_ =	shalt  }
0x43: {  	_ =	shalt  }
0x44: {  	_ =	shalt  }
0x45: {  	_ =	shalt  }
0x46: {  	_ =	shalt  }
0x47: {  	_ =	shalt  }
0x48: {  	_ =	shalt  }
0x49: {  	_ =	shalt  }
0x4a: {  	_ =	shalt  }
0x4b: {  	_ =	shalt  }
0x4c: {  	_ =	shalt  }
0x4d: {  	_ =	shalt  }
0x4e: {  	_ =	shalt  }
0x4f: {  	_ =	shalt  }
0x50: {  	_ =	shalt  }
0x51: {  	_ =	shalt  }
0x52: {  	_ =	shalt  }
0x53: {  	_ =	shalt  }
0x54: {  	_ =	shalt  }
0x55: {  	_ =	shalt  }
0x56: {  	_ =	shalt  }
0x57: {  	_ =	shalt  }
0x58: {  	_ =	shalt  }
0x59: {  	_ =	shalt  }
0x5a: {  	_ =	shalt  }
0x5b: {  	_ =	shalt  }
0x5c: {  	_ =	shalt  }
0x5d: {  	_ =	shalt  }
0x5e: {  	_ =	shalt  }
0x5f: {  	_ =	shalt  }
0x60: {  	_ =	shalt  }
0x61: {  	_ =	shalt  }
0x62: {  	_ =	shalt  }
0x63: {  	_ =	shalt  }
0x64: {  	_ =	shalt  }
0x65: {  	_ =	shalt  }
0x66: {  	_ =	shalt  }
0x67: {  	_ =	shalt  }
0x68: {  	_ =	shalt  }
0x69: {  	_ =	shalt  }
0x6a: {  	_ =	shalt  }
0x6b: {  	_ =	shalt  }
0x6c: {  	_ =	shalt  }
0x6d: {  	_ =	shalt  }
0x6e: {  	_ =	shalt  }
0x6f: {  	_ =	shalt  }
0x70: {  	_ =	shalt  }
0x71: {  	_ =	shalt  }
0x72: {  	_ =	shalt  }
0x73: {  	_ =	shalt  }
0x74: {  	_ =	shalt  }
0x75: {  	_ =	shalt  }
0x76: {  	_ =	shalt  }
0x77: {  	_ =	shalt  }
0x78: {  	_ =	shalt  }
0x79: {  	_ =	shalt  }
0x7a: {  	_ =	shalt  }
0x7b: {  	_ =	shalt  }
0x7c: {  	_ =	shalt  }
0x7d: {  	_ =	shalt  }
0x7e: {  	_ =	shalt  }
0x7f: {  	_ =	shalt  }
0x80: {  	_ =	shalt  }
0x81: {  	_ =	shalt  }
0x82: {  	_ =	shalt  }
0x83: {  	_ =	shalt  }
0x84: {  	_ =	shalt  }
0x85: {  	_ =	shalt  }
0x86: {  	_ =	shalt  }
0x87: {  	_ =	shalt  }
.Lfunc_end0:
.L_simem_size_0:
called_computation_lowered:
.L_overlay_start_0:
0x88: {  	s2 =	sld [smem:$0x3FD9]  }
0x89: {  	s3 =	sld [smem:$0x3FFE];
	_ =	sdelay $0x1  }
0x8a: {  	s1 =	srdreg.scid  }
0x8b: {  	s0 =	sand.u32 $0x1, s1  }
0x8c: {  	s16 =	sshll.u32 s0, $0xA;
	s2 =	sadd.s32 s3, s2  }
0x8d: {  	s2 =	sadd.s32 s2, s16  }
0x8e: {  	[smem:$0x3FC2] =	sst s2  }
0x8f: {  	_ = 	snop  }
0x90: {  	(tm) =	ssettm $0x1  }
0x91: {  	s17 =	sld [smem:$0x3FFB];
	_ =	sdelay $0x3  }
0x92: {  	_ =	strace s17  }
0x93: {  	s2 =	sld [smem:$0x3FFC];
	_ =	sdelay $0x3  }
0x94: {  	_ =	strace s2  }
0x95: {  	s2 =	sld [smem:$0x3FFD];
	_ =	sdelay $0x3  }
0x96: {  	_ =	strace s2  }
0x97: {  	_ =	strace $0x8FFFFFFF  }
0x98: {  	s18 =	sld [smem:$0x3FDB];
	_ =	sdelay $0x1  }
0x99: {  	s19 =	simm.s32 $_scs_section_size  }
0x9a: {  	s4 =	simm.s32 $_size__tile_overlayer_lowered;
	s5 =	simm.s32 $_tile_overlayer_lowered  }
0x9b: {  	s22 =	simm.s32 $0x1BFF;
	s21 =	sshll.u32 s5, $0x1;
	s2 =	sadd.s32 s19, s18  }
0x9c: {  	s6 =	simm.s32 $0x0;
	s20 =	sshll.u32 s4, $0x1;
	s4 =	sadd.s32 s21, s2  }
0x9d: {  	[timem:s6], [sflag:s22] =	dma.local [hbm:s4], s20  }
0x9e: {  	_ =	swait.ge [sflag:s22], s20  }
0x9f: {  	s3 =	ssub.s32 $0x0, s20;
	[sflag:s22] =	ssyncset.done $0x0  }
0xa0: {  	[sflag:s22] =	ssyncadd.s32 s3;
	_ =	sdelay $0x1  }
0xa1: {  	s23 =	simm.s32 $0x1B8B  }
0xa2: {  	_ =	swait.ge [sflag:s23], $0x1  }
0xa3: {  	[sflag:s23] =	ssyncset.done $0x0  }
0xa4: {  	s25 =	simm.s32 $0x1B8E;
	s24 =	sld [smem:$0x3FFE];
	[sflag:s23] =	ssyncadd.s32 $0xFFFFFFFF  }
0xa5: {  	s26 =	simm.s32 $execute0_lowered;
	[smem:$0x3FD2] =	sst s25  }
0xa6: {  	s4 =	sshll.u32 s26, $0x1;
	_ =	strace $0x80000046;
	[dreg:$0x1] =	wrdreg $0xFFFFFFFF  }
0xa7: {  	s28 =	simm.s32 $_size_execute0_lowered;
	s2 =	sadd.s32 s2, s4;
	[dreg:$0x0] =	wrdreg $0x0  }
0xa8: {  	s4 =	sshll.u32 s28, $0x1;
	[dreg:$0x2] =	wrdreg s2  }
0xa9: {  	[dreg:$0x3] =	wrdreg s4  }
0xaa: {  	[dreg:$0x4] =	wrdreg $0xC0  }
0xab: {  	_ =	task [dreg:s6], $0x5FFFF  }
0xac: {  	[dreg:$0x1] =	wrdreg $0xFFFFFFFF  }
0xad: {  	[dreg:$0x0] =	wrdreg $0x60  }
0xae: {  	[dreg:$0x2] =	wrdreg s24  }
0xaf: {  	[dreg:$0x3] =	wrdreg $0x9  }
0xb0: {  	_ =	task.clear_ibuf [dreg:s6], $0x4FFFF;
	_ =	strace $0x90000046  }
0xb1: {  	s29 =	simm.s32 $0x9;
	_ =	strace $0x80000048  }
0xb2: {  	_ =	swait.ge [sflag:s29], $0x1  }
0xb3: {  	[sflag:s29] =	ssyncadd.s32 $0xFFFFFFFF  }
0xb4: {  	_ =	strace $0x90000048  }
0xb5: {  	_ =	sfence  }
0xb6: {  	s30 =	sld [smem:$0x0];
	_ =	sdelay $0x2  }
0xb7: {  	s31 =	sshll.u32 s1, $0xD;
	s1 =	sshrl.u32 s1, $0x2  }
0xb8: {  	s3 =	sand.u32 $0x4000, s31;
	s1 =	sadd.s32 s1, s30  }
0xb9: {  	s0 =	sor.u32 s3, s0;
	s1 =	sshll.u32 s1, $0x11  }
0xba: {  	s0 =	sor.u32 s1, s0  }
0xbb: {  	s0 =	sadd.s32 $0x8F2B, s0  }
0xbc: {  	[sflag:s0] =	ssyncadd.remote.s32 $0x1  }
0xbd: {  	_ =	sfence.sel $0xFFFF  }
0xbe: {  	[dreg:$0x0] =	wrdreg $0xFFFFFFFF;
	(pc) =	sbr.abs _section_cstart, $3  }
0xbf: {  	[dreg:$0x1] =	wrdreg $0xFFFFFFFF  }
0xc0: {  	_ =	task.clear_ibuf [dreg:s6], $0x2FFFF;
	_ =	strace $0x9FFFFFFF  }
0xc1: {  	(tm) =	ssettm $0x7FFFFFFF  }
tec
execute0_lowered:
.L_overlay_start_1:
0x0: {  	(tag) =	ssettag $0x1  }
0x1: {  	s0 =	srdreg.scid;
	s2 =	stileid.u32  }
0x2: {  	s1 =	rddreg [dreg:$0x0];
	s7 =	simm.s32 $0x5;
	s8 =	simm.s32 $0x80  }
0x3: {  	s10 =	simm.s32 $0x48;
	s13 =	simm.s32 $0x9600;
	s14 =	simm.s32 $0x148  }
0x4: {  	s15 =	simm.s32 $0xB600;
	s16 =	simm.s32 $0x190;
	s17 =	simm.s32 $0xC800  }
0x5: {  	s18 =	simm.s32 $0x210;
	s19 =	simm.s32 $0xE800;
	s20 =	simm.s32 $0x258  }
0x6: {  	s21 =	simm.s32 $0xFA00;
	s22 =	simm.s32 $0x2D8;
	s23 =	simm.s32 $0x11A00  }
0x7: {  	s24 =	simm.s32 $0x1;
	s25 =	simm.s32 $0x2;
	s26 =	simm.s32 $0x3  }
0x8: {  	s28 =	simm.s32 $0x4;
	s29 =	simm.s32 $0x12C00;
	s0 =	sand.u32 $0x1, s0  }
0x9: {  	s3 =	sshll.u32 s2, $0x8;
	s2 =	simm.s32 $0x0;
	s4 =	sshll.u32 s0, $0x7  }
0xa: {  	s30 =	simm.s32 $0x0;
	[smem:$0x7FF] =	sst s2;
	s3 =	sor.u32 s4, s3  }
0xb: {  	s0 =	ssub.s32 $0x2, s0;
	_ =	strace $0x80000047;
	s4 =	smul.u32 $0x19, s3  }
0xc: {  	s31 =	sshrl.u32 s0, $0x1;
	s5 =	sshll.u32 s3, $0x3;
	s3 =	sadd.s32 $0x187800, s1  }
0xd: {  	s0 =	ssub.s32 s0, s31;
	s4 =	sadd.s32 s4, s1;
	s1 =	sadd.s32 s5, s1  }
0xe: {  	s6 =	smax.u32 s0, $0x1;
	s4 =	sadd.s32 $0xE00, s4;
	s5 =	sadd.s32 $0x19E00, s1  }
.LBB2_1:
0xf: {  	[tilespmem:s2], [sflag:$0x5] =	stream.linear.gather [hbm4b:s4+s2], $0x6400, $0x38;
	[tilespmem:$0x14C00] =	vst v63  }
0x10: {  	_ =	swait.ge [sflag:s7], $0x6400  }
0x11: {  	[sflag:s7] =	ssyncset.done $0x0  }
0x12: {  	s0 =	simm.s32 $0x6400;
	[sflag:s7] =	ssyncadd.s32 $0xFFFF9C00  }
0x13: {  	[tilespmem:s0], [sflag:$0x1] =	stream.indirect.gather [hbm4b:s3+s8], $0x40, s2, s8, $0xb8;
	[tilespmem:$0x14C00] =	vst v63  }
0x14: {  	s11 =	simm.s32 $0x8400  }
0x15: {  	[tilespmem:s11], [sflag:$0x1] =	stream.indirect.gather [hbm4b:s3+s10], $0x40, s8, s10, $0xb8;
	[tilespmem:$0x14C00] =	vst v63  }
0x16: {  	s12 =	simm.s32 $0xC8  }
0x17: {  	[tilespmem:s13], [sflag:$0x2] =	stream.indirect.gather [hbm4b:s3+s8], $0x40, s12, s8, $0xb8;
	[tilespmem:$0x14C00] =	vst v63  }
0x18: {  	_ = 	snop  }
0x19: {  	[tilespmem:s15], [sflag:$0x2] =	stream.indirect.gather [hbm4b:s3+s10], $0x40, s14, s10, $0xb8;
	[tilespmem:$0x14C00] =	vst v63  }
0x1a: {  	_ = 	snop  }
0x1b: {  	[tilespmem:s17], [sflag:$0x3] =	stream.indirect.gather [hbm4b:s3+s8], $0x40, s16, s8, $0xb8;
	[tilespmem:$0x14C00] =	vst v63  }
0x1c: {  	_ = 	snop  }
0x1d: {  	[tilespmem:s19], [sflag:$0x3] =	stream.indirect.gather [hbm4b:s3+s10], $0x40, s18, s10, $0xb8;
	[tilespmem:$0x14C00] =	vst v63  }
0x1e: {  	_ = 	snop  }
0x1f: {  	[tilespmem:s21], [sflag:$0x4] =	stream.indirect.gather [hbm4b:s3+s8], $0x40, s20, s8, $0xb8;
	[tilespmem:$0x14C00] =	vst v63  }
0x20: {  	s31 =	simm.s32 $0x0  }
0x21: {  	[tilespmem:s23], [sflag:$0x4] =	stream.indirect.gather [hbm4b:s3+s10], $0x40, s22, s10, $0xb8;
	[tilespmem:$0x14C00] =	vst v63  }
.LBB2_2:
0x22: {  	_ =	swait.ge [sflag:s24], $0x2000  }
0x23: {  	p0 =	seq.s32 s31, $0x1F;
	[sflag:s24] =	ssyncset.done $0x0  }
0x24: {  	s0 =	smul.u32 @!p0 $0xC80, s31;
	[sflag:s24] =	ssyncadd.s32 $0xFFFFE000  }
0x25: {  	s12 =	simm.s32 $0x6500;
	_ =	swait.ge [sflag:s24], $0x1200  }
0x26: {  	s9 =	simm.s32 @!p0 $0x80;
	s0 =	sshra.s32 @!p0 s0, $0x2;
	[sflag:s24] =	ssyncset.done $0x0  }
0x27: {  	s11 =	simm.s32 @!p0 $0x6400;
	s1 =	sadd.s32 @!p0 $0x320, s0;
	[sflag:s24] =	ssyncadd.s32 $0xFFFFEE00  }
0x28: {  	[tilespmem:s11], [sflag:$0x1] =	stream.indirect.gather @!p0 [hbm4b:s3+s9], $0x40, s1, s9, $0xb8;
	[tilespmem:$0x14C00] =	vst v63  }
0x29: {  	s1 =	sadd.s32 @!p0 $0x3A0, s0;
	s9 =	simm.s32 @!p0 $0x48;
	s11 =	simm.s32 @!p0 $0x8400  }
0x2a: {  	[tilespmem:s11], [sflag:$0x1] =	stream.indirect.gather @!p0 [hbm4b:s3+s9], $0x40, s1, s9, $0xb8;
	[tilespmem:$0x14C00] =	vst v63  }
0x2b: {  	v0 =	vld [tilespmem:s12+$0xC0]  }
0x2c: {  	v1 =	vld [tilespmem:s12+$0xD0]  }
0x2d: {  	v2 =	vld [tilespmem:s12+$0x80]  }
0x2e: {  	v3 =	vld [tilespmem:s12+$0x90]  }
0x2f: {  	v9 =	vld [tilespmem:s12+$0x40]  }
0x30: {  	v12 =	vld [tilespmem:s12+$0x50]  }
0x31: {  	v7 =	vld [tilespmem:s12+$0x0]  }
0x32: {  	v8 =	vld [tilespmem:s12+$0x10]  }
0x33: {  	v5 =	vld [tilespmem:s12+$0xFFFFFFC0]  }
0x34: {  	v6 =	vld [tilespmem:s12+$0xFFFFFFD0]  }
0x35: {  	v4 =	vld [tilespmem:s12+$0xFFFFFF80]  }
0x36: {  	v10 =	vld [tilespmem:s12+$0xFFFFFF90]  }
0x37: {  	v11 =	vld [tilespmem:s12+$0xFFFFFF40]  }
0x38: {  	v13 =	vld [tilespmem:s12+$0xFFFFFF50]  }
0x39: {  	v14 =	vld [tilespmem:s12+$0xFFFFFF00]  }
0x3a: {  	v15 =	vld [tilespmem:s12+$0xFFFFFF10]  }
0x3b: {  	v16 =	vld [tilespmem:s12+$0xFFFFFF20]  }
0x3c: {  	v17 =	vld [tilespmem:s12+$0xFFFFFF30]  }
0x3d: {  	v18 =	vld [tilespmem:s12+$0xFFFFFF60]  }
0x3e: {  	v19 =	vld [tilespmem:s12+$0xFFFFFF70]  }
0x3f: {  	v20 =	vimm.f32 $0.0e+00;
	v21 =	vld [tilespmem:s12+$0xFFFFFFA0]  }
0x40: {  	v22 =	vld [tilespmem:s12+$0xFFFFFFB0];
	v14 =	vadd.f32 v14, v20;
	v15 =	vadd.f32 v15, v20  }
0x41: {  	v59 =	vld [tilespmem:s12+$0xFFFFFFE0];
	v16 =	vadd.f32 v16, v20;
	v17 =	vadd.f32 v17, v20  }
0x42: {  	v11 =	vadd.f32 v11, v14;
	v13 =	vadd.f32 v13, v15;
	v14 =	vld [tilespmem:s12+$0xFFFFFFF0]  }
0x43: {  	v61 =	vld [tilespmem:s12+$0x20];
	v15 =	vadd.f32 v18, v16;
	v60 =	vadd.f32 v19, v17  }
0x44: {  	v11 =	vadd.f32 v4, v11;
	v10 =	vadd.f32 v10, v13;
	v13 =	vld [tilespmem:s12+$0x30]  }
0x45: {  	v15 =	vadd.f32 v21, v15;
	v16 =	vadd.f32 v22, v60;
	v4 =	vld [tilespmem:s12+$0x60]  }
0x46: {  	v11 =	vadd.f32 v5, v11;
	v10 =	vadd.f32 v6, v10;
	v6 =	vld [tilespmem:s12+$0x70]  }
0x47: {  	v15 =	vadd.f32 v59, v15;
	v5 =	vld [tilespmem:s12+$0xA0];
	v14 =	vadd.f32 v14, v16  }
0x48: {  	v62 =	vadd.f32 v7, v11;
	v63 =	vadd.f32 v8, v10;
	v8 =	vld [tilespmem:s12+$0xB0]  }
0x49: {  	v11 =	vadd.f32 v61, v15;
	v7 =	vld [tilespmem:s12+$0xE0];
	v10 =	vadd.f32 v13, v14  }
0x4a: {  	s1 =	simm.s32 $0x0;
	s9 =	simm.s32 $0x6700;
	v13 =	vadd.f32 v9, v62;
	v12 =	vadd.f32 v12, v63;
	v9 =	vld [tilespmem:s12+$0xF0]  }
.LBB2_3:
0x4b: {  	v14 =	vld [tilespmem:s9+$0xC0];
	v4 =	vadd.f32 v4, v11;
	v6 =	vadd.f32 v6, v10  }
0x4c: {  	v10 =	vld [tilespmem:s9+$0xD0];
	v11 =	vadd.f32 v2, v13;
	v12 =	vadd.f32 v3, v12  }
0x4d: {  	v2 =	vld [tilespmem:s9+$0x80];
	v4 =	vadd.f32 v5, v4;
	v5 =	vadd.f32 v8, v6  }
0x4e: {  	v3 =	vld [tilespmem:s9+$0x90];
	v6 =	vadd.f32 v0, v11;
	v8 =	vadd.f32 v1, v12  }
0x4f: {  	v12 =	vld [tilespmem:s9+$0x40];
	v4 =	vadd.f32 v7, v4;
	v5 =	vadd.f32 v9, v5  }
0x50: {  	v9 =	vld [tilespmem:s9+$0x50];
	v0 =	vmov v14  }
0x51: {  	v7 =	vld [tilespmem:s9+$0x0];
	v1 =	vmov v10  }
0x52: {  	v10 =	vld [tilespmem:s9+$0x10]  }
0x53: {  	v11 =	vld [tilespmem:s9+$0xFFFFFFC0]  }
0x54: {  	v13 =	vld [tilespmem:s9+$0xFFFFFFD0]  }
0x55: {  	v14 =	vld [tilespmem:s9+$0xFFFFFF80]  }
0x56: {  	v15 =	vld [tilespmem:s9+$0xFFFFFF90]  }
0x57: {  	v16 =	vld [tilespmem:s9+$0xFFFFFF40]  }
0x58: {  	v17 =	vld [tilespmem:s9+$0xFFFFFF50]  }
0x59: {  	v18 =	vld [tilespmem:s9+$0xFFFFFF00]  }
0x5a: {  	v19 =	vld [tilespmem:s9+$0xFFFFFF10]  }
0x5b: {  	v20 =	vld [tilespmem:s9+$0xFFFFFF20]  }
0x5c: {  	s1 =	sadd.s32 $0x8, s1;
	v21 =	vld [tilespmem:s9+$0xFFFFFF30]  }
0x5d: {  	p1 =	slt.u32 s1, $0xC0;
	v22 =	vld [tilespmem:s9+$0xFFFFFF60]  }
0x5e: {  	v23 =	vld [tilespmem:s9+$0xFFFFFF70]  }
0x5f: {  	v24 =	vld [tilespmem:s9+$0xFFFFFFA0]  }
0x60: {  	v6 =	vadd.f32 v18, v6;
	v8 =	vadd.f32 v19, v8;
	v18 =	vld [tilespmem:s9+$0xFFFFFFB0]  }
0x61: {  	v4 =	vadd.f32 v20, v4;
	v5 =	vadd.f32 v21, v5;
	v19 =	vld [tilespmem:s9+$0xFFFFFFE0]  }
0x62: {  	v6 =	vadd.f32 v16, v6;
	v8 =	vadd.f32 v17, v8;
	v16 =	vld [tilespmem:s9+$0xFFFFFFF0]  }
0x63: {  	v4 =	vadd.f32 v22, v4;
	v5 =	vadd.f32 v23, v5;
	v17 =	vld [tilespmem:s9+$0x20]  }
0x64: {  	v6 =	vadd.f32 v14, v6;
	v8 =	vadd.f32 v15, v8;
	v14 =	vld [tilespmem:s9+$0x30]  }
0x65: {  	v15 =	vadd.f32 v24, v4;
	v5 =	vadd.f32 v18, v5;
	v4 =	vld [tilespmem:s9+$0x60]  }
.Ltmp0:
0x66: {  	v11 =	vadd.f32 v11, v6;
	v8 =	vadd.f32 v13, v8;
	v6 =	vld [tilespmem:s9+$0x70];
	(pc) =	sbr.rel @p1 .LBB2_3-.Ltmp0, $4  }
0x67: {  	v13 =	vadd.f32 v19, v15;
	v15 =	vadd.f32 v16, v5;
	v5 =	vld [tilespmem:s9+$0xA0]  }
0x68: {  	v16 =	vadd.f32 v7, v11;
	v18 =	vadd.f32 v10, v8;
	v8 =	vld [tilespmem:s9+$0xB0]  }
0x69: {  	v11 =	vadd.f32 v17, v13;
	v10 =	vadd.f32 v14, v15;
	v7 =	vld [tilespmem:s9+$0xE0]  }
0x6a: {  	v13 =	vadd.f32 v12, v16;
	v12 =	vadd.f32 v9, v18;
	v9 =	vld [tilespmem:s9+$0xF0];
	s9 =	sadd.s32 $0x200, s9  }
0x6b: {  	_ = 	snop  }
0x6c: {  	v4 =	vadd.f32 v4, v11;
	v2 =	vadd.f32 v2, v13  }
0x6d: {  	v6 =	vadd.f32 v6, v10;
	v3 =	vadd.f32 v3, v12  }
0x6e: {  	v4 =	vadd.f32 v5, v4;
	v0 =	vadd.f32 v0, v2  }
0x6f: {  	v2 =	vadd.f32 v8, v6;
	v1 =	vadd.f32 v1, v3  }
0x70: {  	s1 =	sshll.u32 s31, $0x8;
	v3 =	vadd.f32 v7, v4;
	v0 =	vmul.f32 $4.999999890e-03, v0  }
0x71: {  	s1 =	sand.u32 $0x3FFFFF00, s1;
	v2 =	vadd.f32 v9, v2;
	v1 =	vmul.f32 $4.999999890e-03, v1  }
0x72: {  	[tilespmem:s1+$0x12C00] =	vst v0;
	v0 =	vmul.f32 $4.999999890e-03, v3  }
0x73: {  	[tilespmem:s1+$0x12C10] =	vst v1;
	v1 =	vmul.f32 $4.999999890e-03, v2  }
0x74: {  	[tilespmem:s1+$0x12C20] =	vst v0  }
0x75: {  	[tilespmem:s1+$0x12C30] =	vst v1  }
0x76: {  	_ =	swait.ge [sflag:s25], $0x2000  }
0x77: {  	[sflag:s25] =	ssyncset.done $0x0  }
0x78: {  	[sflag:s25] =	ssyncadd.s32 $0xFFFFE000  }
0x79: {  	_ =	swait.ge [sflag:s25], $0x1200  }
0x7a: {  	s9 =	sadd.s32 @!p0 $0x3E8, s0;
	[sflag:s25] =	ssyncset.done $0x0  }
0x7b: {  	s11 =	simm.s32 @!p0 $0x80;
	s12 =	simm.s32 @!p0 $0x9600;
	[sflag:s25] =	ssyncadd.s32 $0xFFFFEE00  }
0x7c: {  	[tilespmem:s12], [sflag:$0x2] =	stream.indirect.gather @!p0 [hbm4b:s3+s11], $0x40, s9, s11, $0xb8;
	[tilespmem:$0x14C00] =	vst v63  }
0x7d: {  	s9 =	sadd.s32 @!p0 $0x468, s0;
	s11 =	simm.s32 @!p0 $0x48;
	s12 =	simm.s32 @!p0 $0xB600  }
0x7e: {  	[tilespmem:s12], [sflag:$0x2] =	stream.indirect.gather @!p0 [hbm4b:s3+s11], $0x40, s9, s11, $0xb8;
	[tilespmem:$0x14C00] =	vst v63  }
0x7f: {  	s12 =	simm.s32 $0x97F0  }
0x80: {  	v0 =	vld [tilespmem:s12+$0xFFFFFFD0]  }
0x81: {  	v1 =	vld [tilespmem:s12+$0xFFFFFFE0]  }
0x82: {  	v2 =	vld [tilespmem:s12+$0xFFFFFF90]  }
0x83: {  	v3 =	vld [tilespmem:s12+$0xFFFFFFA0]  }
0x84: {  	v9 =	vld [tilespmem:s12+$0xFFFFFF50]  }
0x85: {  	v12 =	vld [tilespmem:s12+$0xFFFFFF60]  }
0x86: {  	v7 =	vld [tilespmem:s12+$0xFFFFFF10]  }
0x87: {  	v8 =	vld [tilespmem:s12+$0xFFFFFF20]  }
0x88: {  	v5 =	vld [tilespmem:s12+$0xFFFFFED0]  }
0x89: {  	v6 =	vld [tilespmem:s12+$0xFFFFFEE0]  }
0x8a: {  	v4 =	vld [tilespmem:s12+$0xFFFFFE90]  }
0x8b: {  	v10 =	vld [tilespmem:s12+$0xFFFFFEA0]  }
0x8c: {  	v11 =	vld [tilespmem:s12+$0xFFFFFE50]  }
0x8d: {  	v13 =	vld [tilespmem:s12+$0xFFFFFE60]  }
0x8e: {  	v14 =	vld [tilespmem:s12+$0xFFFFFE10]  }
0x8f: {  	v15 =	vld [tilespmem:s12+$0xFFFFFE20]  }
0x90: {  	v16 =	vld [tilespmem:s12+$0xFFFFFE30]  }
0x91: {  	v17 =	vld [tilespmem:s12+$0xFFFFFE40]  }
0x92: {  	v18 =	vld [tilespmem:s12+$0xFFFFFE70]  }
0x93: {  	v19 =	vld [tilespmem:s12+$0xFFFFFE80]  }
0x94: {  	v20 =	vimm.f32 $0.0e+00;
	v21 =	vld [tilespmem:s12+$0xFFFFFEB0]  }
0x95: {  	v22 =	vld [tilespmem:s12+$0xFFFFFEC0];
	v14 =	vadd.f32 v14, v20;
	v15 =	vadd.f32 v15, v20  }
0x96: {  	v59 =	vld [tilespmem:s12+$0xFFFFFEF0];
	v16 =	vadd.f32 v16, v20;
	v17 =	vadd.f32 v17, v20  }
0x97: {  	v11 =	vadd.f32 v11, v14;
	v13 =	vadd.f32 v13, v15;
	v14 =	vld [tilespmem:s12+$0xFFFFFF00]  }
0x98: {  	v61 =	vld [tilespmem:s12+$0xFFFFFF30];
	v15 =	vadd.f32 v18, v16;
	v60 =	vadd.f32 v19, v17  }
0x99: {  	v11 =	vadd.f32 v4, v11;
	v10 =	vadd.f32 v10, v13;
	v13 =	vld [tilespmem:s12+$0xFFFFFF40]  }
0x9a: {  	v15 =	vadd.f32 v21, v15;
	v16 =	vadd.f32 v22, v60;
	v4 =	vld [tilespmem:s12+$0xFFFFFF70]  }
0x9b: {  	v11 =	vadd.f32 v5, v11;
	v10 =	vadd.f32 v6, v10;
	v6 =	vld [tilespmem:s12+$0xFFFFFF80]  }
0x9c: {  	v15 =	vadd.f32 v59, v15;
	v5 =	vld [tilespmem:s12+$0xFFFFFFB0];
	v14 =	vadd.f32 v14, v16  }
0x9d: {  	v62 =	vadd.f32 v7, v11;
	v63 =	vadd.f32 v8, v10;
	v8 =	vld [tilespmem:s12+$0xFFFFFFC0]  }
0x9e: {  	v11 =	vadd.f32 v61, v15;
	v7 =	vld [tilespmem:s12+$0xFFFFFFF0];
	v10 =	vadd.f32 v13, v14  }
0x9f: {  	s9 =	simm.s32 $0x0;
	s11 =	simm.s32 $0x99F0;
	v13 =	vadd.f32 v9, v62;
	v12 =	vadd.f32 v12, v63;
	v9 =	vld [tilespmem:s12+$0x0]  }
.LBB2_5:
0xa0: {  	v14 =	vld [tilespmem:s11+$0xFFFFFFD0];
	v4 =	vadd.f32 v4, v11;
	v6 =	vadd.f32 v6, v10  }
0xa1: {  	v10 =	vld [tilespmem:s11+$0xFFFFFFE0];
	v11 =	vadd.f32 v2, v13;
	v12 =	vadd.f32 v3, v12  }
0xa2: {  	v2 =	vld [tilespmem:s11+$0xFFFFFF90];
	v4 =	vadd.f32 v5, v4;
	v5 =	vadd.f32 v8, v6  }
0xa3: {  	v3 =	vld [tilespmem:s11+$0xFFFFFFA0];
	v6 =	vadd.f32 v0, v11;
	v8 =	vadd.f32 v1, v12  }
0xa4: {  	v12 =	vld [tilespmem:s11+$0xFFFFFF50];
	v4 =	vadd.f32 v7, v4;
	v5 =	vadd.f32 v9, v5  }
0xa5: {  	v9 =	vld [tilespmem:s11+$0xFFFFFF60];
	v0 =	vmov v14  }
0xa6: {  	v7 =	vld [tilespmem:s11+$0xFFFFFF10];
	v1 =	vmov v10  }
0xa7: {  	v10 =	vld [tilespmem:s11+$0xFFFFFF20]  }
0xa8: {  	v11 =	vld [tilespmem:s11+$0xFFFFFED0]  }
0xa9: {  	v13 =	vld [tilespmem:s11+$0xFFFFFEE0]  }
0xaa: {  	v14 =	vld [tilespmem:s11+$0xFFFFFE90]  }
0xab: {  	v15 =	vld [tilespmem:s11+$0xFFFFFEA0]  }
0xac: {  	v16 =	vld [tilespmem:s11+$0xFFFFFE50]  }
0xad: {  	v17 =	vld [tilespmem:s11+$0xFFFFFE60]  }
0xae: {  	v18 =	vld [tilespmem:s11+$0xFFFFFE10]  }
0xaf: {  	v19 =	vld [tilespmem:s11+$0xFFFFFE20]  }
0xb0: {  	v20 =	vld [tilespmem:s11+$0xFFFFFE30]  }
0xb1: {  	s9 =	sadd.s32 $0x8, s9;
	v21 =	vld [tilespmem:s11+$0xFFFFFE40]  }
0xb2: {  	p1 =	slt.u32 s9, $0xC0;
	v22 =	vld [tilespmem:s11+$0xFFFFFE70]  }
0xb3: {  	v23 =	vld [tilespmem:s11+$0xFFFFFE80]  }
0xb4: {  	v24 =	vld [tilespmem:s11+$0xFFFFFEB0]  }
0xb5: {  	v6 =	vadd.f32 v18, v6;
	v8 =	vadd.f32 v19, v8;
	v18 =	vld [tilespmem:s11+$0xFFFFFEC0]  }
0xb6: {  	v4 =	vadd.f32 v20, v4;
	v5 =	vadd.f32 v21, v5;
	v19 =	vld [tilespmem:s11+$0xFFFFFEF0]  }
0xb7: {  	v6 =	vadd.f32 v16, v6;
	v8 =	vadd.f32 v17, v8;
	v16 =	vld [tilespmem:s11+$0xFFFFFF00]  }
0xb8: {  	v4 =	vadd.f32 v22, v4;
	v5 =	vadd.f32 v23, v5;
	v17 =	vld [tilespmem:s11+$0xFFFFFF30]  }
0xb9: {  	v6 =	vadd.f32 v14, v6;
	v8 =	vadd.f32 v15, v8;
	v14 =	vld [tilespmem:s11+$0xFFFFFF40]  }
0xba: {  	v15 =	vadd.f32 v24, v4;
	v5 =	vadd.f32 v18, v5;
	v4 =	vld [tilespmem:s11+$0xFFFFFF70]  }
.Ltmp1:
0xbb: {  	v11 =	vadd.f32 v11, v6;
	v8 =	vadd.f32 v13, v8;
	v6 =	vld [tilespmem:s11+$0xFFFFFF80];
	(pc) =	sbr.rel @p1 .LBB2_5-.Ltmp1, $4  }
0xbc: {  	v13 =	vadd.f32 v19, v15;
	v15 =	vadd.f32 v16, v5;
	v5 =	vld [tilespmem:s11+$0xFFFFFFB0]  }
0xbd: {  	v16 =	vadd.f32 v7, v11;
	v18 =	vadd.f32 v10, v8;
	v8 =	vld [tilespmem:s11+$0xFFFFFFC0]  }
0xbe: {  	v11 =	vadd.f32 v17, v13;
	v10 =	vadd.f32 v14, v15;
	v7 =	vld [tilespmem:s11+$0xFFFFFFF0]  }
0xbf: {  	v13 =	vadd.f32 v12, v16;
	v12 =	vadd.f32 v9, v18;
	v9 =	vld [tilespmem:s11+$0x0];
	s11 =	sadd.s32 $0x200, s11  }
0xc0: {  	_ = 	snop  }
0xc1: {  	v4 =	vadd.f32 v4, v11;
	v2 =	vadd.f32 v2, v13  }
0xc2: {  	v6 =	vadd.f32 v6, v10;
	v3 =	vadd.f32 v3, v12  }
0xc3: {  	v4 =	vadd.f32 v5, v4;
	v0 =	vadd.f32 v0, v2  }
0xc4: {  	v2 =	vadd.f32 v8, v6;
	v1 =	vadd.f32 v1, v3  }
0xc5: {  	v3 =	vadd.f32 v7, v4;
	v0 =	vmul.f32 $4.999999890e-03, v0  }
0xc6: {  	v2 =	vadd.f32 v9, v2;
	v1 =	vmul.f32 $4.999999890e-03, v1  }
0xc7: {  	[tilespmem:s1+$0x12C40] =	vst v0;
	v0 =	vmul.f32 $4.999999890e-03, v3  }
0xc8: {  	[tilespmem:s1+$0x12C50] =	vst v1;
	v1 =	vmul.f32 $4.999999890e-03, v2  }
0xc9: {  	[tilespmem:s1+$0x12C60] =	vst v0  }
0xca: {  	[tilespmem:s1+$0x12C70] =	vst v1  }
0xcb: {  	_ =	swait.ge [sflag:s26], $0x2000  }
0xcc: {  	[sflag:s26] =	ssyncset.done $0x0  }
0xcd: {  	[sflag:s26] =	ssyncadd.s32 $0xFFFFE000  }
0xce: {  	_ =	swait.ge [sflag:s26], $0x1200  }
0xcf: {  	s9 =	sadd.s32 @!p0 $0x4B0, s0;
	[sflag:s26] =	ssyncset.done $0x0  }
0xd0: {  	s11 =	simm.s32 @!p0 $0x80;
	s12 =	simm.s32 @!p0 $0xC800;
	[sflag:s26] =	ssyncadd.s32 $0xFFFFEE00  }
0xd1: {  	[tilespmem:s12], [sflag:$0x3] =	stream.indirect.gather @!p0 [hbm4b:s3+s11], $0x40, s9, s11, $0xb8;
	[tilespmem:$0x14C00] =	vst v63  }
0xd2: {  	s9 =	sadd.s32 @!p0 $0x530, s0;
	s11 =	simm.s32 @!p0 $0x48;
	s12 =	simm.s32 @!p0 $0xE800  }
0xd3: {  	[tilespmem:s12], [sflag:$0x3] =	stream.indirect.gather @!p0 [hbm4b:s3+s11], $0x40, s9, s11, $0xb8;
	[tilespmem:$0x14C00] =	vst v63  }
0xd4: {  	s12 =	simm.s32 $0xC800  }
0xd5: {  	v0 =	vld [tilespmem:s12+$0x1C0]  }
0xd6: {  	v1 =	vld [tilespmem:s12+$0x1D0]  }
0xd7: {  	v2 =	vld [tilespmem:s12+$0x180]  }
0xd8: {  	v3 =	vld [tilespmem:s12+$0x190]  }
0xd9: {  	v9 =	vld [tilespmem:s12+$0x140]  }
0xda: {  	v12 =	vld [tilespmem:s12+$0x150]  }
0xdb: {  	v7 =	vld [tilespmem:s12+$0x100]  }
0xdc: {  	v8 =	vld [tilespmem:s12+$0x110]  }
0xdd: {  	v5 =	vld [tilespmem:s12+$0xC0]  }
0xde: {  	v6 =	vld [tilespmem:s12+$0xD0]  }
0xdf: {  	v4 =	vld [tilespmem:s12+$0x80]  }
0xe0: {  	v10 =	vld [tilespmem:s12+$0x90]  }
0xe1: {  	v11 =	vld [tilespmem:s12+$0x40]  }
0xe2: {  	v13 =	vld [tilespmem:s12+$0x50]  }
0xe3: {  	v14 =	vld [tilespmem:s12+$0x0]  }
0xe4: {  	v15 =	vld [tilespmem:s12+$0x10]  }
0xe5: {  	v16 =	vld [tilespmem:s12+$0x20]  }
0xe6: {  	v17 =	vld [tilespmem:s12+$0x30]  }
0xe7: {  	v18 =	vld [tilespmem:s12+$0x60]  }
0xe8: {  	v19 =	vld [tilespmem:s12+$0x70]  }
0xe9: {  	v20 =	vimm.f32 $0.0e+00;
	v21 =	vld [tilespmem:s12+$0xA0]  }
0xea: {  	v22 =	vld [tilespmem:s12+$0xB0];
	v14 =	vadd.f32 v14, v20;
	v15 =	vadd.f32 v15, v20  }
0xeb: {  	v59 =	vld [tilespmem:s12+$0xE0];
	v16 =	vadd.f32 v16, v20;
	v17 =	vadd.f32 v17, v20  }
0xec: {  	v11 =	vadd.f32 v11, v14;
	v13 =	vadd.f32 v13, v15;
	v14 =	vld [tilespmem:s12+$0xF0]  }
0xed: {  	v61 =	vld [tilespmem:s12+$0x120];
	v15 =	vadd.f32 v18, v16;
	v60 =	vadd.f32 v19, v17  }
0xee: {  	v11 =	vadd.f32 v4, v11;
	v10 =	vadd.f32 v10, v13;
	v13 =	vld [tilespmem:s12+$0x130]  }
0xef: {  	v15 =	vadd.f32 v21, v15;
	v16 =	vadd.f32 v22, v60;
	v4 =	vld [tilespmem:s12+$0x160]  }
0xf0: {  	v11 =	vadd.f32 v5, v11;
	v10 =	vadd.f32 v6, v10;
	v6 =	vld [tilespmem:s12+$0x170]  }
0xf1: {  	v15 =	vadd.f32 v59, v15;
	v5 =	vld [tilespmem:s12+$0x1A0];
	v14 =	vadd.f32 v14, v16  }
0xf2: {  	v62 =	vadd.f32 v7, v11;
	v63 =	vadd.f32 v8, v10;
	v8 =	vld [tilespmem:s12+$0x1B0]  }
0xf3: {  	v11 =	vadd.f32 v61, v15;
	v7 =	vld [tilespmem:s12+$0x1E0];
	v10 =	vadd.f32 v13, v14  }
0xf4: {  	s9 =	simm.s32 $0x0;
	s11 =	simm.s32 $0xCA00;
	v13 =	vadd.f32 v9, v62;
	v12 =	vadd.f32 v12, v63;
	v9 =	vld [tilespmem:s12+$0x1F0]  }
.LBB2_7:
0xf5: {  	v14 =	vld [tilespmem:s11+$0x1C0];
	v4 =	vadd.f32 v4, v11;
	v6 =	vadd.f32 v6, v10  }
0xf6: {  	v10 =	vld [tilespmem:s11+$0x1D0];
	v11 =	vadd.f32 v2, v13;
	v12 =	vadd.f32 v3, v12  }
0xf7: {  	v2 =	vld [tilespmem:s11+$0x180];
	v4 =	vadd.f32 v5, v4;
	v5 =	vadd.f32 v8, v6  }
0xf8: {  	v3 =	vld [tilespmem:s11+$0x190];
	v6 =	vadd.f32 v0, v11;
	v8 =	vadd.f32 v1, v12  }
0xf9: {  	v12 =	vld [tilespmem:s11+$0x140];
	v4 =	vadd.f32 v7, v4;
	v5 =	vadd.f32 v9, v5  }
0xfa: {  	v9 =	vld [tilespmem:s11+$0x150];
	v0 =	vmov v14  }
0xfb: {  	v7 =	vld [tilespmem:s11+$0x100];
	v1 =	vmov v10  }
0xfc: {  	v10 =	vld [tilespmem:s11+$0x110]  }
0xfd: {  	v11 =	vld [tilespmem:s11+$0xC0]  }
0xfe: {  	v13 =	vld [tilespmem:s11+$0xD0]  }
0xff: {  	v14 =	vld [tilespmem:s11+$0x80]  }
0x100: {  	v15 =	vld [tilespmem:s11+$0x90]  }
0x101: {  	v16 =	vld [tilespmem:s11+$0x40]  }
0x102: {  	v17 =	vld [tilespmem:s11+$0x50]  }
0x103: {  	v18 =	vld [tilespmem:s11+$0x0]  }
0x104: {  	v19 =	vld [tilespmem:s11+$0x10]  }
0x105: {  	v20 =	vld [tilespmem:s11+$0x20]  }
0x106: {  	s9 =	sadd.s32 $0x8, s9;
	v21 =	vld [tilespmem:s11+$0x30]  }
0x107: {  	p1 =	slt.u32 s9, $0xC0;
	v22 =	vld [tilespmem:s11+$0x60]  }
0x108: {  	v23 =	vld [tilespmem:s11+$0x70]  }
0x109: {  	v24 =	vld [tilespmem:s11+$0xA0]  }
0x10a: {  	v6 =	vadd.f32 v18, v6;
	v8 =	vadd.f32 v19, v8;
	v18 =	vld [tilespmem:s11+$0xB0]  }
0x10b: {  	v4 =	vadd.f32 v20, v4;
	v5 =	vadd.f32 v21, v5;
	v19 =	vld [tilespmem:s11+$0xE0]  }
0x10c: {  	v6 =	vadd.f32 v16, v6;
	v8 =	vadd.f32 v17, v8;
	v16 =	vld [tilespmem:s11+$0xF0]  }
0x10d: {  	v4 =	vadd.f32 v22, v4;
	v5 =	vadd.f32 v23, v5;
	v17 =	vld [tilespmem:s11+$0x120]  }
0x10e: {  	v6 =	vadd.f32 v14, v6;
	v8 =	vadd.f32 v15, v8;
	v14 =	vld [tilespmem:s11+$0x130]  }
0x10f: {  	v15 =	vadd.f32 v24, v4;
	v5 =	vadd.f32 v18, v5;
	v4 =	vld [tilespmem:s11+$0x160]  }
.Ltmp2:
0x110: {  	v11 =	vadd.f32 v11, v6;
	v8 =	vadd.f32 v13, v8;
	v6 =	vld [tilespmem:s11+$0x170];
	(pc) =	sbr.rel @p1 .LBB2_7-.Ltmp2, $4  }
0x111: {  	v13 =	vadd.f32 v19, v15;
	v15 =	vadd.f32 v16, v5;
	v5 =	vld [tilespmem:s11+$0x1A0]  }
0x112: {  	v16 =	vadd.f32 v7, v11;
	v18 =	vadd.f32 v10, v8;
	v8 =	vld [tilespmem:s11+$0x1B0]  }
0x113: {  	v11 =	vadd.f32 v17, v13;
	v10 =	vadd.f32 v14, v15;
	v7 =	vld [tilespmem:s11+$0x1E0]  }
0x114: {  	v13 =	vadd.f32 v12, v16;
	v12 =	vadd.f32 v9, v18;
	v9 =	vld [tilespmem:s11+$0x1F0];
	s11 =	sadd.s32 $0x200, s11  }
0x115: {  	_ = 	snop  }
0x116: {  	v4 =	vadd.f32 v4, v11;
	v2 =	vadd.f32 v2, v13  }
0x117: {  	v6 =	vadd.f32 v6, v10;
	v3 =	vadd.f32 v3, v12  }
0x118: {  	v4 =	vadd.f32 v5, v4;
	v0 =	vadd.f32 v0, v2  }
0x119: {  	v2 =	vadd.f32 v8, v6;
	v1 =	vadd.f32 v1, v3  }
0x11a: {  	v3 =	vadd.f32 v7, v4;
	v0 =	vmul.f32 $4.999999890e-03, v0  }
0x11b: {  	v2 =	vadd.f32 v9, v2;
	v1 =	vmul.f32 $4.999999890e-03, v1  }
0x11c: {  	[tilespmem:s1+$0x12C80] =	vst v0;
	v0 =	vmul.f32 $4.999999890e-03, v3  }
0x11d: {  	[tilespmem:s1+$0x12C90] =	vst v1;
	v1 =	vmul.f32 $4.999999890e-03, v2  }
0x11e: {  	[tilespmem:s1+$0x12CA0] =	vst v0  }
0x11f: {  	[tilespmem:s1+$0x12CB0] =	vst v1  }
0x120: {  	_ =	swait.ge [sflag:s28], $0x2000  }
0x121: {  	[sflag:s28] =	ssyncset.done $0x0  }
0x122: {  	[sflag:s28] =	ssyncadd.s32 $0xFFFFE000  }
0x123: {  	_ =	swait.ge [sflag:s28], $0x1200  }
0x124: {  	s9 =	sadd.s32 @!p0 $0x578, s0;
	s11 =	simm.s32 @!p0 $0x80;
	[sflag:s28] =	ssyncset.done $0x0  }
0x125: {  	s12 =	simm.s32 @!p0 $0xFA00;
	s0 =	sadd.s32 @!p0 $0x5F8, s0;
	[sflag:s28] =	ssyncadd.s32 $0xFFFFEE00  }
0x126: {  	[tilespmem:s12], [sflag:$0x4] =	stream.indirect.gather @!p0 [hbm4b:s3+s11], $0x40, s9, s11, $0xb8;
	[tilespmem:$0x14C00] =	vst v63  }
0x127: {  	s9 =	simm.s32 @!p0 $0x48;
	s11 =	simm.s32 @!p0 $0x11A00;
	s12 =	simm.s32 $0xFA00  }
0x128: {  	[tilespmem:s11], [sflag:$0x4] =	stream.indirect.gather @!p0 [hbm4b:s3+s9], $0x40, s0, s9, $0xb8;
	[tilespmem:$0x14C00] =	vst v63  }
0x129: {  	v0 =	vld [tilespmem:s12+$0x1C0]  }
0x12a: {  	v1 =	vld [tilespmem:s12+$0x1D0]  }
0x12b: {  	v2 =	vld [tilespmem:s12+$0x180]  }
0x12c: {  	v3 =	vld [tilespmem:s12+$0x190]  }
0x12d: {  	v9 =	vld [tilespmem:s12+$0x140]  }
0x12e: {  	v12 =	vld [tilespmem:s12+$0x150]  }
0x12f: {  	v7 =	vld [tilespmem:s12+$0x100]  }
0x130: {  	v8 =	vld [tilespmem:s12+$0x110]  }
0x131: {  	v5 =	vld [tilespmem:s12+$0xC0]  }
0x132: {  	v6 =	vld [tilespmem:s12+$0xD0]  }
0x133: {  	v4 =	vld [tilespmem:s12+$0x80]  }
0x134: {  	v10 =	vld [tilespmem:s12+$0x90]  }
0x135: {  	v11 =	vld [tilespmem:s12+$0x40]  }
0x136: {  	v13 =	vld [tilespmem:s12+$0x50]  }
0x137: {  	v14 =	vld [tilespmem:s12+$0x0]  }
0x138: {  	v15 =	vld [tilespmem:s12+$0x10]  }
0x139: {  	v16 =	vld [tilespmem:s12+$0x20]  }
0x13a: {  	v17 =	vld [tilespmem:s12+$0x30]  }
0x13b: {  	v18 =	vld [tilespmem:s12+$0x60]  }
0x13c: {  	v19 =	vld [tilespmem:s12+$0x70]  }
0x13d: {  	v20 =	vimm.f32 $0.0e+00;
	v21 =	vld [tilespmem:s12+$0xA0]  }
0x13e: {  	v22 =	vld [tilespmem:s12+$0xB0];
	v14 =	vadd.f32 v14, v20;
	v15 =	vadd.f32 v15, v20  }
0x13f: {  	v59 =	vld [tilespmem:s12+$0xE0];
	v16 =	vadd.f32 v16, v20;
	v17 =	vadd.f32 v17, v20  }
0x140: {  	v11 =	vadd.f32 v11, v14;
	v13 =	vadd.f32 v13, v15;
	v14 =	vld [tilespmem:s12+$0xF0]  }
0x141: {  	v61 =	vld [tilespmem:s12+$0x120];
	v15 =	vadd.f32 v18, v16;
	v60 =	vadd.f32 v19, v17  }
0x142: {  	v11 =	vadd.f32 v4, v11;
	v10 =	vadd.f32 v10, v13;
	v13 =	vld [tilespmem:s12+$0x130]  }
0x143: {  	v15 =	vadd.f32 v21, v15;
	v16 =	vadd.f32 v22, v60;
	v4 =	vld [tilespmem:s12+$0x160]  }
0x144: {  	v11 =	vadd.f32 v5, v11;
	v10 =	vadd.f32 v6, v10;
	v6 =	vld [tilespmem:s12+$0x170]  }
0x145: {  	v15 =	vadd.f32 v59, v15;
	v5 =	vld [tilespmem:s12+$0x1A0];
	v14 =	vadd.f32 v14, v16  }
0x146: {  	v62 =	vadd.f32 v7, v11;
	v63 =	vadd.f32 v8, v10;
	v8 =	vld [tilespmem:s12+$0x1B0]  }
0x147: {  	v11 =	vadd.f32 v61, v15;
	v7 =	vld [tilespmem:s12+$0x1E0];
	v10 =	vadd.f32 v13, v14  }
0x148: {  	s0 =	simm.s32 $0x0;
	s9 =	simm.s32 $0xFC00;
	v13 =	vadd.f32 v9, v62;
	v12 =	vadd.f32 v12, v63;
	v9 =	vld [tilespmem:s12+$0x1F0]  }
.LBB2_9:
0x149: {  	v14 =	vld [tilespmem:s9+$0x1C0];
	v4 =	vadd.f32 v4, v11;
	v6 =	vadd.f32 v6, v10  }
0x14a: {  	v10 =	vld [tilespmem:s9+$0x1D0];
	v11 =	vadd.f32 v2, v13;
	v12 =	vadd.f32 v3, v12  }
0x14b: {  	v2 =	vld [tilespmem:s9+$0x180];
	v4 =	vadd.f32 v5, v4;
	v5 =	vadd.f32 v8, v6  }
0x14c: {  	v3 =	vld [tilespmem:s9+$0x190];
	v6 =	vadd.f32 v0, v11;
	v8 =	vadd.f32 v1, v12  }
0x14d: {  	v12 =	vld [tilespmem:s9+$0x140];
	v4 =	vadd.f32 v7, v4;
	v5 =	vadd.f32 v9, v5  }
0x14e: {  	v9 =	vld [tilespmem:s9+$0x150];
	v0 =	vmov v14  }
0x14f: {  	v7 =	vld [tilespmem:s9+$0x100];
	v1 =	vmov v10  }
0x150: {  	v10 =	vld [tilespmem:s9+$0x110]  }
0x151: {  	v11 =	vld [tilespmem:s9+$0xC0]  }
0x152: {  	v13 =	vld [tilespmem:s9+$0xD0]  }
0x153: {  	v14 =	vld [tilespmem:s9+$0x80]  }
0x154: {  	v15 =	vld [tilespmem:s9+$0x90]  }
0x155: {  	v16 =	vld [tilespmem:s9+$0x40]  }
0x156: {  	v17 =	vld [tilespmem:s9+$0x50]  }
0x157: {  	v18 =	vld [tilespmem:s9+$0x0]  }
0x158: {  	v19 =	vld [tilespmem:s9+$0x10]  }
0x159: {  	v20 =	vld [tilespmem:s9+$0x20]  }
0x15a: {  	s0 =	sadd.s32 $0x8, s0;
	v21 =	vld [tilespmem:s9+$0x30]  }
0x15b: {  	p0 =	slt.u32 s0, $0xC0;
	v22 =	vld [tilespmem:s9+$0x60]  }
0x15c: {  	v23 =	vld [tilespmem:s9+$0x70]  }
0x15d: {  	v24 =	vld [tilespmem:s9+$0xA0]  }
0x15e: {  	v6 =	vadd.f32 v18, v6;
	v8 =	vadd.f32 v19, v8;
	v18 =	vld [tilespmem:s9+$0xB0]  }
0x15f: {  	v4 =	vadd.f32 v20, v4;
	v5 =	vadd.f32 v21, v5;
	v19 =	vld [tilespmem:s9+$0xE0]  }
0x160: {  	v6 =	vadd.f32 v16, v6;
	v8 =	vadd.f32 v17, v8;
	v16 =	vld [tilespmem:s9+$0xF0]  }
0x161: {  	v4 =	vadd.f32 v22, v4;
	v5 =	vadd.f32 v23, v5;
	v17 =	vld [tilespmem:s9+$0x120]  }
0x162: {  	v6 =	vadd.f32 v14, v6;
	v8 =	vadd.f32 v15, v8;
	v14 =	vld [tilespmem:s9+$0x130]  }
0x163: {  	v15 =	vadd.f32 v24, v4;
	v5 =	vadd.f32 v18, v5;
	v4 =	vld [tilespmem:s9+$0x160]  }
.Ltmp3:
0x164: {  	v11 =	vadd.f32 v11, v6;
	v8 =	vadd.f32 v13, v8;
	v6 =	vld [tilespmem:s9+$0x170];
	(pc) =	sbr.rel @p0 .LBB2_9-.Ltmp3, $4  }
0x165: {  	v13 =	vadd.f32 v19, v15;
	v15 =	vadd.f32 v16, v5;
	v5 =	vld [tilespmem:s9+$0x1A0]  }
0x166: {  	v16 =	vadd.f32 v7, v11;
	v18 =	vadd.f32 v10, v8;
	v8 =	vld [tilespmem:s9+$0x1B0]  }
0x167: {  	v11 =	vadd.f32 v17, v13;
	v10 =	vadd.f32 v14, v15;
	v7 =	vld [tilespmem:s9+$0x1E0]  }
0x168: {  	v13 =	vadd.f32 v12, v16;
	v12 =	vadd.f32 v9, v18;
	v9 =	vld [tilespmem:s9+$0x1F0];
	s9 =	sadd.s32 $0x200, s9  }
0x169: {  	_ = 	snop  }
0x16a: {  	v4 =	vadd.f32 v4, v11;
	v2 =	vadd.f32 v2, v13  }
0x16b: {  	v6 =	vadd.f32 v6, v10;
	v3 =	vadd.f32 v3, v12  }
0x16c: {  	v4 =	vadd.f32 v5, v4;
	v0 =	vadd.f32 v0, v2  }
0x16d: {  	s31 =	sadd.s32 $0x1, s31;
	v60 =	vadd.f32 v8, v6;
	v1 =	vadd.f32 v1, v3  }
0x16e: {  	p0 =	sne.s32 s31, $0x20;
	v61 =	vadd.f32 v7, v4;
	v0 =	vmul.f32 $4.999999890e-03, v0  }
.Ltmp4:
0x16f: {  	v2 =	vadd.f32 v9, v60;
	v1 =	vmul.f32 $4.999999890e-03, v1;
	(pc) =	sbr.rel @p0 .LBB2_2-.Ltmp4, $4  }
0x170: {  	v62 =	vmul.f32 $4.999999890e-03, v61;
	[tilespmem:s1+$0x12CC0] =	vst v0  }
0x171: {  	v63 =	vmul.f32 $4.999999890e-03, v2;
	[tilespmem:s1+$0x12CD0] =	vst v1  }
0x172: {  	[tilespmem:s1+$0x12CE0] =	vst v62  }
0x173: {  	[tilespmem:s1+$0x12CF0] =	vst v63  }
0x174: {  	s30 =	sadd.s32 $0x1, s30  }
0x175: {  	p0 =	sne.s32 s30, s6  }
.Ltmp5:
0x176: {  	_ = 	snop;
	(pc) =	sbr.rel @p0 .LBB2_1-.Ltmp5, $4  }
0x177: {  	[hbm4b:s5+s2] =	stream.linear.scatter [tilespmem:s29], [sflag:$0x5], $0x2000, $0x38;
	[tilespmem:$0x14C00] =	vst v63  }
0x178: {  	_ =	swait.ge [sflag:s7], $0x2000  }
0x179: {  	[sflag:s7] =	ssyncset.done $0x0  }
0x17a: {  	[sflag:s7] =	ssyncadd.s32 $0xFFFFE000  }
0x17b: {  	_ =	sfence.sel $0x180000  }
0x17c: {  	[bflag:$0x0] =	sbarrier.arrive $0xFFFF  }
0x17d: {  	_ =	strace $0x90000047  }
0x17e: {  	s0 =	stileid.u32;
	[bflag:$0x2] =	sbarrier.arrive $0xFFFF  }
0x17f: {  	p0 =	sne.s32 s0, $0x0;
	s0 =	rddreg [dreg:$0x1]  }
0x180: {  	s0 =	sadd.s32 @!p0 $0x100000, s0  }
0x181: {  	[sflag:s0] =	ssyncadd.tile.s32 @!p0 $0x1;
	_ =	shalt  }
.Lfunc_end2:
_tile_overlayer_lowered:
.L_overlay_start_2:
0x182: {  	(tag) =	ssettag $0x2  }
0x183: {  	s0 =	rddreg [dreg:$0x0];
	s2 =	stileid.u32  }
0x184: {  	s1 =	rddreg [dreg:$0x1];
	p0 =	sne.s32 s2, $0x0  }
0x185: {  	s3 =	rddreg [dreg:$0x2];
	[bflag:$0x3] =	sbarrier.arrive $0xFFFF;
	s2 =	simm.s32 @!p0 $0x1C05  }
0x186: {  	[timem:s3], [sflag:s2] =	dma.local @!p0 [hbm:s0], s1  }
0x187: {  	s0 =	simm.s32 @!p0 $0x5  }
0x188: {  	_ =	swait.ge @!p0 [sflag:s0], s1  }
0x189: {  	s1 =	ssub.s32 @!p0 $0x0, s1;
	[sflag:s0] =	ssyncset.done @!p0 $0x0  }
0x18a: {  	[sflag:s0] =	ssyncadd.s32 @!p0 s1  }
0x18b: {  	[bflag:$0x3] =	sbarrier.arrive $0xFFFF  }
0x18c: {  	_ =	shalt  }

</sc_bundles>
